<compile_context>
chip_gen: v7x
topology: tpu7x:2x2x1
jax: 0.10.2.dev20260603
libtpu: 0.0.44.dev20260713+nightly
codegen_flags: <defaults>
</compile_context>

<pallas_src>
import functools

import jax
import jax.numpy as jnp
from jax import lax
from jax.experimental import pallas as pl
from jax.experimental.pallas import tpu as pltpu
from jax.experimental.pallas import tpu_sc as plsc

POOL_SIZE = 200
NUM_NEG = 20
LANES = 16
CHUNK = 128
HALF = 128
B_SHIFT = POOL_SIZE - HALF

_DIV20_MUL = 52429
_DIV20_SHIFT = 20


def _neg_log_body(p_ref, o_ref):
    o_ref[...] = -jnp.log(POOL_SIZE * p_ref[...])


def _slice_b_body(p_ref, b_ref):
    b_ref[...] = p_ref[:, B_SHIFT:POOL_SIZE]


def _make_pool_b(pool):
    rows = pool.shape[0]
    blk = 2000
    return pl.pallas_call(
        _slice_b_body,
        grid=(rows // blk,),
        in_specs=[pl.BlockSpec((blk, POOL_SIZE), lambda i: (i, 0))],
        out_specs=pl.BlockSpec((blk, HALF), lambda i: (i, 0)),
        out_shape=jax.ShapeDtypeStruct((rows, HALF), jnp.int32),
    )(pool)


@functools.cache
def _build_gather(batch):
    info = plsc.get_sparse_core_info()
    nc, ns = info.num_cores, info.num_subcores
    nw = nc * ns
    assert batch % (nw * CHUNK) == 0
    per_w = batch // nw
    out_w = per_w * NUM_NEG
    n_chunks = per_w // CHUNK
    vec_per_chunk = CHUNK * NUM_NEG // LANES

    mesh = plsc.VectorSubcoreMesh(core_axis_name="c", subcore_axis_name="s")

    @functools.partial(
        pl.kernel,
        mesh=mesh,
        compiler_params=pltpu.CompilerParams(needs_layout_passes=False),
        out_type=jax.ShapeDtypeStruct((batch * NUM_NEG,), jnp.int32),
        scratch_types=[
            pltpu.VMEM((per_w,), jnp.int32),
            pltpu.VMEM((CHUNK, HALF), jnp.int32),
            pltpu.VMEM((CHUNK, HALF), jnp.int32),
            pltpu.VMEM((CHUNK, HALF), jnp.int32),
            pltpu.VMEM((CHUNK, HALF), jnp.int32),
            pltpu.VMEM((out_w,), jnp.int32),
            pltpu.VMEM((out_w,), jnp.int32),
            pltpu.SemaphoreType.DMA,
            pltpu.SemaphoreType.DMA,
            pltpu.SemaphoreType.DMA,
            pltpu.SemaphoreType.DMA,
        ],
    )
    def gather_kernel(uid_hbm, pool_hbm, pool_b, idxk_hbm, out_hbm,
                      uid_v, buf_a0, buf_a1, buf_b0, buf_b1,
                      idx_v, out_v, sem_a0, sem_a1, sem_b0, sem_b1):
        wid = lax.axis_index("s") * nc + lax.axis_index("c")
        ubase = wid * per_w
        obase = wid * out_w
        pltpu.sync_copy(uid_hbm.at[pl.ds(ubase, per_w)], uid_v)

        bufs_a = (buf_a0, buf_a1)
        bufs_b = (buf_b0, buf_b1)
        sems_a = (sem_a0, sem_a1)
        sems_b = (sem_b0, sem_b1)

        def fire(i):
            uid_chunk = uid_v.at[pl.ds(i * CHUNK, CHUNK)]
            return (
                pltpu.async_copy(pool_hbm.at[uid_chunk, pl.ds(0, HALF)],
                                 bufs_a[i % 2], sems_a[i % 2]),
                pltpu.async_copy(pool_b.at[uid_chunk],
                                 bufs_b[i % 2], sems_b[i % 2]),
            )

        cps = fire(0)
        pltpu.sync_copy(idxk_hbm.at[pl.ds(obase, out_w)], idx_v)

        iota = lax.iota(jnp.int32, LANES)
        for i in range(n_chunks):
            nxt = fire(i + 1) if i + 1 < n_chunks else None
            for cp in cps:
                cp.wait()
            buf_a = bufs_a[i % 2]
            buf_b = bufs_b[i % 2]

            def body(c, carry):
                p = c * LANES + iota
                r = ((p * _DIV20_MUL) >> _DIV20_SHIFT) - i * CHUNK
                k = idx_v[pl.ds(c * LANES, LANES)]
                ga = plsc.load_gather(buf_a, [r, k & (HALF - 1)])
                gb = plsc.load_gather(
                    buf_b, [r, jnp.maximum(k - HALF, 0)])
                out_v[pl.ds(c * LANES, LANES)] = jnp.where(k < HALF, ga, gb)
                return carry

            lax.fori_loop(i * vec_per_chunk, (i + 1) * vec_per_chunk, body, 0)
            cps = nxt

        pltpu.sync_copy(out_v, out_hbm.at[pl.ds(obase, out_w)])

    return gather_kernel


def kernel(user_id, pool, probs_ones):
    batch = user_id.shape[0]
    idx_k = jax.random.randint(
        jax.random.key(1), (batch, NUM_NEG), 0, POOL_SIZE, dtype=jnp.int32)
    pool_b = jnp.pad(pool[:, HALF:], ((0, 0), (0, 2 * HALF - POOL_SIZE)))
    flat = _build_gather(batch)(user_id, pool, pool_b, jnp.ravel(idx_k))
    neg_items = flat.reshape(batch, NUM_NEG)
    log_neg_q = pl.pallas_call(
        _neg_log_body,
        out_shape=jax.ShapeDtypeStruct(probs_ones.shape, probs_ones.dtype),
    )(probs_ones)
    return (neg_items, log_neg_q)

# --- scband reference (transcript-rebuilt; emitter-appended) ---
"""Pipeline reference for scband-two-pass-52381421142459 (READ-ONLY COPY).

The authoritative reference and input builder live on the scoring server;
editing this copy changes nothing except your own understanding.
"""

import jax, jax.numpy as jnp
import numpy as np

NUM_USERS = 100000
NUM_ITEMS = 1000000
POOL_SIZE = 200
NUM_NEG = 20
BATCH = 16384


def setup_inputs(seed: int = 0) -> dict:
    key = jax.random.key(seed)
    k1, k2 = jax.random.split(key, 2)
    user_id = jax.random.randint(k1, (BATCH,), 0, NUM_USERS, dtype=jnp.int32)
    # pool buffer (state of the sampler), filled with item ids
    pool = jax.random.randint(k2, (NUM_USERS, POOL_SIZE), 0, NUM_ITEMS, dtype=jnp.int32)
    # stand-in for the internally-created torch.ones(batch, num_neg)
    probs_ones = jnp.ones((BATCH, NUM_NEG), dtype=jnp.float32)
    return {"user_id": user_id, "pool": pool, "probs_ones": probs_ones}


def reference(user_id, pool, probs_ones):
    batch_size = user_id.shape[0]
    # candidates = self.pool[user_id]  -> gather over the 100k x 200 pool table
    candidates = jnp.take(pool, user_id, axis=0)
    # idx_k = torch.randint(0, pool_size, (batch, num_neg))  -> deterministic key for reference
    idx_k = jax.random.randint(jax.random.key(1), (batch_size, NUM_NEG), 0, POOL_SIZE, dtype=jnp.int32)
    # torch.gather(candidates, 1, idx_k)
    neg_items = jnp.take_along_axis(candidates, idx_k, axis=1)
    # -torch.log(pool_size * ones)
    log_neg_q = -jnp.log(POOL_SIZE * probs_ones)
    return (neg_items, log_neg_q)

if __name__ == "__main__":
    import jax
    _d = setup_inputs()
    print(jax.jit(kernel)(*tuple(_d.values())))

</pallas_src>

<mosaic_0001>
#map = affine_map<(d0, d1) -> (0)>
#map1 = affine_map<(d0, d1) -> (0, 0)>
module attributes {stable_mosaic.version = 14 : i64} {
  func.func @gather_kernel(%arg0: i32, %arg1: i32, %arg2: memref<16384xi32, #tpu.memory_space<hbm>>, %arg3: memref<100000x200xi32, #tpu.memory_space<hbm>>, %arg4: memref<100000x128xi32, #tpu.memory_space<hbm>>, %arg5: memref<327680xi32, #tpu.memory_space<hbm>>, %arg6: memref<327680xi32, #tpu.memory_space<hbm>>, %arg7: memref<512xi32, #tpu.memory_space<vmem>>, %arg8: memref<128x128xi32, #tpu.memory_space<vmem>>, %arg9: memref<128x128xi32, #tpu.memory_space<vmem>>, %arg10: memref<128x128xi32, #tpu.memory_space<vmem>>, %arg11: memref<128x128xi32, #tpu.memory_space<vmem>>, %arg12: memref<10240xi32, #tpu.memory_space<vmem>>, %arg13: memref<10240xi32, #tpu.memory_space<vmem>>, %arg14: memref<!tpu.dma_semaphore, #tpu.memory_space<semaphore_mem>>, %arg15: memref<!tpu.dma_semaphore, #tpu.memory_space<semaphore_mem>>, %arg16: memref<!tpu.dma_semaphore, #tpu.memory_space<semaphore_mem>>, %arg17: memref<!tpu.dma_semaphore, #tpu.memory_space<semaphore_mem>>) attributes {dimension_semantics = [#tpu.dimension_semantics<core_parallel>, #tpu.dimension_semantics<subcore_parallel>], iteration_bounds = array<i64: 2, 16>, scalar_prefetch = 0 : i64, scratch_operands = 11 : i64, tpu.core_type = #tpu.core_type<sc_vector_subcore>, window_params = [{transform_indices = #map}, {transform_indices = #map1}, {transform_indices = #map1}, {transform_indices = #map}, {transform_indices = #map}]} {
    %mul3A = arith.constant 2 : i32
    %mul3A_0 = arith.muli %arg1, %mul3A : i32
    %add3A = arith.addi %mul3A_0, %arg0 : i32
    %mul3A_1 = arith.constant 512 : i32
    %mul3A_2 = arith.muli %add3A, %mul3A_1 : i32
    %mul3A_3 = arith.constant 10240 : i32
    %mul3A_4 = arith.muli %add3A, %mul3A_3 : i32
    "tpu.region"() ({
      %run_scoped3A = tpu.sem_alloc : memref<!tpu.dma_semaphore, #tpu.memory_space<semaphore_mem>>
      %dma_start3A_106 = tpu.memref_slice %arg2[%mul3A_2] : memref<16384xi32, #tpu.memory_space<hbm>> -> memref<512xi32, #tpu.memory_space<hbm>>
      %dma_start3A_107 = tpu.memref_slice %arg2[%mul3A_2] : memref<16384xi32, #tpu.memory_space<hbm>> -> memref<512xi32, #tpu.memory_space<hbm>>
      tpu.enqueue_dma source(%dma_start3A_107 : memref<512xi32, #tpu.memory_space<hbm>>) target(%arg7 : memref<512xi32, #tpu.memory_space<vmem>>) target_semaphore(%run_scoped3A : memref<!tpu.dma_semaphore, #tpu.memory_space<semaphore_mem>>)
      %dma_wait3A_108 = tpu.memref_slice %arg2[%mul3A_2] : memref<16384xi32, #tpu.memory_space<hbm>> -> memref<512xi32, #tpu.memory_space<hbm>>
      %dma_wait3A_109 = tpu.memref_slice %arg2[%mul3A_2] : memref<16384xi32, #tpu.memory_space<hbm>> -> memref<512xi32, #tpu.memory_space<hbm>>
      tpu.wait_dma2 semaphore(%run_scoped3A : memref<!tpu.dma_semaphore, #tpu.memory_space<semaphore_mem>>) src(%dma_wait3A_109 : memref<512xi32, #tpu.memory_space<hbm>>) dst(%arg7 : memref<512xi32, #tpu.memory_space<vmem>>)
      tpu.yield
    }) : () -> ()
    %dma_start3A = arith.constant 0 : i32
    %dma_start3A_5 = tpu.memref_slice %arg7[%dma_start3A] : memref<512xi32, #tpu.memory_space<vmem>> -> memref<128xi32, #tpu.memory_space<vmem>>
    %dma_start3A_6 = arith.constant 0 : i32
    %dma_start3A_7 = arith.constant 0 : i32
    %dma_start3A_8 = tpu.memref_slice %arg3[%dma_start3A_6, %dma_start3A_7] : memref<100000x200xi32, #tpu.memory_space<hbm>> -> memref<100000x128xi32, #tpu.memory_space<hbm>>
    tpu.enqueue_indirect_dma source(%dma_start3A_8 : memref<100000x128xi32, #tpu.memory_space<hbm>>) target(%arg8 : memref<128x128xi32, #tpu.memory_space<vmem>>) offsets(%dma_start3A_5 : memref<128xi32, #tpu.memory_space<vmem>>) semaphore(%arg14 : memref<!tpu.dma_semaphore, #tpu.memory_space<semaphore_mem>>)
    %dma_start3A_9 = arith.constant 0 : i32
    %dma_start3A_10 = tpu.memref_slice %arg7[%dma_start3A_9] : memref<512xi32, #tpu.memory_space<vmem>> -> memref<128xi32, #tpu.memory_space<vmem>>
    %dma_start3A_11 = arith.constant 0 : i32
    %dma_start3A_12 = arith.constant 0 : i32
    %dma_start3A_13 = tpu.memref_slice %arg4[%dma_start3A_11, %dma_start3A_12] : memref<100000x128xi32, #tpu.memory_space<hbm>> -> memref<100000x128xi32, #tpu.memory_space<hbm>>
    tpu.enqueue_indirect_dma source(%dma_start3A_13 : memref<100000x128xi32, #tpu.memory_space<hbm>>) target(%arg10 : memref<128x128xi32, #tpu.memory_space<vmem>>) offsets(%dma_start3A_10 : memref<128xi32, #tpu.memory_space<vmem>>) semaphore(%arg16 : memref<!tpu.dma_semaphore, #tpu.memory_space<semaphore_mem>>)
    "tpu.region"() ({
      %run_scoped3A = tpu.sem_alloc : memref<!tpu.dma_semaphore, #tpu.memory_space<semaphore_mem>>
      %dma_start3A_106 = tpu.memref_slice %arg5[%mul3A_4] : memref<327680xi32, #tpu.memory_space<hbm>> -> memref<10240xi32, #tpu.memory_space<hbm>>
      %dma_start3A_107 = tpu.memref_slice %arg5[%mul3A_4] : memref<327680xi32, #tpu.memory_space<hbm>> -> memref<10240xi32, #tpu.memory_space<hbm>>
      tpu.enqueue_dma source(%dma_start3A_107 : memref<10240xi32, #tpu.memory_space<hbm>>) target(%arg12 : memref<10240xi32, #tpu.memory_space<vmem>>) target_semaphore(%run_scoped3A : memref<!tpu.dma_semaphore, #tpu.memory_space<semaphore_mem>>)
      %dma_wait3A_108 = tpu.memref_slice %arg5[%mul3A_4] : memref<327680xi32, #tpu.memory_space<hbm>> -> memref<10240xi32, #tpu.memory_space<hbm>>
      %dma_wait3A_109 = tpu.memref_slice %arg5[%mul3A_4] : memref<327680xi32, #tpu.memory_space<hbm>> -> memref<10240xi32, #tpu.memory_space<hbm>>
      tpu.wait_dma2 semaphore(%run_scoped3A : memref<!tpu.dma_semaphore, #tpu.memory_space<semaphore_mem>>) src(%dma_wait3A_109 : memref<10240xi32, #tpu.memory_space<hbm>>) dst(%arg12 : memref<10240xi32, #tpu.memory_space<vmem>>)
      tpu.yield
    }) : () -> ()
    %iota3A = tpu.iota {dimensions = array<i32: 0>} : vector<16xi32>
    %dma_start3A_14 = arith.constant 128 : i32
    %dma_start3A_15 = tpu.memref_slice %arg7[%dma_start3A_14] : memref<512xi32, #tpu.memory_space<vmem>> -> memref<128xi32, #tpu.memory_space<vmem>>
    %dma_start3A_16 = arith.constant 0 : i32
    %dma_start3A_17 = arith.constant 0 : i32
    %dma_start3A_18 = tpu.memref_slice %arg3[%dma_start3A_16, %dma_start3A_17] : memref<100000x200xi32, #tpu.memory_space<hbm>> -> memref<100000x128xi32, #tpu.memory_space<hbm>>
    tpu.enqueue_indirect_dma source(%dma_start3A_18 : memref<100000x128xi32, #tpu.memory_space<hbm>>) target(%arg9 : memref<128x128xi32, #tpu.memory_space<vmem>>) offsets(%dma_start3A_15 : memref<128xi32, #tpu.memory_space<vmem>>) semaphore(%arg15 : memref<!tpu.dma_semaphore, #tpu.memory_space<semaphore_mem>>)
    %dma_start3A_19 = arith.constant 128 : i32
    %dma_start3A_20 = tpu.memref_slice %arg7[%dma_start3A_19] : memref<512xi32, #tpu.memory_space<vmem>> -> memref<128xi32, #tpu.memory_space<vmem>>
    %dma_start3A_21 = arith.constant 0 : i32
    %dma_start3A_22 = arith.constant 0 : i32
    %dma_start3A_23 = tpu.memref_slice %arg4[%dma_start3A_21, %dma_start3A_22] : memref<100000x128xi32, #tpu.memory_space<hbm>> -> memref<100000x128xi32, #tpu.memory_space<hbm>>
    tpu.enqueue_indirect_dma source(%dma_start3A_23 : memref<100000x128xi32, #tpu.memory_space<hbm>>) target(%arg11 : memref<128x128xi32, #tpu.memory_space<vmem>>) offsets(%dma_start3A_20 : memref<128xi32, #tpu.memory_space<vmem>>) semaphore(%arg17 : memref<!tpu.dma_semaphore, #tpu.memory_space<semaphore_mem>>)
    %dma_wait3A = arith.constant 0 : i32
    %dma_wait3A_24 = tpu.memref_slice %arg7[%dma_wait3A] : memref<512xi32, #tpu.memory_space<vmem>> -> memref<128xi32, #tpu.memory_space<vmem>>
    %dma_wait3A_25 = arith.constant 0 : i32
    %dma_wait3A_26 = arith.constant 0 : i32
    %dma_wait3A_27 = tpu.memref_slice %arg3[%dma_wait3A_25, %dma_wait3A_26] : memref<100000x200xi32, #tpu.memory_space<hbm>> -> memref<100000x128xi32, #tpu.memory_space<hbm>>
    tpu.wait_indirect_dma semaphore(%arg14 : memref<!tpu.dma_semaphore, #tpu.memory_space<semaphore_mem>>) src(%dma_wait3A_27 : memref<100000x128xi32, #tpu.memory_space<hbm>>) dst(%arg8 : memref<128x128xi32, #tpu.memory_space<vmem>>)
    %dma_wait3A_28 = arith.constant 0 : i32
    %dma_wait3A_29 = tpu.memref_slice %arg7[%dma_wait3A_28] : memref<512xi32, #tpu.memory_space<vmem>> -> memref<128xi32, #tpu.memory_space<vmem>>
    %dma_wait3A_30 = arith.constant 0 : i32
    %dma_wait3A_31 = arith.constant 0 : i32
    %dma_wait3A_32 = tpu.memref_slice %arg4[%dma_wait3A_30, %dma_wait3A_31] : memref<100000x128xi32, #tpu.memory_space<hbm>> -> memref<100000x128xi32, #tpu.memory_space<hbm>>
    tpu.wait_indirect_dma semaphore(%arg16 : memref<!tpu.dma_semaphore, #tpu.memory_space<semaphore_mem>>) src(%dma_wait3A_32 : memref<100000x128xi32, #tpu.memory_space<hbm>>) dst(%arg10 : memref<128x128xi32, #tpu.memory_space<vmem>>)
    %scan3A = arith.constant 0 : i32
    %scan3A_33 = arith.constant 0 : i32
    %scan3A_34 = arith.constant 160 : i32
    %scan3A_35 = arith.addi %scan3A_33, %scan3A_34 : i32
    %scan3A_36 = arith.constant 1 : i32
    scf.for %scan3A_106 = %scan3A_33 to %scan3A_35 step %scan3A_36  : i32 {
      %mul3A_107 = arith.constant 16 : i32
      %mul3A_108 = arith.muli %scan3A_106, %mul3A_107 : i32
      %add3A_109 = vector.broadcast %mul3A_108 : i32 to vector<16xi32>
      %add3A_110 = arith.addi %add3A_109, %iota3A : vector<16xi32>
      %mul3A_111 = arith.constant 52429 : i32
      %mul3A_112 = vector.broadcast %mul3A_111 : i32 to vector<16xi32>
      %mul3A_113 = arith.muli %add3A_110, %mul3A_112 : vector<16xi32>
      %shift_right_arithmetic3A = arith.constant 20 : i32
      %shift_right_arithmetic3A_114 = vector.broadcast %shift_right_arithmetic3A : i32 to vector<16xi32>
      %shift_right_arithmetic3A_115 = arith.shrsi %mul3A_113, %shift_right_arithmetic3A_114 : vector<16xi32>
      %sub3A = arith.constant 0 : i32
      %sub3A_116 = vector.broadcast %sub3A : i32 to vector<16xi32>
      %sub3A_117 = arith.subi %shift_right_arithmetic3A_115, %sub3A_116 : vector<16xi32>
      %mul3A_118 = arith.constant 16 : i32
      %mul3A_119 = arith.muli %scan3A_106, %mul3A_118 : i32
      %get3A = arith.index_cast %mul3A_119 : i32 to index
      %get3A_120 = tpu.vector_load %arg12[%get3A] {strides = array<i32>} : memref<10240xi32, #tpu.memory_space<vmem>>, vector<16xi32>,
      %and3A = arith.constant 127 : i32
      %and3A_121 = vector.broadcast %and3A : i32 to vector<16xi32>
      %and3A_122 = arith.andi %get3A_120, %and3A_121 : vector<16xi32>
      %gather3A = tpu.vector_load_idx %arg8[%sub3A_117, %and3A_122] : memref<128x128xi32, #tpu.memory_space<vmem>>[vector<16xi32>, vector<16xi32>], vector<16xi32>,
      %sub3A_123 = arith.constant 128 : i32
      %sub3A_124 = vector.broadcast %sub3A_123 : i32 to vector<16xi32>
      %sub3A_125 = arith.subi %get3A_120, %sub3A_124 : vector<16xi32>
      %max3A = arith.constant 0 : i32
      %max3A_126 = vector.broadcast %max3A : i32 to vector<16xi32>
      %max3A_127 = arith.maxsi %sub3A_125, %max3A_126 : vector<16xi32>
      %gather3A_128 = tpu.vector_load_idx %arg10[%sub3A_117, %max3A_127] : memref<128x128xi32, #tpu.memory_space<vmem>>[vector<16xi32>, vector<16xi32>], vector<16xi32>,
      %lt3A = arith.constant 128 : i32
      %lt3A_129 = vector.broadcast %lt3A : i32 to vector<16xi32>
      %lt3A_130 = arith.cmpi slt, %get3A_120, %lt3A_129 : vector<16xi32>
      %select_n3A = arith.select %lt3A_130, %gather3A, %gather3A_128 : vector<16xi1>, vector<16xi32>
      %mul3A_131 = arith.constant 16 : i32
      %mul3A_132 = arith.muli %scan3A_106, %mul3A_131 : i32
      %swap3A = arith.index_cast %mul3A_132 : i32 to index
      %swap3A_133 = tpu.vector_load %arg13[%swap3A] {strides = array<i32>} : memref<10240xi32, #tpu.memory_space<vmem>>, vector<16xi32>,
      tpu.vector_store %arg13[%swap3A], %select_n3A {strides = array<i32>} : memref<10240xi32, #tpu.memory_space<vmem>>, vector<16xi32>,
    }
    %scan3A_37 = arith.constant 160 : i32
    %dma_start3A_38 = arith.constant 256 : i32
    %dma_start3A_39 = tpu.memref_slice %arg7[%dma_start3A_38] : memref<512xi32, #tpu.memory_space<vmem>> -> memref<128xi32, #tpu.memory_space<vmem>>
    %dma_start3A_40 = arith.constant 0 : i32
    %dma_start3A_41 = arith.constant 0 : i32
    %dma_start3A_42 = tpu.memref_slice %arg3[%dma_start3A_40, %dma_start3A_41] : memref<100000x200xi32, #tpu.memory_space<hbm>> -> memref<100000x128xi32, #tpu.memory_space<hbm>>
    tpu.enqueue_indirect_dma source(%dma_start3A_42 : memref<100000x128xi32, #tpu.memory_space<hbm>>) target(%arg8 : memref<128x128xi32, #tpu.memory_space<vmem>>) offsets(%dma_start3A_39 : memref<128xi32, #tpu.memory_space<vmem>>) semaphore(%arg14 : memref<!tpu.dma_semaphore, #tpu.memory_space<semaphore_mem>>)
    %dma_start3A_43 = arith.constant 256 : i32
    %dma_start3A_44 = tpu.memref_slice %arg7[%dma_start3A_43] : memref<512xi32, #tpu.memory_space<vmem>> -> memref<128xi32, #tpu.memory_space<vmem>>
    %dma_start3A_45 = arith.constant 0 : i32
    %dma_start3A_46 = arith.constant 0 : i32
    %dma_start3A_47 = tpu.memref_slice %arg4[%dma_start3A_45, %dma_start3A_46] : memref<100000x128xi32, #tpu.memory_space<hbm>> -> memref<100000x128xi32, #tpu.memory_space<hbm>>
    tpu.enqueue_indirect_dma source(%dma_start3A_47 : memref<100000x128xi32, #tpu.memory_space<hbm>>) target(%arg10 : memref<128x128xi32, #tpu.memory_space<vmem>>) offsets(%dma_start3A_44 : memref<128xi32, #tpu.memory_space<vmem>>) semaphore(%arg16 : memref<!tpu.dma_semaphore, #tpu.memory_space<semaphore_mem>>)
    %dma_wait3A_48 = arith.constant 128 : i32
    %dma_wait3A_49 = tpu.memref_slice %arg7[%dma_wait3A_48] : memref<512xi32, #tpu.memory_space<vmem>> -> memref<128xi32, #tpu.memory_space<vmem>>
    %dma_wait3A_50 = arith.constant 0 : i32
    %dma_wait3A_51 = arith.constant 0 : i32
    %dma_wait3A_52 = tpu.memref_slice %arg3[%dma_wait3A_50, %dma_wait3A_51] : memref<100000x200xi32, #tpu.memory_space<hbm>> -> memref<100000x128xi32, #tpu.memory_space<hbm>>
    tpu.wait_indirect_dma semaphore(%arg15 : memref<!tpu.dma_semaphore, #tpu.memory_space<semaphore_mem>>) src(%dma_wait3A_52 : memref<100000x128xi32, #tpu.memory_space<hbm>>) dst(%arg9 : memref<128x128xi32, #tpu.memory_space<vmem>>)
    %dma_wait3A_53 = arith.constant 128 : i32
    %dma_wait3A_54 = tpu.memref_slice %arg7[%dma_wait3A_53] : memref<512xi32, #tpu.memory_space<vmem>> -> memref<128xi32, #tpu.memory_space<vmem>>
    %dma_wait3A_55 = arith.constant 0 : i32
    %dma_wait3A_56 = arith.constant 0 : i32
    %dma_wait3A_57 = tpu.memref_slice %arg4[%dma_wait3A_55, %dma_wait3A_56] : memref<100000x128xi32, #tpu.memory_space<hbm>> -> memref<100000x128xi32, #tpu.memory_space<hbm>>
    tpu.wait_indirect_dma semaphore(%arg17 : memref<!tpu.dma_semaphore, #tpu.memory_space<semaphore_mem>>) src(%dma_wait3A_57 : memref<100000x128xi32, #tpu.memory_space<hbm>>) dst(%arg11 : memref<128x128xi32, #tpu.memory_space<vmem>>)
    %scan3A_58 = arith.constant 0 : i32
    %scan3A_59 = arith.constant 160 : i32
    %scan3A_60 = arith.constant 160 : i32
    %scan3A_61 = arith.addi %scan3A_59, %scan3A_60 : i32
    %scan3A_62 = arith.constant 1 : i32
    scf.for %scan3A_106 = %scan3A_59 to %scan3A_61 step %scan3A_62  : i32 {
      %mul3A_107 = arith.constant 16 : i32
      %mul3A_108 = arith.muli %scan3A_106, %mul3A_107 : i32
      %add3A_109 = vector.broadcast %mul3A_108 : i32 to vector<16xi32>
      %add3A_110 = arith.addi %add3A_109, %iota3A : vector<16xi32>
      %mul3A_111 = arith.constant 52429 : i32
      %mul3A_112 = vector.broadcast %mul3A_111 : i32 to vector<16xi32>
      %mul3A_113 = arith.muli %add3A_110, %mul3A_112 : vector<16xi32>
      %shift_right_arithmetic3A = arith.constant 20 : i32
      %shift_right_arithmetic3A_114 = vector.broadcast %shift_right_arithmetic3A : i32 to vector<16xi32>
      %shift_right_arithmetic3A_115 = arith.shrsi %mul3A_113, %shift_right_arithmetic3A_114 : vector<16xi32>
      %sub3A = arith.constant 128 : i32
      %sub3A_116 = vector.broadcast %sub3A : i32 to vector<16xi32>
      %sub3A_117 = arith.subi %shift_right_arithmetic3A_115, %sub3A_116 : vector<16xi32>
      %mul3A_118 = arith.constant 16 : i32
      %mul3A_119 = arith.muli %scan3A_106, %mul3A_118 : i32
      %get3A = arith.index_cast %mul3A_119 : i32 to index
      %get3A_120 = tpu.vector_load %arg12[%get3A] {strides = array<i32>} : memref<10240xi32, #tpu.memory_space<vmem>>, vector<16xi32>,
      %and3A = arith.constant 127 : i32
      %and3A_121 = vector.broadcast %and3A : i32 to vector<16xi32>
      %and3A_122 = arith.andi %get3A_120, %and3A_121 : vector<16xi32>
      %gather3A = tpu.vector_load_idx %arg9[%sub3A_117, %and3A_122] : memref<128x128xi32, #tpu.memory_space<vmem>>[vector<16xi32>, vector<16xi32>], vector<16xi32>,
      %sub3A_123 = arith.constant 128 : i32
      %sub3A_124 = vector.broadcast %sub3A_123 : i32 to vector<16xi32>
      %sub3A_125 = arith.subi %get3A_120, %sub3A_124 : vector<16xi32>
      %max3A = arith.constant 0 : i32
      %max3A_126 = vector.broadcast %max3A : i32 to vector<16xi32>
      %max3A_127 = arith.maxsi %sub3A_125, %max3A_126 : vector<16xi32>
      %gather3A_128 = tpu.vector_load_idx %arg11[%sub3A_117, %max3A_127] : memref<128x128xi32, #tpu.memory_space<vmem>>[vector<16xi32>, vector<16xi32>], vector<16xi32>,
      %lt3A = arith.constant 128 : i32
      %lt3A_129 = vector.broadcast %lt3A : i32 to vector<16xi32>
      %lt3A_130 = arith.cmpi slt, %get3A_120, %lt3A_129 : vector<16xi32>
      %select_n3A = arith.select %lt3A_130, %gather3A, %gather3A_128 : vector<16xi1>, vector<16xi32>
      %mul3A_131 = arith.constant 16 : i32
      %mul3A_132 = arith.muli %scan3A_106, %mul3A_131 : i32
      %swap3A = arith.index_cast %mul3A_132 : i32 to index
      %swap3A_133 = tpu.vector_load %arg13[%swap3A] {strides = array<i32>} : memref<10240xi32, #tpu.memory_space<vmem>>, vector<16xi32>,
      tpu.vector_store %arg13[%swap3A], %select_n3A {strides = array<i32>} : memref<10240xi32, #tpu.memory_space<vmem>>, vector<16xi32>,
    }
    %scan3A_63 = arith.constant 160 : i32
    %dma_start3A_64 = arith.constant 384 : i32
    %dma_start3A_65 = tpu.memref_slice %arg7[%dma_start3A_64] : memref<512xi32, #tpu.memory_space<vmem>> -> memref<128xi32, #tpu.memory_space<vmem>>
    %dma_start3A_66 = arith.constant 0 : i32
    %dma_start3A_67 = arith.constant 0 : i32
    %dma_start3A_68 = tpu.memref_slice %arg3[%dma_start3A_66, %dma_start3A_67] : memref<100000x200xi32, #tpu.memory_space<hbm>> -> memref<100000x128xi32, #tpu.memory_space<hbm>>
    tpu.enqueue_indirect_dma source(%dma_start3A_68 : memref<100000x128xi32, #tpu.memory_space<hbm>>) target(%arg9 : memref<128x128xi32, #tpu.memory_space<vmem>>) offsets(%dma_start3A_65 : memref<128xi32, #tpu.memory_space<vmem>>) semaphore(%arg15 : memref<!tpu.dma_semaphore, #tpu.memory_space<semaphore_mem>>)
    %dma_start3A_69 = arith.constant 384 : i32
    %dma_start3A_70 = tpu.memref_slice %arg7[%dma_start3A_69] : memref<512xi32, #tpu.memory_space<vmem>> -> memref<128xi32, #tpu.memory_space<vmem>>
    %dma_start3A_71 = arith.constant 0 : i32
    %dma_start3A_72 = arith.constant 0 : i32
    %dma_start3A_73 = tpu.memref_slice %arg4[%dma_start3A_71, %dma_start3A_72] : memref<100000x128xi32, #tpu.memory_space<hbm>> -> memref<100000x128xi32, #tpu.memory_space<hbm>>
    tpu.enqueue_indirect_dma source(%dma_start3A_73 : memref<100000x128xi32, #tpu.memory_space<hbm>>) target(%arg11 : memref<128x128xi32, #tpu.memory_space<vmem>>) offsets(%dma_start3A_70 : memref<128xi32, #tpu.memory_space<vmem>>) semaphore(%arg17 : memref<!tpu.dma_semaphore, #tpu.memory_space<semaphore_mem>>)
    %dma_wait3A_74 = arith.constant 256 : i32
    %dma_wait3A_75 = tpu.memref_slice %arg7[%dma_wait3A_74] : memref<512xi32, #tpu.memory_space<vmem>> -> memref<128xi32, #tpu.memory_space<vmem>>
    %dma_wait3A_76 = arith.constant 0 : i32
    %dma_wait3A_77 = arith.constant 0 : i32
    %dma_wait3A_78 = tpu.memref_slice %arg3[%dma_wait3A_76, %dma_wait3A_77] : memref<100000x200xi32, #tpu.memory_space<hbm>> -> memref<100000x128xi32, #tpu.memory_space<hbm>>
    tpu.wait_indirect_dma semaphore(%arg14 : memref<!tpu.dma_semaphore, #tpu.memory_space<semaphore_mem>>) src(%dma_wait3A_78 : memref<100000x128xi32, #tpu.memory_space<hbm>>) dst(%arg8 : memref<128x128xi32, #tpu.memory_space<vmem>>)
    %dma_wait3A_79 = arith.constant 256 : i32
    %dma_wait3A_80 = tpu.memref_slice %arg7[%dma_wait3A_79] : memref<512xi32, #tpu.memory_space<vmem>> -> memref<128xi32, #tpu.memory_space<vmem>>
    %dma_wait3A_81 = arith.constant 0 : i32
    %dma_wait3A_82 = arith.constant 0 : i32
    %dma_wait3A_83 = tpu.memref_slice %arg4[%dma_wait3A_81, %dma_wait3A_82] : memref<100000x128xi32, #tpu.memory_space<hbm>> -> memref<100000x128xi32, #tpu.memory_space<hbm>>
    tpu.wait_indirect_dma semaphore(%arg16 : memref<!tpu.dma_semaphore, #tpu.memory_space<semaphore_mem>>) src(%dma_wait3A_83 : memref<100000x128xi32, #tpu.memory_space<hbm>>) dst(%arg10 : memref<128x128xi32, #tpu.memory_space<vmem>>)
    %scan3A_84 = arith.constant 0 : i32
    %scan3A_85 = arith.constant 320 : i32
    %scan3A_86 = arith.constant 160 : i32
    %scan3A_87 = arith.addi %scan3A_85, %scan3A_86 : i32
    %scan3A_88 = arith.constant 1 : i32
    scf.for %scan3A_106 = %scan3A_85 to %scan3A_87 step %scan3A_88  : i32 {
      %mul3A_107 = arith.constant 16 : i32
      %mul3A_108 = arith.muli %scan3A_106, %mul3A_107 : i32
      %add3A_109 = vector.broadcast %mul3A_108 : i32 to vector<16xi32>
      %add3A_110 = arith.addi %add3A_109, %iota3A : vector<16xi32>
      %mul3A_111 = arith.constant 52429 : i32
      %mul3A_112 = vector.broadcast %mul3A_111 : i32 to vector<16xi32>
      %mul3A_113 = arith.muli %add3A_110, %mul3A_112 : vector<16xi32>
      %shift_right_arithmetic3A = arith.constant 20 : i32
      %shift_right_arithmetic3A_114 = vector.broadcast %shift_right_arithmetic3A : i32 to vector<16xi32>
      %shift_right_arithmetic3A_115 = arith.shrsi %mul3A_113, %shift_right_arithmetic3A_114 : vector<16xi32>
      %sub3A = arith.constant 256 : i32
      %sub3A_116 = vector.broadcast %sub3A : i32 to vector<16xi32>
      %sub3A_117 = arith.subi %shift_right_arithmetic3A_115, %sub3A_116 : vector<16xi32>
      %mul3A_118 = arith.constant 16 : i32
      %mul3A_119 = arith.muli %scan3A_106, %mul3A_118 : i32
      %get3A = arith.index_cast %mul3A_119 : i32 to index
      %get3A_120 = tpu.vector_load %arg12[%get3A] {strides = array<i32>} : memref<10240xi32, #tpu.memory_space<vmem>>, vector<16xi32>,
      %and3A = arith.constant 127 : i32
      %and3A_121 = vector.broadcast %and3A : i32 to vector<16xi32>
      %and3A_122 = arith.andi %get3A_120, %and3A_121 : vector<16xi32>
      %gather3A = tpu.vector_load_idx %arg8[%sub3A_117, %and3A_122] : memref<128x128xi32, #tpu.memory_space<vmem>>[vector<16xi32>, vector<16xi32>], vector<16xi32>,
      %sub3A_123 = arith.constant 128 : i32
      %sub3A_124 = vector.broadcast %sub3A_123 : i32 to vector<16xi32>
      %sub3A_125 = arith.subi %get3A_120, %sub3A_124 : vector<16xi32>
      %max3A = arith.constant 0 : i32
      %max3A_126 = vector.broadcast %max3A : i32 to vector<16xi32>
      %max3A_127 = arith.maxsi %sub3A_125, %max3A_126 : vector<16xi32>
      %gather3A_128 = tpu.vector_load_idx %arg10[%sub3A_117, %max3A_127] : memref<128x128xi32, #tpu.memory_space<vmem>>[vector<16xi32>, vector<16xi32>], vector<16xi32>,
      %lt3A = arith.constant 128 : i32
      %lt3A_129 = vector.broadcast %lt3A : i32 to vector<16xi32>
      %lt3A_130 = arith.cmpi slt, %get3A_120, %lt3A_129 : vector<16xi32>
      %select_n3A = arith.select %lt3A_130, %gather3A, %gather3A_128 : vector<16xi1>, vector<16xi32>
      %mul3A_131 = arith.constant 16 : i32
      %mul3A_132 = arith.muli %scan3A_106, %mul3A_131 : i32
      %swap3A = arith.index_cast %mul3A_132 : i32 to index
      %swap3A_133 = tpu.vector_load %arg13[%swap3A] {strides = array<i32>} : memref<10240xi32, #tpu.memory_space<vmem>>, vector<16xi32>,
      tpu.vector_store %arg13[%swap3A], %select_n3A {strides = array<i32>} : memref<10240xi32, #tpu.memory_space<vmem>>, vector<16xi32>,
    }
    %scan3A_89 = arith.constant 160 : i32
    %dma_wait3A_90 = arith.constant 384 : i32
    %dma_wait3A_91 = tpu.memref_slice %arg7[%dma_wait3A_90] : memref<512xi32, #tpu.memory_space<vmem>> -> memref<128xi32, #tpu.memory_space<vmem>>
    %dma_wait3A_92 = arith.constant 0 : i32
    %dma_wait3A_93 = arith.constant 0 : i32
    %dma_wait3A_94 = tpu.memref_slice %arg3[%dma_wait3A_92, %dma_wait3A_93] : memref<100000x200xi32, #tpu.memory_space<hbm>> -> memref<100000x128xi32, #tpu.memory_space<hbm>>
    tpu.wait_indirect_dma semaphore(%arg15 : memref<!tpu.dma_semaphore, #tpu.memory_space<semaphore_mem>>) src(%dma_wait3A_94 : memref<100000x128xi32, #tpu.memory_space<hbm>>) dst(%arg9 : memref<128x128xi32, #tpu.memory_space<vmem>>)
    %dma_wait3A_95 = arith.constant 384 : i32
    %dma_wait3A_96 = tpu.memref_slice %arg7[%dma_wait3A_95] : memref<512xi32, #tpu.memory_space<vmem>> -> memref<128xi32, #tpu.memory_space<vmem>>
    %dma_wait3A_97 = arith.constant 0 : i32
    %dma_wait3A_98 = arith.constant 0 : i32
    %dma_wait3A_99 = tpu.memref_slice %arg4[%dma_wait3A_97, %dma_wait3A_98] : memref<100000x128xi32, #tpu.memory_space<hbm>> -> memref<100000x128xi32, #tpu.memory_space<hbm>>
    tpu.wait_indirect_dma semaphore(%arg17 : memref<!tpu.dma_semaphore, #tpu.memory_space<semaphore_mem>>) src(%dma_wait3A_99 : memref<100000x128xi32, #tpu.memory_space<hbm>>) dst(%arg11 : memref<128x128xi32, #tpu.memory_space<vmem>>)
    %scan3A_100 = arith.constant 0 : i32
    %scan3A_101 = arith.constant 480 : i32
    %scan3A_102 = arith.constant 160 : i32
    %scan3A_103 = arith.addi %scan3A_101, %scan3A_102 : i32
    %scan3A_104 = arith.constant 1 : i32
    scf.for %scan3A_106 = %scan3A_101 to %scan3A_103 step %scan3A_104  : i32 {
      %mul3A_107 = arith.constant 16 : i32
      %mul3A_108 = arith.muli %scan3A_106, %mul3A_107 : i32
      %add3A_109 = vector.broadcast %mul3A_108 : i32 to vector<16xi32>
      %add3A_110 = arith.addi %add3A_109, %iota3A : vector<16xi32>
      %mul3A_111 = arith.constant 52429 : i32
      %mul3A_112 = vector.broadcast %mul3A_111 : i32 to vector<16xi32>
      %mul3A_113 = arith.muli %add3A_110, %mul3A_112 : vector<16xi32>
      %shift_right_arithmetic3A = arith.constant 20 : i32
      %shift_right_arithmetic3A_114 = vector.broadcast %shift_right_arithmetic3A : i32 to vector<16xi32>
      %shift_right_arithmetic3A_115 = arith.shrsi %mul3A_113, %shift_right_arithmetic3A_114 : vector<16xi32>
      %sub3A = arith.constant 384 : i32
      %sub3A_116 = vector.broadcast %sub3A : i32 to vector<16xi32>
      %sub3A_117 = arith.subi %shift_right_arithmetic3A_115, %sub3A_116 : vector<16xi32>
      %mul3A_118 = arith.constant 16 : i32
      %mul3A_119 = arith.muli %scan3A_106, %mul3A_118 : i32
      %get3A = arith.index_cast %mul3A_119 : i32 to index
      %get3A_120 = tpu.vector_load %arg12[%get3A] {strides = array<i32>} : memref<10240xi32, #tpu.memory_space<vmem>>, vector<16xi32>,
      %and3A = arith.constant 127 : i32
      %and3A_121 = vector.broadcast %and3A : i32 to vector<16xi32>
      %and3A_122 = arith.andi %get3A_120, %and3A_121 : vector<16xi32>
      %gather3A = tpu.vector_load_idx %arg9[%sub3A_117, %and3A_122] : memref<128x128xi32, #tpu.memory_space<vmem>>[vector<16xi32>, vector<16xi32>], vector<16xi32>,
      %sub3A_123 = arith.constant 128 : i32
      %sub3A_124 = vector.broadcast %sub3A_123 : i32 to vector<16xi32>
      %sub3A_125 = arith.subi %get3A_120, %sub3A_124 : vector<16xi32>
      %max3A = arith.constant 0 : i32
      %max3A_126 = vector.broadcast %max3A : i32 to vector<16xi32>
      %max3A_127 = arith.maxsi %sub3A_125, %max3A_126 : vector<16xi32>
      %gather3A_128 = tpu.vector_load_idx %arg11[%sub3A_117, %max3A_127] : memref<128x128xi32, #tpu.memory_space<vmem>>[vector<16xi32>, vector<16xi32>], vector<16xi32>,
      %lt3A = arith.constant 128 : i32
      %lt3A_129 = vector.broadcast %lt3A : i32 to vector<16xi32>
      %lt3A_130 = arith.cmpi slt, %get3A_120, %lt3A_129 : vector<16xi32>
      %select_n3A = arith.select %lt3A_130, %gather3A, %gather3A_128 : vector<16xi1>, vector<16xi32>
      %mul3A_131 = arith.constant 16 : i32
      %mul3A_132 = arith.muli %scan3A_106, %mul3A_131 : i32
      %swap3A = arith.index_cast %mul3A_132 : i32 to index
      %swap3A_133 = tpu.vector_load %arg13[%swap3A] {strides = array<i32>} : memref<10240xi32, #tpu.memory_space<vmem>>, vector<16xi32>,
      tpu.vector_store %arg13[%swap3A], %select_n3A {strides = array<i32>} : memref<10240xi32, #tpu.memory_space<vmem>>, vector<16xi32>,
    }
    %scan3A_105 = arith.constant 160 : i32
    "tpu.region"() ({
      %run_scoped3A = tpu.sem_alloc : memref<!tpu.dma_semaphore, #tpu.memory_space<semaphore_mem>>
      %dma_start3A_106 = tpu.memref_slice %arg6[%mul3A_4] : memref<327680xi32, #tpu.memory_space<hbm>> -> memref<10240xi32, #tpu.memory_space<hbm>>
      %dma_start3A_107 = tpu.memref_slice %arg6[%mul3A_4] : memref<327680xi32, #tpu.memory_space<hbm>> -> memref<10240xi32, #tpu.memory_space<hbm>>
      tpu.enqueue_dma source(%arg13 : memref<10240xi32, #tpu.memory_space<vmem>>) target(%dma_start3A_107 : memref<10240xi32, #tpu.memory_space<hbm>>) target_semaphore(%run_scoped3A : memref<!tpu.dma_semaphore, #tpu.memory_space<semaphore_mem>>)
      %dma_wait3A_108 = tpu.memref_slice %arg6[%mul3A_4] : memref<327680xi32, #tpu.memory_space<hbm>> -> memref<10240xi32, #tpu.memory_space<hbm>>
      %dma_wait3A_109 = tpu.memref_slice %arg6[%mul3A_4] : memref<327680xi32, #tpu.memory_space<hbm>> -> memref<10240xi32, #tpu.memory_space<hbm>>
      tpu.wait_dma2 semaphore(%run_scoped3A : memref<!tpu.dma_semaphore, #tpu.memory_space<semaphore_mem>>) src(%arg13 : memref<10240xi32, #tpu.memory_space<vmem>>) dst(%dma_wait3A_109 : memref<10240xi32, #tpu.memory_space<hbm>>)
      tpu.yield
    }) : () -> ()
    return
  }
}

module attributes {stable_mosaic.version = 14 : i64} {
  func.func @_neg_log_body(%arg0: memref<16384x20xf32, #tpu.memory_space<vmem>>, %arg1: memref<16384x20xf32, #tpu.memory_space<vmem>>) attributes {dimension_semantics = [], scalar_prefetch = 0 : i64, scratch_operands = 0 : i64, tpu.core_type = #tpu.core_type<tc>} {
    %get3A = arith.constant 0 : index
    %get3A_0 = arith.constant 0 : index
    %get3A_1 = vector.load %arg0[%get3A, %get3A_0] : memref<16384x20xf32, #tpu.memory_space<vmem>>, vector<16384x20xf32>
    %mul3A = arith.constant 2.000000e+02 : f32
    %mul3A_2 = vector.broadcast %mul3A : f32 to vector<16384x20xf32>
    %mul3A_3 = arith.mulf %mul3A_2, %get3A_1 : vector<16384x20xf32>
    %log3A = math.log %mul3A_3 : vector<16384x20xf32>
    %neg3A = arith.constant 0.000000e+00 : f32
    %neg3A_4 = vector.broadcast %neg3A : f32 to vector<16384x20xf32>
    %neg3A_5 = arith.subf %neg3A_4, %log3A : vector<16384x20xf32>
    %swap3A = arith.constant 0 : index
    %swap3A_6 = arith.constant 0 : index
    %swap3A_7 = vector.load %arg1[%swap3A, %swap3A_6] : memref<16384x20xf32, #tpu.memory_space<vmem>>, vector<16384x20xf32>
    tpu.vector_store %arg1[%swap3A, %swap3A_6], %neg3A_5 {strides = array<i32>} : memref<16384x20xf32, #tpu.memory_space<vmem>>, vector<16384x20xf32>,
    return
  }
}

</mosaic_0001>

<sc_bundles>
// kernel: kernel.4.cloned.1.call-start
scs
__scs_entry_jumppad:
0x0: {  	(pc) =	sbr.rel $0x88, $3  }
0x1: {  	(tag) =	ssettag $0x0;
	lr =	simm.s32 $0x1  }
0x2: {  	[smem:$0x3F9E] =	sst lr;
	_ =	strace $0xD0000000  }
0x3: {  	_ = 	snop  }
0x4: {  	_ = 	snop  }
0x5: {  	_ = 	snop  }
0x6: {  	_ = 	snop  }
0x7: {  	_ = 	snop  }
__scs_overlays_trampoline_lowered:
0x8: {  	[smem:$0x3FAD] =	sst s0  }
0x9: {  	[smem:$0x3FAE] =	sst s1  }
0xa: {  	[smem:$0x3FAF] =	sst s2  }
0xb: {  	[smem:$0x3FB0] =	sst s3  }
0xc: {  	[smem:$0x3FB1] =	sst s4  }
0xd: {  	[smem:$0x3FB2] =	sst s5  }
0xe: {  	[smem:$0x3FB3] =	sst s6  }
0xf: {  	[smem:$0x3FB4] =	sst s7  }
0x10: {  	[smem:$0x3FB5] =	sst s8  }
0x11: {  	[smem:$0x3FB6] =	sst s9;
	s0 =	simm.s32 @!p0 $0x0  }
0x12: {  	s1 =	sld [smem:$0x3F9C];
	s0 =	simm.s32 @p0 $0x1  }
0x13: {  	[smem:$0x3FB7] =	sst s0;
	s0 =	simm.s32 @!p1 $0x0  }
0x14: {  	s2 =	sld [smem:$0x3F9B];
	s0 =	simm.s32 @p1 $0x1  }
0x15: {  	[smem:$0x3FB8] =	sst s0;
	s0 =	simm.s32 @!p2 $0x0  }
0x16: {  	s3 =	sld [smem:$0x3FDB];
	s0 =	simm.s32 @p2 $0x1  }
0x17: {  	s4 =	simm.s32 $0x1BF5;
	[smem:$0x3FBA] =	sst s0  }
0x18: {  	s0 =	sld [smem:$0x3F9D];
	_ =	swait.ge [sflag:s4], $0x0  }
0x19: {  	s7 =	sld [smem:$0x3F9E]  }
0x1a: {  	s8 =	sadd.s32 $0xFFFFE003, lr  }
0x1b: {  	s9 =	sadd.s32 $0xFFFFFEF7, lr;
	s5 =	simm.s32 $0xFFFFFFFF;
	p2 =	slt.u32 s8, $0xFFFFF086  }
0x1c: {  	p1 =	slt.u32 s9, $0xF7A;
	s5 =	simm.s32 @!p2 $0x0  }
0x1d: {  	s5 =	simm.s32 @p1 $0x1;
	p0 =	seq.s32 s7, s2  }
0x1e: {  	s7 =	smul.u32 @!p0 $0xF7A, s2;
	p2 =	seq.s32 @!p0 s5, $0x0  }
0x1f: {  	s9 =	smul.u32 $0xF7A, s1;
	s8 =	simm.s32 @!p0 $0x1BF5;
	p2 =	por !p2, p0  }
0x20: {  	[sflag:s8] =	ssyncset.s32 @!p0 $0xFFFFF086;
	s6 =	sadd.s32 @!p0 s3, s7;
	s7 =	simm.s32 @!p0 $0x108  }
0x21: {  	s3 =	sadd.s32 s3, s9;
	s6 =	sadd.s32 @!p0 $0x88, s6;
	s7 =	simm.s32 @p2 $0x1082  }
0x22: {  	[simem:s7], [sflag:s8] =	dma.local @!p0 [hbm:s6], $0xF7A  }
0x23: {  	s9 =	sor.u32 $0xD0000000, s2;
	s6 =	simm.s32 $0x108;
	_ =	swait.ge @!p0 [sflag:s8], $0x0  }
0x24: {  	s3 =	sadd.s32 $0x88, s3;
	s6 =	simm.s32 @!p1 $0x1082;
	[sflag:s4] =	ssyncset.s32 $0xFFFFF086  }
0x25: {  	[simem:s6], [sflag:s4] =	dma.local [hbm:s3], $0xF7A  }
0x26: {  	[smem:$0x3F9E] =	sst s1;
	(tag) =	ssettag s2;
	_ =	strace s9  }
0x27: {  	s1 =	sld [smem:$0x3FAE]  }
0x28: {  	s2 =	sld [smem:$0x3FAF]  }
0x29: {  	s4 =	sld [smem:$0x3FB1]  }
0x2a: {  	p0 =	seq.s32 s5, $0x0;
	s5 =	sld [smem:$0x3FB2]  }
0x2b: {  	s6 =	sld [smem:$0x3FB3]  }
0x2c: {  	s7 =	sld [smem:$0x3FB4]  }
0x2d: {  	s3 =	simm.s32 $0x108;
	s8 =	sld [smem:$0x3FB5]  }
0x2e: {  	s3 =	simm.s32 @!p0 $0x1082;
	s9 =	sld [smem:$0x3FB6]  }
0x2f: {  	lr =	sadd.s32 s0, s3;
	s0 =	sld [smem:$0x3FAD]  }
0x30: {  	s3 =	sld [smem:$0x3FB0]  }
0x31: {  	[smem:$0x3FB9] =	sst s10  }
0x32: {  	s10 =	sld [smem:$0x3FB7];
	_ =	sdelay $0x3  }
0x33: {  	p0 =	seq.s32 s10, $0x1;
	s10 =	sld [smem:$0x3FB9];
	_ =	sdelay $0x3  }
0x34: {  	[smem:$0x3FB9] =	sst s10  }
0x35: {  	s10 =	sld [smem:$0x3FB8];
	_ =	sdelay $0x3  }
0x36: {  	p1 =	seq.s32 s10, $0x1;
	s10 =	sld [smem:$0x3FB9];
	_ =	sdelay $0x3  }
0x37: {  	[smem:$0x3FB9] =	sst s10  }
0x38: {  	s10 =	sld [smem:$0x3FBA]  }
0x39: {  	_ = 	snop;
	(pc) =	sbr.ind lr, $3  }
0x3a: {  	_ = 	snop  }
0x3b: {  	_ = 	snop  }
0x3c: {  	p2 =	seq.s32 s10, $0x1;
	s10 =	sld [smem:$0x3FB9]  }
0x3d: {  	_ =	shalt  }
0x3e: {  	_ =	shalt  }
0x3f: {  	_ =	shalt  }
0x40: {  	_ =	shalt  }
0x41: {  	_ =	shalt  }
0x42: {  	_ =	shalt  }
0x43: {  	_ =	shalt  }
0x44: {  	_ =	shalt  }
0x45: {  	_ =	shalt  }
0x46: {  	_ =	shalt  }
0x47: {  	_ =	shalt  }
0x48: {  	_ =	shalt  }
0x49: {  	_ =	shalt  }
0x4a: {  	_ =	shalt  }
0x4b: {  	_ =	shalt  }
0x4c: {  	_ =	shalt  }
0x4d: {  	_ =	shalt  }
0x4e: {  	_ =	shalt  }
0x4f: {  	_ =	shalt  }
0x50: {  	_ =	shalt  }
0x51: {  	_ =	shalt  }
0x52: {  	_ =	shalt  }
0x53: {  	_ =	shalt  }
0x54: {  	_ =	shalt  }
0x55: {  	_ =	shalt  }
0x56: {  	_ =	shalt  }
0x57: {  	_ =	shalt  }
0x58: {  	_ =	shalt  }
0x59: {  	_ =	shalt  }
0x5a: {  	_ =	shalt  }
0x5b: {  	_ =	shalt  }
0x5c: {  	_ =	shalt  }
0x5d: {  	_ =	shalt  }
0x5e: {  	_ =	shalt  }
0x5f: {  	_ =	shalt  }
0x60: {  	_ =	shalt  }
0x61: {  	_ =	shalt  }
0x62: {  	_ =	shalt  }
0x63: {  	_ =	shalt  }
0x64: {  	_ =	shalt  }
0x65: {  	_ =	shalt  }
0x66: {  	_ =	shalt  }
0x67: {  	_ =	shalt  }
0x68: {  	_ =	shalt  }
0x69: {  	_ =	shalt  }
0x6a: {  	_ =	shalt  }
0x6b: {  	_ =	shalt  }
0x6c: {  	_ =	shalt  }
0x6d: {  	_ =	shalt  }
0x6e: {  	_ =	shalt  }
0x6f: {  	_ =	shalt  }
0x70: {  	_ =	shalt  }
0x71: {  	_ =	shalt  }
0x72: {  	_ =	shalt  }
0x73: {  	_ =	shalt  }
0x74: {  	_ =	shalt  }
0x75: {  	_ =	shalt  }
0x76: {  	_ =	shalt  }
0x77: {  	_ =	shalt  }
0x78: {  	_ =	shalt  }
0x79: {  	_ =	shalt  }
0x7a: {  	_ =	shalt  }
0x7b: {  	_ =	shalt  }
0x7c: {  	_ =	shalt  }
0x7d: {  	_ =	shalt  }
0x7e: {  	_ =	shalt  }
0x7f: {  	_ =	shalt  }
0x80: {  	_ =	shalt  }
0x81: {  	_ =	shalt  }
0x82: {  	_ =	shalt  }
0x83: {  	_ =	shalt  }
0x84: {  	_ =	shalt  }
0x85: {  	_ =	shalt  }
0x86: {  	_ =	shalt  }
0x87: {  	_ =	shalt  }
.Lfunc_end0:
.L_simem_size_0:
called_computation_lowered:
.L_overlay_start_0:
0x88: {  	s2 =	sld [smem:$0x3FD9]  }
0x89: {  	s3 =	sld [smem:$0x3FFE];
	_ =	sdelay $0x1  }
0x8a: {  	s1 =	srdreg.scid  }
0x8b: {  	s0 =	sand.u32 $0x1, s1  }
0x8c: {  	s14 =	sshll.u32 s0, $0xA;
	s2 =	sadd.s32 s3, s2  }
0x8d: {  	s2 =	sadd.s32 s2, s14  }
0x8e: {  	[smem:$0x3FC5] =	sst s2  }
0x8f: {  	_ = 	snop  }
0x90: {  	s2 =	sld [smem:$0x3FD0];
	_ =	sdelay $0x2  }
0x91: {  	s4 =	simm.s32 $0xA;
	s5 =	simm.s32 $0x10;
	s15 =	sld [smem:$0x3FC9]  }
0x92: {  	[smem:s5], [sflag:s4] =	dma.local [hbm:s2], $0x1  }
0x93: {  	_ =	swait.eq [sflag:s4], $0x1  }
0x94: {  	[sflag:s4] =	ssyncset.done $0x0  }
0x95: {  	[sflag:s4] =	ssyncadd.s32 $0xFFFFFFFF  }
0x96: {  	s16 =	sld [smem:$0x10];
	(tm) =	ssettm $0x1  }
0x97: {  	s17 =	sld [smem:$0x3FFB];
	_ =	sdelay $0x3  }
0x98: {  	_ =	strace s17  }
0x99: {  	s4 =	sld [smem:$0x3FFC];
	_ =	sdelay $0x3  }
0x9a: {  	_ =	strace s4  }
0x9b: {  	s4 =	sld [smem:$0x3FFD];
	_ =	sdelay $0x3  }
0x9c: {  	_ =	strace s4  }
0x9d: {  	_ =	strace $0x8FFFFFFF  }
0x9e: {  	s18 =	sld [smem:$0x3FDB];
	_ =	sdelay $0x1  }
0x9f: {  	s19 =	simm.s32 $_scs_section_size  }
0xa0: {  	s6 =	simm.s32 $_size__tile_overlayer_lowered;
	s7 =	simm.s32 $_tile_overlayer_lowered  }
0xa1: {  	s22 =	simm.s32 $0x1BFF;
	s21 =	sshll.u32 s7, $0x1;
	s4 =	sadd.s32 s19, s18  }
0xa2: {  	s8 =	simm.s32 $0x0;
	s20 =	sshll.u32 s6, $0x1;
	s6 =	sadd.s32 s21, s4  }
0xa3: {  	[timem:s8], [sflag:s22] =	dma.local [hbm:s6], s20  }
0xa4: {  	_ =	swait.ge [sflag:s22], s20  }
0xa5: {  	s5 =	ssub.s32 $0x0, s20;
	[sflag:s22] =	ssyncset.done $0x0  }
0xa6: {  	[sflag:s22] =	ssyncadd.s32 s5;
	_ =	sdelay $0x1  }
0xa7: {  	s23 =	simm.s32 $0x1B8B  }
0xa8: {  	_ =	swait.ge [sflag:s23], $0x1  }
0xa9: {  	[sflag:s23] =	ssyncset.done $0x0  }
0xaa: {  	s25 =	simm.s32 $0x1B8E;
	s24 =	sld [smem:$0x3FFE];
	[sflag:s23] =	ssyncadd.s32 $0xFFFFFFFF  }
0xab: {  	s26 =	simm.s32 $execute0_lowered;
	[smem:$0x3FD2] =	sst s25  }
0xac: {  	s6 =	sshll.u32 s26, $0x1;
	_ =	strace $0x80000046;
	[dreg:$0x1] =	wrdreg $0xFFFFFFFF  }
0xad: {  	s28 =	simm.s32 $_size_execute0_lowered;
	s4 =	sadd.s32 s4, s6;
	[dreg:$0x0] =	wrdreg $0x0  }
0xae: {  	s6 =	sshll.u32 s28, $0x1;
	[dreg:$0x2] =	wrdreg s4  }
0xaf: {  	[dreg:$0x3] =	wrdreg s6  }
0xb0: {  	[dreg:$0x4] =	wrdreg $0xC0  }
0xb1: {  	_ =	task [dreg:s8], $0x5FFFF  }
0xb2: {  	[dreg:$0x1] =	wrdreg $0xFFFFFFFF  }
0xb3: {  	[dreg:$0x0] =	wrdreg $0x60  }
0xb4: {  	[dreg:$0x2] =	wrdreg s15  }
0xb5: {  	[dreg:$0x3] =	wrdreg s24  }
0xb6: {  	[dreg:$0x4] =	wrdreg s16  }
0xb7: {  	[dreg:$0x5] =	wrdreg $0x9  }
0xb8: {  	_ =	task.clear_ibuf [dreg:s8], $0x6FFFF;
	_ =	strace $0x90000046  }
0xb9: {  	s29 =	simm.s32 $0x9;
	_ =	strace $0x80000048  }
0xba: {  	_ =	swait.ge [sflag:s29], $0x1  }
0xbb: {  	[sflag:s29] =	ssyncadd.s32 $0xFFFFFFFF  }
0xbc: {  	_ =	strace $0x90000048  }
0xbd: {  	_ =	sfence  }
0xbe: {  	s30 =	sld [smem:$0x0];
	_ =	sdelay $0x2  }
0xbf: {  	s31 =	sshll.u32 s1, $0xD;
	s1 =	sshrl.u32 s1, $0x2  }
0xc0: {  	s3 =	sand.u32 $0x4000, s31;
	s1 =	sadd.s32 s1, s30  }
0xc1: {  	s0 =	sor.u32 s3, s0;
	s1 =	sshll.u32 s1, $0x11  }
0xc2: {  	s0 =	sor.u32 s1, s0  }
0xc3: {  	s0 =	sadd.s32 $0x8F2B, s0  }
0xc4: {  	[sflag:s0] =	ssyncadd.remote.s32 $0x1  }
0xc5: {  	_ =	sfence.sel $0xFFFF  }
0xc6: {  	[dreg:$0x0] =	wrdreg $0xFFFFFFFF;
	(pc) =	sbr.abs _section_cstart, $3  }
0xc7: {  	[dreg:$0x1] =	wrdreg $0xFFFFFFFF  }
0xc8: {  	_ =	task.clear_ibuf [dreg:s8], $0x2FFFF;
	_ =	strace $0x9FFFFFFF  }
0xc9: {  	(tm) =	ssettm $0x7FFFFFFF  }
tec
execute0_lowered:
.L_overlay_start_1:
0x0: {  	(tag) =	ssettag $0x1  }
0x1: {  	s0 =	rddreg [dreg:$0x0]  }
0x2: {  	s1 =	rddreg [dreg:$0x1]  }
0x3: {  	s5 =	rddreg [dreg:$0x2];
	s3 =	srdreg.scid  }
0x4: {  	s4 =	stileid.u32;
	s2 =	simm.s32 $0x0;
	s10 =	simm.s32 $0x200  }
0x5: {  	s14 =	simm.s32 $0x280;
	s15 =	simm.s32 $0x80;
	s16 =	simm.s32 $0x8200  }
0x6: {  	s17 =	simm.s32 $0x4200;
	s18 =	simm.s32 $0x7D00;
	s19 =	simm.s32 $0x2  }
0x7: {  	s20 =	simm.s32 $0xC200;
	s21 =	simm.s32 $0x8080;
	s22 =	simm.s32 $0x8100  }
0x8: {  	s28 =	simm.s32 $0x7E80;
	s29 =	simm.s32 $0x7E00;
	s30 =	simm.s32 $0x7C00  }
0x9: {  	s31 =	simm.s32 $0x7C80;
	s6 =	sand.u32 $0x1, s3;
	s23 =	sshll.u32 s4, $0x1  }
0xa: {  	[smem:$0x7FF] =	sst s2;
	s3 =	sadd.s32 $0xE00, s1;
	s4 =	sadd.s32 $0x494C00, s1  }
0xb: {  	s7 =	sor.u32 s6, s23;
	_ =	strace $0x80000047;
	s6 =	ssub.s32 $0x2, s6  }
0xc: {  	s8 =	smul.u32 $0x500, s7;
	s9 =	sshrl.u32 s6, $0x1;
	s7 =	sshll.u32 s7, $0x6  }
0xd: {  	v0 =	vimm.s32 $0x7;
	v17 =	vlaneseq.u32;
	s23 =	simm.s32 $0x8000;
	s6 =	ssub.s32 s6, s9;
	s0 =	sadd.s32 s0, s7  }
0xe: {  	v1 =	vimm.s32 $0x1;
	v2 =	vimm.s32 $0x0;
	vm0 =	vmmov $0x1;
	s9 =	simm.s32 $0x5;
	s7 =	simm.s32 $0x8180;
	s1 =	sadd.s32 s8, s1  }
0xf: {  	v4 =	vimm.s32 $0x2;
	v5 =	vimm.s32 $0x3;
	v6 =	vimm.s32 $0x4;
	[dreg:$0x4] =	wrdreg s0;
	s24 =	sadd.s32 s5, s8;
	s26 =	smax.u32 s6, $0x1  }
0x10: {  	v7 =	vimm.s32 $0x5;
	v8 =	vimm.s32 $0x6;
	v9 =	vimm.s32 $0x8;
	s5 =	simm.s32 $0x3;
	s6 =	simm.s32 $0x1;
	s8 =	simm.s32 $0x7D80  }
0x11: {  	v10 =	vimm.s32 $0x9;
	v11 =	vimm.s32 $0xA;
	v12 =	vimm.s32 $0xB;
	s0 =	simm.s32 $0x4;
	[dreg:$0x5] =	wrdreg s24;
	s25 =	sadd.s32 $0x30E200, s1  }
0x12: {  	v13 =	vimm.s32 $0xC;
	v14 =	vimm.s32 $0xD;
	v15 =	vimm.s32 $0xE;
	[dreg:$0x7] =	wrdreg s26;
	s24 =	simm.s32 $0x7F80;
	s1 =	simm.s32 $0x12A00  }
0x13: {  	v16 =	vimm.s32 $0xF;
	v3 =	vmul.u32 $0x8, v17;
	v17 =	vmul.u32 $0xCCCD, v17;
	s26 =	simm.s32 $0x0;
	[dreg:$0x6] =	wrdreg s25;
	s25 =	simm.s32 $0x7F00  }
.LBB2_1:
0x14: {  	s11 =	rddreg [dreg:$0x4]  }
0x15: {  	[tilespmem:s2], [sflag:$0x5] =	stream.linear.gather [hbm4b:s11+s2], $0x200, $0x38;
	[tilespmem:$0x15200] =	vst v63  }
0x16: {  	_ =	swait.ge [sflag:s9], $0x200  }
0x17: {  	[sflag:s9] =	ssyncset.done $0x0  }
0x18: {  	[sflag:s9] =	ssyncadd.s32 $0xFFFFFE00  }
0x19: {  	v18 =	vld [tilespmem:$0x0];
	_ =	sdelay $0x4  }
0x1a: {  	v19 =	vshll.u32 v18, $0x1  }
0x1b: {  	v18 =	vand.u32 $0x7, v18;
	v19 =	vand.u32 $0xFFFFFFF0, v19  }
0x1c: {  	v18 =	vor.u32 v18, v19  }
0x1d: {  	v19 =	vperm.xlane v18, v2;
	_ =	sdelay $0x1  }
0x1e: {  	v20 =	vperm.xlane v18, v1;
	v19 =	vadd.s32 v3, v19;
	_ =	sdelay $0x1  }
0x1f: {  	v21 =	vperm.xlane v18, v4;
	v20 =	vadd.s32 v3, v20;
	_ =	sdelay $0x1  }
0x20: {  	v22 =	vperm.xlane v18, v5;
	v21 =	vadd.s32 v3, v21  }
0x21: {  	[tilespmem:s10], [sflag:$0x1] =	stream.indirect_vreg.gather [hbm4b:s3+s2], $0x80, v19, vm0, $0xb8;
	[tilespmem:$0x15200] =	vst v63  }
0x22: {  	v32 =	vperm.xlane v18, v6;
	v19 =	vadd.s32 v3, v22  }
0x23: {  	[tilespmem:s14], [sflag:$0x1] =	stream.indirect_vreg.gather [hbm4b:s3+s2], $0x80, v20, vm0, $0xb8;
	[tilespmem:$0x15200] =	vst v63  }
0x24: {  	v33 =	vperm.xlane v18, v7;
	v20 =	vadd.s32 v3, v32;
	s14 =	simm.s32 $0x300  }
0x25: {  	[tilespmem:s14], [sflag:$0x1] =	stream.indirect_vreg.gather [hbm4b:s3+s2], $0x80, v21, vm0, $0xb8;
	[tilespmem:$0x15200] =	vst v63  }
0x26: {  	s12 =	simm.s32 $0x380;
	v35 =	vperm.xlane v18, v8;
	v34 =	vadd.s32 v3, v33  }
0x27: {  	[tilespmem:s12], [sflag:$0x1] =	stream.indirect_vreg.gather [hbm4b:s3+s2], $0x80, v19, vm0, $0xb8;
	[tilespmem:$0x15200] =	vst v63  }
0x28: {  	s13 =	simm.s32 $0x400;
	v36 =	vperm.xlane v18, v0;
	v19 =	vadd.s32 v3, v35  }
0x29: {  	[tilespmem:s13], [sflag:$0x1] =	stream.indirect_vreg.gather [hbm4b:s3+s2], $0x80, v20, vm0, $0xb8;
	[tilespmem:$0x15200] =	vst v63  }
0x2a: {  	v37 =	vperm.xlane v18, v9;
	s14 =	simm.s32 $0x480;
	v20 =	vadd.s32 v3, v36  }
0x2b: {  	[tilespmem:s14], [sflag:$0x1] =	stream.indirect_vreg.gather [hbm4b:s3+s2], $0x80, v34, vm0, $0xb8;
	[tilespmem:$0x15200] =	vst v63  }
0x2c: {  	v39 =	vperm.xlane v18, v10;
	v38 =	vadd.s32 v3, v37;
	s12 =	simm.s32 $0x500  }
0x2d: {  	[tilespmem:s12], [sflag:$0x1] =	stream.indirect_vreg.gather [hbm4b:s3+s2], $0x80, v19, vm0, $0xb8;
	[tilespmem:$0x15200] =	vst v63  }
0x2e: {  	v40 =	vperm.xlane v18, v11;
	s13 =	simm.s32 $0x580;
	v19 =	vadd.s32 v3, v39  }
0x2f: {  	[tilespmem:s13], [sflag:$0x1] =	stream.indirect_vreg.gather [hbm4b:s3+s2], $0x80, v20, vm0, $0xb8;
	[tilespmem:$0x15200] =	vst v63  }
0x30: {  	v41 =	vperm.xlane v18, v12;
	s14 =	simm.s32 $0x600;
	v20 =	vadd.s32 v3, v40  }
0x31: {  	[tilespmem:s14], [sflag:$0x1] =	stream.indirect_vreg.gather [hbm4b:s3+s2], $0x80, v38, vm0, $0xb8;
	[tilespmem:$0x15200] =	vst v63  }
0x32: {  	v43 =	vperm.xlane v18, v13;
	v42 =	vadd.s32 v3, v41;
	s12 =	simm.s32 $0x680  }
0x33: {  	[tilespmem:s12], [sflag:$0x1] =	stream.indirect_vreg.gather [hbm4b:s3+s2], $0x80, v19, vm0, $0xb8;
	[tilespmem:$0x15200] =	vst v63  }
0x34: {  	v44 =	vperm.xlane v18, v14;
	s13 =	simm.s32 $0x700;
	v19 =	vadd.s32 v3, v43  }
0x35: {  	[tilespmem:s13], [sflag:$0x1] =	stream.indirect_vreg.gather [hbm4b:s3+s2], $0x80, v20, vm0, $0xb8;
	[tilespmem:$0x15200] =	vst v63  }
0x36: {  	v45 =	vperm.xlane v18, v15;
	s14 =	simm.s32 $0x780;
	v20 =	vadd.s32 v3, v44  }
0x37: {  	[tilespmem:s14], [sflag:$0x1] =	stream.indirect_vreg.gather [hbm4b:s3+s2], $0x80, v42, vm0, $0xb8;
	[tilespmem:$0x15200] =	vst v63  }
0x38: {  	v18 =	vperm.xlane v18, v16;
	v46 =	vadd.s32 v3, v45;
	s12 =	simm.s32 $0x800  }
0x39: {  	[tilespmem:s12], [sflag:$0x1] =	stream.indirect_vreg.gather [hbm4b:s3+s2], $0x80, v19, vm0, $0xb8;
	[tilespmem:$0x15200] =	vst v63  }
0x3a: {  	v18 =	vadd.s32 v3, v18;
	s13 =	simm.s32 $0x880  }
0x3b: {  	[tilespmem:s13], [sflag:$0x1] =	stream.indirect_vreg.gather [hbm4b:s3+s2], $0x80, v20, vm0, $0xb8;
	[tilespmem:$0x15200] =	vst v63  }
0x3c: {  	s14 =	simm.s32 $0x900  }
0x3d: {  	[tilespmem:s14], [sflag:$0x1] =	stream.indirect_vreg.gather [hbm4b:s3+s2], $0x80, v46, vm0, $0xb8;
	[tilespmem:$0x15200] =	vst v63  }
0x3e: {  	s12 =	simm.s32 $0x980  }
0x3f: {  	[tilespmem:s12], [sflag:$0x1] =	stream.indirect_vreg.gather [hbm4b:s3+s2], $0x80, v18, vm0, $0xb8;
	[tilespmem:$0x15200] =	vst v63  }
0x40: {  	v18 =	vld [tilespmem:$0x10];
	_ =	sdelay $0x4  }
0x41: {  	v19 =	vshll.u32 v18, $0x1  }
0x42: {  	v18 =	vand.u32 $0x7, v18;
	v19 =	vand.u32 $0xFFFFFFF0, v19  }
0x43: {  	v18 =	vor.u32 v18, v19  }
0x44: {  	v19 =	vperm.xlane v18, v2;
	_ =	sdelay $0x1  }
0x45: {  	v20 =	vperm.xlane v18, v1;
	v19 =	vadd.s32 v3, v19;
	_ =	sdelay $0x1  }
0x46: {  	v47 =	vperm.xlane v18, v4;
	v20 =	vadd.s32 v3, v20;
	_ =	sdelay $0x1  }
0x47: {  	s13 =	simm.s32 $0xA00;
	v48 =	vperm.xlane v18, v5;
	v21 =	vadd.s32 v3, v47  }
0x48: {  	[tilespmem:s13], [sflag:$0x1] =	stream.indirect_vreg.gather [hbm4b:s3+s2], $0x80, v19, vm0, $0xb8;
	[tilespmem:$0x15200] =	vst v63  }
0x49: {  	s14 =	simm.s32 $0xA80;
	v49 =	vperm.xlane v18, v6;
	v19 =	vadd.s32 v3, v48  }
0x4a: {  	[tilespmem:s14], [sflag:$0x1] =	stream.indirect_vreg.gather [hbm4b:s3+s2], $0x80, v20, vm0, $0xb8;
	[tilespmem:$0x15200] =	vst v63  }
0x4b: {  	s12 =	simm.s32 $0xB00;
	v50 =	vperm.xlane v18, v7;
	v20 =	vadd.s32 v3, v49  }
0x4c: {  	[tilespmem:s12], [sflag:$0x1] =	stream.indirect_vreg.gather [hbm4b:s3+s2], $0x80, v21, vm0, $0xb8;
	[tilespmem:$0x15200] =	vst v63  }
0x4d: {  	v52 =	vperm.xlane v18, v8;
	v51 =	vadd.s32 v3, v50;
	s13 =	simm.s32 $0xB80  }
0x4e: {  	[tilespmem:s13], [sflag:$0x1] =	stream.indirect_vreg.gather [hbm4b:s3+s2], $0x80, v19, vm0, $0xb8;
	[tilespmem:$0x15200] =	vst v63  }
0x4f: {  	v53 =	vperm.xlane v18, v0;
	s14 =	simm.s32 $0xC00;
	v19 =	vadd.s32 v3, v52  }
0x50: {  	[tilespmem:s14], [sflag:$0x1] =	stream.indirect_vreg.gather [hbm4b:s3+s2], $0x80, v20, vm0, $0xb8;
	[tilespmem:$0x15200] =	vst v63  }
0x51: {  	v54 =	vperm.xlane v18, v9;
	s12 =	simm.s32 $0xC80;
	v20 =	vadd.s32 v3, v53  }
0x52: {  	[tilespmem:s12], [sflag:$0x1] =	stream.indirect_vreg.gather [hbm4b:s3+s2], $0x80, v51, vm0, $0xb8;
	[tilespmem:$0x15200] =	vst v63  }
0x53: {  	v56 =	vperm.xlane v18, v10;
	v55 =	vadd.s32 v3, v54;
	s13 =	simm.s32 $0xD00  }
0x54: {  	[tilespmem:s13], [sflag:$0x1] =	stream.indirect_vreg.gather [hbm4b:s3+s2], $0x80, v19, vm0, $0xb8;
	[tilespmem:$0x15200] =	vst v63  }
0x55: {  	v57 =	vperm.xlane v18, v11;
	s14 =	simm.s32 $0xD80;
	v19 =	vadd.s32 v3, v56  }
0x56: {  	[tilespmem:s14], [sflag:$0x1] =	stream.indirect_vreg.gather [hbm4b:s3+s2], $0x80, v20, vm0, $0xb8;
	[tilespmem:$0x15200] =	vst v63  }
0x57: {  	v58 =	vperm.xlane v18, v12;
	s12 =	simm.s32 $0xE00;
	v20 =	vadd.s32 v3, v57  }
0x58: {  	[tilespmem:s12], [sflag:$0x1] =	stream.indirect_vreg.gather [hbm4b:s3+s2], $0x80, v55, vm0, $0xb8;
	[tilespmem:$0x15200] =	vst v63  }
0x59: {  	v60 =	vperm.xlane v18, v13;
	v59 =	vadd.s32 v3, v58;
	s13 =	simm.s32 $0xE80  }
0x5a: {  	[tilespmem:s13], [sflag:$0x1] =	stream.indirect_vreg.gather [hbm4b:s3+s2], $0x80, v19, vm0, $0xb8;
	[tilespmem:$0x15200] =	vst v63  }
0x5b: {  	v61 =	vperm.xlane v18, v14;
	s14 =	simm.s32 $0xF00;
	v19 =	vadd.s32 v3, v60  }
0x5c: {  	[tilespmem:s14], [sflag:$0x1] =	stream.indirect_vreg.gather [hbm4b:s3+s2], $0x80, v20, vm0, $0xb8;
	[tilespmem:$0x15200] =	vst v63  }
0x5d: {  	v62 =	vperm.xlane v18, v15;
	s12 =	simm.s32 $0xF80;
	v20 =	vadd.s32 v3, v61  }
0x5e: {  	[tilespmem:s12], [sflag:$0x1] =	stream.indirect_vreg.gather [hbm4b:s3+s2], $0x80, v59, vm0, $0xb8;
	[tilespmem:$0x15200] =	vst v63  }
0x5f: {  	v18 =	vperm.xlane v18, v16;
	v63 =	vadd.s32 v3, v62;
	s13 =	simm.s32 $0x1000  }
0x60: {  	[tilespmem:s13], [sflag:$0x1] =	stream.indirect_vreg.gather [hbm4b:s3+s2], $0x80, v19, vm0, $0xb8;
	[tilespmem:$0x15200] =	vst v63  }
0x61: {  	v18 =	vadd.s32 v3, v18;
	s14 =	simm.s32 $0x1080  }
0x62: {  	[tilespmem:s14], [sflag:$0x1] =	stream.indirect_vreg.gather [hbm4b:s3+s2], $0x80, v20, vm0, $0xb8;
	[tilespmem:$0x15200] =	vst v63  }
0x63: {  	s12 =	simm.s32 $0x1100  }
0x64: {  	[tilespmem:s12], [sflag:$0x1] =	stream.indirect_vreg.gather [hbm4b:s3+s2], $0x80, v63, vm0, $0xb8;
	[tilespmem:$0x15200] =	vst v63  }
0x65: {  	s13 =	simm.s32 $0x1180  }
0x66: {  	[tilespmem:s13], [sflag:$0x1] =	stream.indirect_vreg.gather [hbm4b:s3+s2], $0x80, v18, vm0, $0xb8;
	[tilespmem:$0x15200] =	vst v63  }
0x67: {  	v18 =	vld [tilespmem:$0x20];
	_ =	sdelay $0x4  }
0x68: {  	v19 =	vshll.u32 v18, $0x1  }
0x69: {  	v18 =	vand.u32 $0x7, v18;
	v19 =	vand.u32 $0xFFFFFFF0, v19  }
0x6a: {  	v18 =	vor.u32 v18, v19  }
0x6b: {  	v19 =	vperm.xlane v18, v2;
	_ =	sdelay $0x1  }
0x6c: {  	v20 =	vperm.xlane v18, v1;
	v19 =	vadd.s32 v3, v19;
	_ =	sdelay $0x1  }
0x6d: {  	v24 =	vperm.xlane v18, v4;
	v20 =	vadd.s32 v3, v20;
	_ =	sdelay $0x1  }
0x6e: {  	s14 =	simm.s32 $0x1200;
	v25 =	vperm.xlane v18, v5;
	v21 =	vadd.s32 v3, v24  }
0x6f: {  	[tilespmem:s14], [sflag:$0x1] =	stream.indirect_vreg.gather [hbm4b:s3+s2], $0x80, v19, vm0, $0xb8;
	[tilespmem:$0x15200] =	vst v63  }
0x70: {  	s12 =	simm.s32 $0x1280;
	v26 =	vperm.xlane v18, v6;
	v19 =	vadd.s32 v3, v25  }
0x71: {  	[tilespmem:s12], [sflag:$0x1] =	stream.indirect_vreg.gather [hbm4b:s3+s2], $0x80, v20, vm0, $0xb8;
	[tilespmem:$0x15200] =	vst v63  }
0x72: {  	s13 =	simm.s32 $0x1300;
	v27 =	vperm.xlane v18, v7;
	v20 =	vadd.s32 v3, v26  }
0x73: {  	[tilespmem:s13], [sflag:$0x1] =	stream.indirect_vreg.gather [hbm4b:s3+s2], $0x80, v21, vm0, $0xb8;
	[tilespmem:$0x15200] =	vst v63  }
0x74: {  	v29 =	vperm.xlane v18, v8;
	v28 =	vadd.s32 v3, v27;
	s14 =	simm.s32 $0x1380  }
0x75: {  	[tilespmem:s14], [sflag:$0x1] =	stream.indirect_vreg.gather [hbm4b:s3+s2], $0x80, v19, vm0, $0xb8;
	[tilespmem:$0x15200] =	vst v63  }
0x76: {  	v30 =	vperm.xlane v18, v0;
	s12 =	simm.s32 $0x1400;
	v19 =	vadd.s32 v3, v29  }
0x77: {  	[tilespmem:s12], [sflag:$0x1] =	stream.indirect_vreg.gather [hbm4b:s3+s2], $0x80, v20, vm0, $0xb8;
	[tilespmem:$0x15200] =	vst v63  }
0x78: {  	v31 =	vperm.xlane v18, v9;
	s13 =	simm.s32 $0x1480;
	v20 =	vadd.s32 v3, v30  }
0x79: {  	[tilespmem:s13], [sflag:$0x1] =	stream.indirect_vreg.gather [hbm4b:s3+s2], $0x80, v28, vm0, $0xb8;
	[tilespmem:$0x15200] =	vst v63  }
0x7a: {  	v33 =	vperm.xlane v18, v10;
	v32 =	vadd.s32 v3, v31;
	s14 =	simm.s32 $0x1500  }
0x7b: {  	[tilespmem:s14], [sflag:$0x1] =	stream.indirect_vreg.gather [hbm4b:s3+s2], $0x80, v19, vm0, $0xb8;
	[tilespmem:$0x15200] =	vst v63  }
0x7c: {  	v34 =	vperm.xlane v18, v11;
	s12 =	simm.s32 $0x1580;
	v19 =	vadd.s32 v3, v33  }
0x7d: {  	[tilespmem:s12], [sflag:$0x1] =	stream.indirect_vreg.gather [hbm4b:s3+s2], $0x80, v20, vm0, $0xb8;
	[tilespmem:$0x15200] =	vst v63  }
0x7e: {  	v35 =	vperm.xlane v18, v12;
	s13 =	simm.s32 $0x1600;
	v20 =	vadd.s32 v3, v34  }
0x7f: {  	[tilespmem:s13], [sflag:$0x1] =	stream.indirect_vreg.gather [hbm4b:s3+s2], $0x80, v32, vm0, $0xb8;
	[tilespmem:$0x15200] =	vst v63  }
0x80: {  	v37 =	vperm.xlane v18, v13;
	v36 =	vadd.s32 v3, v35;
	s14 =	simm.s32 $0x1680  }
0x81: {  	[tilespmem:s14], [sflag:$0x1] =	stream.indirect_vreg.gather [hbm4b:s3+s2], $0x80, v19, vm0, $0xb8;
	[tilespmem:$0x15200] =	vst v63  }
0x82: {  	v38 =	vperm.xlane v18, v14;
	s12 =	simm.s32 $0x1700;
	v19 =	vadd.s32 v3, v37  }
0x83: {  	[tilespmem:s12], [sflag:$0x1] =	stream.indirect_vreg.gather [hbm4b:s3+s2], $0x80, v20, vm0, $0xb8;
	[tilespmem:$0x15200] =	vst v63  }
0x84: {  	v39 =	vperm.xlane v18, v15;
	s13 =	simm.s32 $0x1780;
	v20 =	vadd.s32 v3, v38  }
0x85: {  	[tilespmem:s13], [sflag:$0x1] =	stream.indirect_vreg.gather [hbm4b:s3+s2], $0x80, v36, vm0, $0xb8;
	[tilespmem:$0x15200] =	vst v63  }
0x86: {  	v18 =	vperm.xlane v18, v16;
	v40 =	vadd.s32 v3, v39;
	s14 =	simm.s32 $0x1800  }
0x87: {  	[tilespmem:s14], [sflag:$0x1] =	stream.indirect_vreg.gather [hbm4b:s3+s2], $0x80, v19, vm0, $0xb8;
	[tilespmem:$0x15200] =	vst v63  }
0x88: {  	v18 =	vadd.s32 v3, v18;
	s12 =	simm.s32 $0x1880  }
0x89: {  	[tilespmem:s12], [sflag:$0x1] =	stream.indirect_vreg.gather [hbm4b:s3+s2], $0x80, v20, vm0, $0xb8;
	[tilespmem:$0x15200] =	vst v63  }
0x8a: {  	s13 =	simm.s32 $0x1900  }
0x8b: {  	[tilespmem:s13], [sflag:$0x1] =	stream.indirect_vreg.gather [hbm4b:s3+s2], $0x80, v40, vm0, $0xb8;
	[tilespmem:$0x15200] =	vst v63  }
0x8c: {  	s14 =	simm.s32 $0x1980  }
0x8d: {  	[tilespmem:s14], [sflag:$0x1] =	stream.indirect_vreg.gather [hbm4b:s3+s2], $0x80, v18, vm0, $0xb8;
	[tilespmem:$0x15200] =	vst v63  }
0x8e: {  	v18 =	vld [tilespmem:$0x30];
	_ =	sdelay $0x4  }
0x8f: {  	v19 =	vshll.u32 v18, $0x1  }
0x90: {  	v18 =	vand.u32 $0x7, v18;
	v19 =	vand.u32 $0xFFFFFFF0, v19  }
0x91: {  	v18 =	vor.u32 v18, v19  }
0x92: {  	v19 =	vperm.xlane v18, v2;
	_ =	sdelay $0x1  }
0x93: {  	v20 =	vperm.xlane v18, v1;
	v19 =	vadd.s32 v3, v19;
	_ =	sdelay $0x1  }
0x94: {  	v41 =	vperm.xlane v18, v4;
	v20 =	vadd.s32 v3, v20;
	_ =	sdelay $0x1  }
0x95: {  	s12 =	simm.s32 $0x1A00;
	v42 =	vperm.xlane v18, v5;
	v21 =	vadd.s32 v3, v41  }
0x96: {  	[tilespmem:s12], [sflag:$0x1] =	stream.indirect_vreg.gather [hbm4b:s3+s2], $0x80, v19, vm0, $0xb8;
	[tilespmem:$0x15200] =	vst v63  }
0x97: {  	s13 =	simm.s32 $0x1A80;
	v43 =	vperm.xlane v18, v6;
	v19 =	vadd.s32 v3, v42  }
0x98: {  	[tilespmem:s13], [sflag:$0x1] =	stream.indirect_vreg.gather [hbm4b:s3+s2], $0x80, v20, vm0, $0xb8;
	[tilespmem:$0x15200] =	vst v63  }
0x99: {  	s14 =	simm.s32 $0x1B00;
	v44 =	vperm.xlane v18, v7;
	v20 =	vadd.s32 v3, v43  }
0x9a: {  	[tilespmem:s14], [sflag:$0x1] =	stream.indirect_vreg.gather [hbm4b:s3+s2], $0x80, v21, vm0, $0xb8;
	[tilespmem:$0x15200] =	vst v63  }
0x9b: {  	v46 =	vperm.xlane v18, v8;
	v45 =	vadd.s32 v3, v44;
	s12 =	simm.s32 $0x1B80  }
0x9c: {  	[tilespmem:s12], [sflag:$0x1] =	stream.indirect_vreg.gather [hbm4b:s3+s2], $0x80, v19, vm0, $0xb8;
	[tilespmem:$0x15200] =	vst v63  }
0x9d: {  	v47 =	vperm.xlane v18, v0;
	s13 =	simm.s32 $0x1C00;
	v19 =	vadd.s32 v3, v46  }
0x9e: {  	[tilespmem:s13], [sflag:$0x1] =	stream.indirect_vreg.gather [hbm4b:s3+s2], $0x80, v20, vm0, $0xb8;
	[tilespmem:$0x15200] =	vst v63  }
0x9f: {  	v48 =	vperm.xlane v18, v9;
	s14 =	simm.s32 $0x1C80;
	v20 =	vadd.s32 v3, v47  }
0xa0: {  	[tilespmem:s14], [sflag:$0x1] =	stream.indirect_vreg.gather [hbm4b:s3+s2], $0x80, v45, vm0, $0xb8;
	[tilespmem:$0x15200] =	vst v63  }
0xa1: {  	v50 =	vperm.xlane v18, v10;
	v49 =	vadd.s32 v3, v48;
	s12 =	simm.s32 $0x1D00  }
0xa2: {  	[tilespmem:s12], [sflag:$0x1] =	stream.indirect_vreg.gather [hbm4b:s3+s2], $0x80, v19, vm0, $0xb8;
	[tilespmem:$0x15200] =	vst v63  }
0xa3: {  	v51 =	vperm.xlane v18, v11;
	s13 =	simm.s32 $0x1D80;
	v19 =	vadd.s32 v3, v50  }
0xa4: {  	[tilespmem:s13], [sflag:$0x1] =	stream.indirect_vreg.gather [hbm4b:s3+s2], $0x80, v20, vm0, $0xb8;
	[tilespmem:$0x15200] =	vst v63  }
0xa5: {  	v52 =	vperm.xlane v18, v12;
	s14 =	simm.s32 $0x1E00;
	v20 =	vadd.s32 v3, v51  }
0xa6: {  	[tilespmem:s14], [sflag:$0x1] =	stream.indirect_vreg.gather [hbm4b:s3+s2], $0x80, v49, vm0, $0xb8;
	[tilespmem:$0x15200] =	vst v63  }
0xa7: {  	v54 =	vperm.xlane v18, v13;
	v53 =	vadd.s32 v3, v52;
	s12 =	simm.s32 $0x1E80  }
0xa8: {  	[tilespmem:s12], [sflag:$0x1] =	stream.indirect_vreg.gather [hbm4b:s3+s2], $0x80, v19, vm0, $0xb8;
	[tilespmem:$0x15200] =	vst v63  }
0xa9: {  	v55 =	vperm.xlane v18, v14;
	s13 =	simm.s32 $0x1F00;
	v19 =	vadd.s32 v3, v54  }
0xaa: {  	[tilespmem:s13], [sflag:$0x1] =	stream.indirect_vreg.gather [hbm4b:s3+s2], $0x80, v20, vm0, $0xb8;
	[tilespmem:$0x15200] =	vst v63  }
0xab: {  	v56 =	vperm.xlane v18, v15;
	s14 =	simm.s32 $0x1F80;
	v20 =	vadd.s32 v3, v55  }
0xac: {  	[tilespmem:s14], [sflag:$0x1] =	stream.indirect_vreg.gather [hbm4b:s3+s2], $0x80, v53, vm0, $0xb8;
	[tilespmem:$0x15200] =	vst v63  }
0xad: {  	v18 =	vperm.xlane v18, v16;
	v57 =	vadd.s32 v3, v56;
	s12 =	simm.s32 $0x2000  }
0xae: {  	[tilespmem:s12], [sflag:$0x1] =	stream.indirect_vreg.gather [hbm4b:s3+s2], $0x80, v19, vm0, $0xb8;
	[tilespmem:$0x15200] =	vst v63  }
0xaf: {  	v18 =	vadd.s32 v3, v18;
	s13 =	simm.s32 $0x2080  }
0xb0: {  	[tilespmem:s13], [sflag:$0x1] =	stream.indirect_vreg.gather [hbm4b:s3+s2], $0x80, v20, vm0, $0xb8;
	[tilespmem:$0x15200] =	vst v63  }
0xb1: {  	s14 =	simm.s32 $0x2100  }
0xb2: {  	[tilespmem:s14], [sflag:$0x1] =	stream.indirect_vreg.gather [hbm4b:s3+s2], $0x80, v57, vm0, $0xb8;
	[tilespmem:$0x15200] =	vst v63  }
0xb3: {  	s12 =	simm.s32 $0x2180  }
0xb4: {  	[tilespmem:s12], [sflag:$0x1] =	stream.indirect_vreg.gather [hbm4b:s3+s2], $0x80, v18, vm0, $0xb8;
	[tilespmem:$0x15200] =	vst v63  }
0xb5: {  	v18 =	vld [tilespmem:$0x40];
	_ =	sdelay $0x4  }
0xb6: {  	v19 =	vshll.u32 v18, $0x1  }
0xb7: {  	v18 =	vand.u32 $0x7, v18;
	v19 =	vand.u32 $0xFFFFFFF0, v19  }
0xb8: {  	v18 =	vor.u32 v18, v19  }
0xb9: {  	v19 =	vperm.xlane v18, v2;
	_ =	sdelay $0x1  }
0xba: {  	v20 =	vperm.xlane v18, v1;
	v19 =	vadd.s32 v3, v19;
	_ =	sdelay $0x1  }
0xbb: {  	v58 =	vperm.xlane v18, v4;
	v20 =	vadd.s32 v3, v20;
	_ =	sdelay $0x1  }
0xbc: {  	s13 =	simm.s32 $0x2200;
	v59 =	vperm.xlane v18, v5;
	v21 =	vadd.s32 v3, v58  }
0xbd: {  	[tilespmem:s13], [sflag:$0x1] =	stream.indirect_vreg.gather [hbm4b:s3+s2], $0x80, v19, vm0, $0xb8;
	[tilespmem:$0x15200] =	vst v63  }
0xbe: {  	s14 =	simm.s32 $0x2280;
	v60 =	vperm.xlane v18, v6;
	v19 =	vadd.s32 v3, v59  }
0xbf: {  	[tilespmem:s14], [sflag:$0x1] =	stream.indirect_vreg.gather [hbm4b:s3+s2], $0x80, v20, vm0, $0xb8;
	[tilespmem:$0x15200] =	vst v63  }
0xc0: {  	s12 =	simm.s32 $0x2300;
	v61 =	vperm.xlane v18, v7;
	v20 =	vadd.s32 v3, v60  }
0xc1: {  	[tilespmem:s12], [sflag:$0x1] =	stream.indirect_vreg.gather [hbm4b:s3+s2], $0x80, v21, vm0, $0xb8;
	[tilespmem:$0x15200] =	vst v63  }
0xc2: {  	v63 =	vperm.xlane v18, v8;
	v62 =	vadd.s32 v3, v61;
	s13 =	simm.s32 $0x2380  }
0xc3: {  	[tilespmem:s13], [sflag:$0x1] =	stream.indirect_vreg.gather [hbm4b:s3+s2], $0x80, v19, vm0, $0xb8;
	[tilespmem:$0x15200] =	vst v63  }
0xc4: {  	v24 =	vperm.xlane v18, v0;
	s14 =	simm.s32 $0x2400;
	v19 =	vadd.s32 v3, v63  }
0xc5: {  	[tilespmem:s14], [sflag:$0x1] =	stream.indirect_vreg.gather [hbm4b:s3+s2], $0x80, v20, vm0, $0xb8;
	[tilespmem:$0x15200] =	vst v63  }
0xc6: {  	v25 =	vperm.xlane v18, v9;
	s12 =	simm.s32 $0x2480;
	v20 =	vadd.s32 v3, v24  }
0xc7: {  	[tilespmem:s12], [sflag:$0x1] =	stream.indirect_vreg.gather [hbm4b:s3+s2], $0x80, v62, vm0, $0xb8;
	[tilespmem:$0x15200] =	vst v63  }
0xc8: {  	v27 =	vperm.xlane v18, v10;
	v26 =	vadd.s32 v3, v25;
	s13 =	simm.s32 $0x2500  }
0xc9: {  	[tilespmem:s13], [sflag:$0x1] =	stream.indirect_vreg.gather [hbm4b:s3+s2], $0x80, v19, vm0, $0xb8;
	[tilespmem:$0x15200] =	vst v63  }
0xca: {  	v28 =	vperm.xlane v18, v11;
	s14 =	simm.s32 $0x2580;
	v19 =	vadd.s32 v3, v27  }
0xcb: {  	[tilespmem:s14], [sflag:$0x1] =	stream.indirect_vreg.gather [hbm4b:s3+s2], $0x80, v20, vm0, $0xb8;
	[tilespmem:$0x15200] =	vst v63  }
0xcc: {  	v29 =	vperm.xlane v18, v12;
	s12 =	simm.s32 $0x2600;
	v20 =	vadd.s32 v3, v28  }
0xcd: {  	[tilespmem:s12], [sflag:$0x1] =	stream.indirect_vreg.gather [hbm4b:s3+s2], $0x80, v26, vm0, $0xb8;
	[tilespmem:$0x15200] =	vst v63  }
0xce: {  	v31 =	vperm.xlane v18, v13;
	v30 =	vadd.s32 v3, v29;
	s13 =	simm.s32 $0x2680  }
0xcf: {  	[tilespmem:s13], [sflag:$0x1] =	stream.indirect_vreg.gather [hbm4b:s3+s2], $0x80, v19, vm0, $0xb8;
	[tilespmem:$0x15200] =	vst v63  }
0xd0: {  	v32 =	vperm.xlane v18, v14;
	s14 =	simm.s32 $0x2700;
	v19 =	vadd.s32 v3, v31  }
0xd1: {  	[tilespmem:s14], [sflag:$0x1] =	stream.indirect_vreg.gather [hbm4b:s3+s2], $0x80, v20, vm0, $0xb8;
	[tilespmem:$0x15200] =	vst v63  }
0xd2: {  	v33 =	vperm.xlane v18, v15;
	s12 =	simm.s32 $0x2780;
	v20 =	vadd.s32 v3, v32  }
0xd3: {  	[tilespmem:s12], [sflag:$0x1] =	stream.indirect_vreg.gather [hbm4b:s3+s2], $0x80, v30, vm0, $0xb8;
	[tilespmem:$0x15200] =	vst v63  }
0xd4: {  	v18 =	vperm.xlane v18, v16;
	v34 =	vadd.s32 v3, v33;
	s13 =	simm.s32 $0x2800  }
0xd5: {  	[tilespmem:s13], [sflag:$0x1] =	stream.indirect_vreg.gather [hbm4b:s3+s2], $0x80, v19, vm0, $0xb8;
	[tilespmem:$0x15200] =	vst v63  }
0xd6: {  	v18 =	vadd.s32 v3, v18;
	s14 =	simm.s32 $0x2880  }
0xd7: {  	[tilespmem:s14], [sflag:$0x1] =	stream.indirect_vreg.gather [hbm4b:s3+s2], $0x80, v20, vm0, $0xb8;
	[tilespmem:$0x15200] =	vst v63  }
0xd8: {  	s12 =	simm.s32 $0x2900  }
0xd9: {  	[tilespmem:s12], [sflag:$0x1] =	stream.indirect_vreg.gather [hbm4b:s3+s2], $0x80, v34, vm0, $0xb8;
	[tilespmem:$0x15200] =	vst v63  }
0xda: {  	s13 =	simm.s32 $0x2980  }
0xdb: {  	[tilespmem:s13], [sflag:$0x1] =	stream.indirect_vreg.gather [hbm4b:s3+s2], $0x80, v18, vm0, $0xb8;
	[tilespmem:$0x15200] =	vst v63  }
0xdc: {  	v18 =	vld [tilespmem:$0x50];
	_ =	sdelay $0x4  }
0xdd: {  	v19 =	vshll.u32 v18, $0x1  }
0xde: {  	v18 =	vand.u32 $0x7, v18;
	v19 =	vand.u32 $0xFFFFFFF0, v19  }
0xdf: {  	v18 =	vor.u32 v18, v19  }
0xe0: {  	v19 =	vperm.xlane v18, v2;
	_ =	sdelay $0x1  }
0xe1: {  	v20 =	vperm.xlane v18, v1;
	v19 =	vadd.s32 v3, v19;
	_ =	sdelay $0x1  }
0xe2: {  	v35 =	vperm.xlane v18, v4;
	v20 =	vadd.s32 v3, v20;
	_ =	sdelay $0x1  }
0xe3: {  	s14 =	simm.s32 $0x2A00;
	v36 =	vperm.xlane v18, v5;
	v21 =	vadd.s32 v3, v35  }
0xe4: {  	[tilespmem:s14], [sflag:$0x1] =	stream.indirect_vreg.gather [hbm4b:s3+s2], $0x80, v19, vm0, $0xb8;
	[tilespmem:$0x15200] =	vst v63  }
0xe5: {  	s12 =	simm.s32 $0x2A80;
	v37 =	vperm.xlane v18, v6;
	v19 =	vadd.s32 v3, v36  }
0xe6: {  	[tilespmem:s12], [sflag:$0x1] =	stream.indirect_vreg.gather [hbm4b:s3+s2], $0x80, v20, vm0, $0xb8;
	[tilespmem:$0x15200] =	vst v63  }
0xe7: {  	s13 =	simm.s32 $0x2B00;
	v38 =	vperm.xlane v18, v7;
	v20 =	vadd.s32 v3, v37  }
0xe8: {  	[tilespmem:s13], [sflag:$0x1] =	stream.indirect_vreg.gather [hbm4b:s3+s2], $0x80, v21, vm0, $0xb8;
	[tilespmem:$0x15200] =	vst v63  }
0xe9: {  	v40 =	vperm.xlane v18, v8;
	v39 =	vadd.s32 v3, v38;
	s14 =	simm.s32 $0x2B80  }
0xea: {  	[tilespmem:s14], [sflag:$0x1] =	stream.indirect_vreg.gather [hbm4b:s3+s2], $0x80, v19, vm0, $0xb8;
	[tilespmem:$0x15200] =	vst v63  }
0xeb: {  	v41 =	vperm.xlane v18, v0;
	s12 =	simm.s32 $0x2C00;
	v19 =	vadd.s32 v3, v40  }
0xec: {  	[tilespmem:s12], [sflag:$0x1] =	stream.indirect_vreg.gather [hbm4b:s3+s2], $0x80, v20, vm0, $0xb8;
	[tilespmem:$0x15200] =	vst v63  }
0xed: {  	v42 =	vperm.xlane v18, v9;
	s13 =	simm.s32 $0x2C80;
	v20 =	vadd.s32 v3, v41  }
0xee: {  	[tilespmem:s13], [sflag:$0x1] =	stream.indirect_vreg.gather [hbm4b:s3+s2], $0x80, v39, vm0, $0xb8;
	[tilespmem:$0x15200] =	vst v63  }
0xef: {  	v44 =	vperm.xlane v18, v10;
	v43 =	vadd.s32 v3, v42;
	s14 =	simm.s32 $0x2D00  }
0xf0: {  	[tilespmem:s14], [sflag:$0x1] =	stream.indirect_vreg.gather [hbm4b:s3+s2], $0x80, v19, vm0, $0xb8;
	[tilespmem:$0x15200] =	vst v63  }
0xf1: {  	v45 =	vperm.xlane v18, v11;
	s12 =	simm.s32 $0x2D80;
	v19 =	vadd.s32 v3, v44  }
0xf2: {  	[tilespmem:s12], [sflag:$0x1] =	stream.indirect_vreg.gather [hbm4b:s3+s2], $0x80, v20, vm0, $0xb8;
	[tilespmem:$0x15200] =	vst v63  }
0xf3: {  	v46 =	vperm.xlane v18, v12;
	s13 =	simm.s32 $0x2E00;
	v20 =	vadd.s32 v3, v45  }
0xf4: {  	[tilespmem:s13], [sflag:$0x1] =	stream.indirect_vreg.gather [hbm4b:s3+s2], $0x80, v43, vm0, $0xb8;
	[tilespmem:$0x15200] =	vst v63  }
0xf5: {  	v48 =	vperm.xlane v18, v13;
	v47 =	vadd.s32 v3, v46;
	s14 =	simm.s32 $0x2E80  }
0xf6: {  	[tilespmem:s14], [sflag:$0x1] =	stream.indirect_vreg.gather [hbm4b:s3+s2], $0x80, v19, vm0, $0xb8;
	[tilespmem:$0x15200] =	vst v63  }
0xf7: {  	v49 =	vperm.xlane v18, v14;
	s12 =	simm.s32 $0x2F00;
	v19 =	vadd.s32 v3, v48  }
0xf8: {  	[tilespmem:s12], [sflag:$0x1] =	stream.indirect_vreg.gather [hbm4b:s3+s2], $0x80, v20, vm0, $0xb8;
	[tilespmem:$0x15200] =	vst v63  }
0xf9: {  	v50 =	vperm.xlane v18, v15;
	s13 =	simm.s32 $0x2F80;
	v20 =	vadd.s32 v3, v49  }
0xfa: {  	[tilespmem:s13], [sflag:$0x1] =	stream.indirect_vreg.gather [hbm4b:s3+s2], $0x80, v47, vm0, $0xb8;
	[tilespmem:$0x15200] =	vst v63  }
0xfb: {  	v18 =	vperm.xlane v18, v16;
	v51 =	vadd.s32 v3, v50;
	s14 =	simm.s32 $0x3000  }
0xfc: {  	[tilespmem:s14], [sflag:$0x1] =	stream.indirect_vreg.gather [hbm4b:s3+s2], $0x80, v19, vm0, $0xb8;
	[tilespmem:$0x15200] =	vst v63  }
0xfd: {  	v18 =	vadd.s32 v3, v18;
	s12 =	simm.s32 $0x3080  }
0xfe: {  	[tilespmem:s12], [sflag:$0x1] =	stream.indirect_vreg.gather [hbm4b:s3+s2], $0x80, v20, vm0, $0xb8;
	[tilespmem:$0x15200] =	vst v63  }
0xff: {  	s13 =	simm.s32 $0x3100  }
0x100: {  	[tilespmem:s13], [sflag:$0x1] =	stream.indirect_vreg.gather [hbm4b:s3+s2], $0x80, v51, vm0, $0xb8;
	[tilespmem:$0x15200] =	vst v63  }
0x101: {  	s14 =	simm.s32 $0x3180  }
0x102: {  	[tilespmem:s14], [sflag:$0x1] =	stream.indirect_vreg.gather [hbm4b:s3+s2], $0x80, v18, vm0, $0xb8;
	[tilespmem:$0x15200] =	vst v63  }
0x103: {  	v18 =	vld [tilespmem:$0x60];
	_ =	sdelay $0x4  }
0x104: {  	v19 =	vshll.u32 v18, $0x1  }
0x105: {  	v18 =	vand.u32 $0x7, v18;
	v19 =	vand.u32 $0xFFFFFFF0, v19  }
0x106: {  	v18 =	vor.u32 v18, v19  }
0x107: {  	v19 =	vperm.xlane v18, v2;
	_ =	sdelay $0x1  }
0x108: {  	v20 =	vperm.xlane v18, v1;
	v19 =	vadd.s32 v3, v19;
	_ =	sdelay $0x1  }
0x109: {  	v52 =	vperm.xlane v18, v4;
	v20 =	vadd.s32 v3, v20;
	_ =	sdelay $0x1  }
0x10a: {  	s12 =	simm.s32 $0x3200;
	v53 =	vperm.xlane v18, v5;
	v21 =	vadd.s32 v3, v52  }
0x10b: {  	[tilespmem:s12], [sflag:$0x1] =	stream.indirect_vreg.gather [hbm4b:s3+s2], $0x80, v19, vm0, $0xb8;
	[tilespmem:$0x15200] =	vst v63  }
0x10c: {  	s13 =	simm.s32 $0x3280;
	v54 =	vperm.xlane v18, v6;
	v19 =	vadd.s32 v3, v53  }
0x10d: {  	[tilespmem:s13], [sflag:$0x1] =	stream.indirect_vreg.gather [hbm4b:s3+s2], $0x80, v20, vm0, $0xb8;
	[tilespmem:$0x15200] =	vst v63  }
0x10e: {  	s14 =	simm.s32 $0x3300;
	v55 =	vperm.xlane v18, v7;
	v20 =	vadd.s32 v3, v54  }
0x10f: {  	[tilespmem:s14], [sflag:$0x1] =	stream.indirect_vreg.gather [hbm4b:s3+s2], $0x80, v21, vm0, $0xb8;
	[tilespmem:$0x15200] =	vst v63  }
0x110: {  	v57 =	vperm.xlane v18, v8;
	v56 =	vadd.s32 v3, v55;
	s12 =	simm.s32 $0x3380  }
0x111: {  	[tilespmem:s12], [sflag:$0x1] =	stream.indirect_vreg.gather [hbm4b:s3+s2], $0x80, v19, vm0, $0xb8;
	[tilespmem:$0x15200] =	vst v63  }
0x112: {  	v58 =	vperm.xlane v18, v0;
	s13 =	simm.s32 $0x3400;
	v19 =	vadd.s32 v3, v57  }
0x113: {  	[tilespmem:s13], [sflag:$0x1] =	stream.indirect_vreg.gather [hbm4b:s3+s2], $0x80, v20, vm0, $0xb8;
	[tilespmem:$0x15200] =	vst v63  }
0x114: {  	v59 =	vperm.xlane v18, v9;
	s14 =	simm.s32 $0x3480;
	v20 =	vadd.s32 v3, v58  }
0x115: {  	[tilespmem:s14], [sflag:$0x1] =	stream.indirect_vreg.gather [hbm4b:s3+s2], $0x80, v56, vm0, $0xb8;
	[tilespmem:$0x15200] =	vst v63  }
0x116: {  	v61 =	vperm.xlane v18, v10;
	v60 =	vadd.s32 v3, v59;
	s12 =	simm.s32 $0x3500  }
0x117: {  	[tilespmem:s12], [sflag:$0x1] =	stream.indirect_vreg.gather [hbm4b:s3+s2], $0x80, v19, vm0, $0xb8;
	[tilespmem:$0x15200] =	vst v63  }
0x118: {  	v62 =	vperm.xlane v18, v11;
	s13 =	simm.s32 $0x3580;
	v19 =	vadd.s32 v3, v61  }
0x119: {  	[tilespmem:s13], [sflag:$0x1] =	stream.indirect_vreg.gather [hbm4b:s3+s2], $0x80, v20, vm0, $0xb8;
	[tilespmem:$0x15200] =	vst v63  }
0x11a: {  	v63 =	vperm.xlane v18, v12;
	s14 =	simm.s32 $0x3600;
	v20 =	vadd.s32 v3, v62  }
0x11b: {  	[tilespmem:s14], [sflag:$0x1] =	stream.indirect_vreg.gather [hbm4b:s3+s2], $0x80, v60, vm0, $0xb8;
	[tilespmem:$0x15200] =	vst v63  }
0x11c: {  	v25 =	vperm.xlane v18, v13;
	v24 =	vadd.s32 v3, v63;
	s12 =	simm.s32 $0x3680  }
0x11d: {  	[tilespmem:s12], [sflag:$0x1] =	stream.indirect_vreg.gather [hbm4b:s3+s2], $0x80, v19, vm0, $0xb8;
	[tilespmem:$0x15200] =	vst v63  }
0x11e: {  	v26 =	vperm.xlane v18, v14;
	s13 =	simm.s32 $0x3700;
	v19 =	vadd.s32 v3, v25  }
0x11f: {  	[tilespmem:s13], [sflag:$0x1] =	stream.indirect_vreg.gather [hbm4b:s3+s2], $0x80, v20, vm0, $0xb8;
	[tilespmem:$0x15200] =	vst v63  }
0x120: {  	v27 =	vperm.xlane v18, v15;
	s14 =	simm.s32 $0x3780;
	v20 =	vadd.s32 v3, v26  }
0x121: {  	[tilespmem:s14], [sflag:$0x1] =	stream.indirect_vreg.gather [hbm4b:s3+s2], $0x80, v24, vm0, $0xb8;
	[tilespmem:$0x15200] =	vst v63  }
0x122: {  	v18 =	vperm.xlane v18, v16;
	v28 =	vadd.s32 v3, v27;
	s12 =	simm.s32 $0x3800  }
0x123: {  	[tilespmem:s12], [sflag:$0x1] =	stream.indirect_vreg.gather [hbm4b:s3+s2], $0x80, v19, vm0, $0xb8;
	[tilespmem:$0x15200] =	vst v63  }
0x124: {  	v18 =	vadd.s32 v3, v18;
	s13 =	simm.s32 $0x3880  }
0x125: {  	[tilespmem:s13], [sflag:$0x1] =	stream.indirect_vreg.gather [hbm4b:s3+s2], $0x80, v20, vm0, $0xb8;
	[tilespmem:$0x15200] =	vst v63  }
0x126: {  	s14 =	simm.s32 $0x3900  }
0x127: {  	[tilespmem:s14], [sflag:$0x1] =	stream.indirect_vreg.gather [hbm4b:s3+s2], $0x80, v28, vm0, $0xb8;
	[tilespmem:$0x15200] =	vst v63  }
0x128: {  	s12 =	simm.s32 $0x3980  }
0x129: {  	[tilespmem:s12], [sflag:$0x1] =	stream.indirect_vreg.gather [hbm4b:s3+s2], $0x80, v18, vm0, $0xb8;
	[tilespmem:$0x15200] =	vst v63  }
0x12a: {  	v18 =	vld [tilespmem:$0x70];
	_ =	sdelay $0x4  }
0x12b: {  	v19 =	vshll.u32 v18, $0x1  }
0x12c: {  	v18 =	vand.u32 $0x7, v18;
	v19 =	vand.u32 $0xFFFFFFF0, v19  }
0x12d: {  	v18 =	vor.u32 v18, v19  }
0x12e: {  	v19 =	vperm.xlane v18, v2;
	_ =	sdelay $0x1  }
0x12f: {  	v20 =	vperm.xlane v18, v1;
	v19 =	vadd.s32 v3, v19;
	_ =	sdelay $0x1  }
0x130: {  	v29 =	vperm.xlane v18, v4;
	v20 =	vadd.s32 v3, v20;
	_ =	sdelay $0x1  }
0x131: {  	s13 =	simm.s32 $0x3A00;
	v30 =	vperm.xlane v18, v5;
	v21 =	vadd.s32 v3, v29  }
0x132: {  	[tilespmem:s13], [sflag:$0x1] =	stream.indirect_vreg.gather [hbm4b:s3+s2], $0x80, v19, vm0, $0xb8;
	[tilespmem:$0x15200] =	vst v63  }
0x133: {  	s14 =	simm.s32 $0x3A80;
	v31 =	vperm.xlane v18, v6;
	v19 =	vadd.s32 v3, v30  }
0x134: {  	[tilespmem:s14], [sflag:$0x1] =	stream.indirect_vreg.gather [hbm4b:s3+s2], $0x80, v20, vm0, $0xb8;
	[tilespmem:$0x15200] =	vst v63  }
0x135: {  	s12 =	simm.s32 $0x3B00;
	v32 =	vperm.xlane v18, v7;
	v20 =	vadd.s32 v3, v31  }
0x136: {  	[tilespmem:s12], [sflag:$0x1] =	stream.indirect_vreg.gather [hbm4b:s3+s2], $0x80, v21, vm0, $0xb8;
	[tilespmem:$0x15200] =	vst v63  }
0x137: {  	v34 =	vperm.xlane v18, v8;
	v33 =	vadd.s32 v3, v32;
	s13 =	simm.s32 $0x3B80  }
0x138: {  	[tilespmem:s13], [sflag:$0x1] =	stream.indirect_vreg.gather [hbm4b:s3+s2], $0x80, v19, vm0, $0xb8;
	[tilespmem:$0x15200] =	vst v63  }
0x139: {  	v35 =	vperm.xlane v18, v0;
	s14 =	simm.s32 $0x3C00;
	v19 =	vadd.s32 v3, v34  }
0x13a: {  	[tilespmem:s14], [sflag:$0x1] =	stream.indirect_vreg.gather [hbm4b:s3+s2], $0x80, v20, vm0, $0xb8;
	[tilespmem:$0x15200] =	vst v63  }
0x13b: {  	v36 =	vperm.xlane v18, v9;
	s12 =	simm.s32 $0x3C80;
	v20 =	vadd.s32 v3, v35  }
0x13c: {  	[tilespmem:s12], [sflag:$0x1] =	stream.indirect_vreg.gather [hbm4b:s3+s2], $0x80, v33, vm0, $0xb8;
	[tilespmem:$0x15200] =	vst v63  }
0x13d: {  	v38 =	vperm.xlane v18, v10;
	v37 =	vadd.s32 v3, v36;
	s13 =	simm.s32 $0x3D00  }
0x13e: {  	[tilespmem:s13], [sflag:$0x1] =	stream.indirect_vreg.gather [hbm4b:s3+s2], $0x80, v19, vm0, $0xb8;
	[tilespmem:$0x15200] =	vst v63  }
0x13f: {  	v39 =	vperm.xlane v18, v11;
	s14 =	simm.s32 $0x3D80;
	v19 =	vadd.s32 v3, v38  }
0x140: {  	[tilespmem:s14], [sflag:$0x1] =	stream.indirect_vreg.gather [hbm4b:s3+s2], $0x80, v20, vm0, $0xb8;
	[tilespmem:$0x15200] =	vst v63  }
0x141: {  	v40 =	vperm.xlane v18, v12;
	s12 =	simm.s32 $0x3E00;
	v20 =	vadd.s32 v3, v39  }
0x142: {  	[tilespmem:s12], [sflag:$0x1] =	stream.indirect_vreg.gather [hbm4b:s3+s2], $0x80, v37, vm0, $0xb8;
	[tilespmem:$0x15200] =	vst v63  }
0x143: {  	v42 =	vperm.xlane v18, v13;
	v41 =	vadd.s32 v3, v40;
	s13 =	simm.s32 $0x3E80  }
0x144: {  	[tilespmem:s13], [sflag:$0x1] =	stream.indirect_vreg.gather [hbm4b:s3+s2], $0x80, v19, vm0, $0xb8;
	[tilespmem:$0x15200] =	vst v63  }
0x145: {  	v43 =	vperm.xlane v18, v14;
	s14 =	simm.s32 $0x3F00;
	v19 =	vadd.s32 v3, v42  }
0x146: {  	[tilespmem:s14], [sflag:$0x1] =	stream.indirect_vreg.gather [hbm4b:s3+s2], $0x80, v20, vm0, $0xb8;
	[tilespmem:$0x15200] =	vst v63  }
0x147: {  	v44 =	vperm.xlane v18, v15;
	s12 =	simm.s32 $0x3F80;
	v20 =	vadd.s32 v3, v43  }
0x148: {  	[tilespmem:s12], [sflag:$0x1] =	stream.indirect_vreg.gather [hbm4b:s3+s2], $0x80, v41, vm0, $0xb8;
	[tilespmem:$0x15200] =	vst v63  }
0x149: {  	v18 =	vperm.xlane v18, v16;
	v45 =	vadd.s32 v3, v44;
	s13 =	simm.s32 $0x4000  }
0x14a: {  	[tilespmem:s13], [sflag:$0x1] =	stream.indirect_vreg.gather [hbm4b:s3+s2], $0x80, v19, vm0, $0xb8;
	[tilespmem:$0x15200] =	vst v63  }
0x14b: {  	v18 =	vadd.s32 v3, v18;
	s14 =	simm.s32 $0x4080  }
0x14c: {  	[tilespmem:s14], [sflag:$0x1] =	stream.indirect_vreg.gather [hbm4b:s3+s2], $0x80, v20, vm0, $0xb8;
	[tilespmem:$0x15200] =	vst v63  }
0x14d: {  	s12 =	simm.s32 $0x4100  }
0x14e: {  	[tilespmem:s12], [sflag:$0x1] =	stream.indirect_vreg.gather [hbm4b:s3+s2], $0x80, v45, vm0, $0xb8;
	[tilespmem:$0x15200] =	vst v63  }
0x14f: {  	s13 =	simm.s32 $0x4180  }
0x150: {  	[tilespmem:s13], [sflag:$0x1] =	stream.indirect_vreg.gather [hbm4b:s3+s2], $0x80, v18, vm0, $0xb8;
	[tilespmem:$0x15200] =	vst v63  }
0x151: {  	_ = 	snop  }
0x152: {  	[tilespmem:s16], [sflag:$0x3] =	stream.indirect.gather [hbm4b:s4+s15], $0x80, s2, s15, $0xb8;
	[tilespmem:$0x15200] =	vst v63  }
0x153: {  	s11 =	simm.s32 $0x10200;
	s12 =	rddreg [dreg:$0x5]  }
0x154: {  	[tilespmem:s11], [sflag:$0x5] =	stream.linear.gather [hbm4b:s12+s2], $0x2800, $0x38;
	[tilespmem:$0x15200] =	vst v63  }
0x155: {  	_ =	swait.ge [sflag:s9], $0x2800  }
0x156: {  	[sflag:s9] =	ssyncset.done $0x0  }
0x157: {  	[sflag:s9] =	ssyncadd.s32 $0xFFFFD800  }
0x158: {  	v18 =	vld [tilespmem:$0x80];
	_ =	sdelay $0x4  }
0x159: {  	v19 =	vshll.u32 v18, $0x1  }
0x15a: {  	v18 =	vand.u32 $0x7, v18;
	v19 =	vand.u32 $0xFFFFFFF0, v19  }
0x15b: {  	v18 =	vor.u32 v18, v19  }
0x15c: {  	v19 =	vperm.xlane v18, v2;
	_ =	sdelay $0x1  }
0x15d: {  	v20 =	vperm.xlane v18, v1;
	v19 =	vadd.s32 v3, v19;
	_ =	sdelay $0x1  }
0x15e: {  	v46 =	vperm.xlane v18, v4;
	v20 =	vadd.s32 v3, v20;
	_ =	sdelay $0x1  }
0x15f: {  	v47 =	vperm.xlane v18, v5;
	v21 =	vadd.s32 v3, v46  }
0x160: {  	[tilespmem:s17], [sflag:$0x2] =	stream.indirect_vreg.gather [hbm4b:s3+s2], $0x80, v19, vm0, $0xb8;
	[tilespmem:$0x15200] =	vst v63  }
0x161: {  	s14 =	simm.s32 $0x4280;
	v48 =	vperm.xlane v18, v6;
	v19 =	vadd.s32 v3, v47  }
0x162: {  	[tilespmem:s14], [sflag:$0x2] =	stream.indirect_vreg.gather [hbm4b:s3+s2], $0x80, v20, vm0, $0xb8;
	[tilespmem:$0x15200] =	vst v63  }
0x163: {  	s13 =	simm.s32 $0x4300;
	v49 =	vperm.xlane v18, v7;
	v20 =	vadd.s32 v3, v48  }
0x164: {  	[tilespmem:s13], [sflag:$0x2] =	stream.indirect_vreg.gather [hbm4b:s3+s2], $0x80, v21, vm0, $0xb8;
	[tilespmem:$0x15200] =	vst v63  }
0x165: {  	v51 =	vperm.xlane v18, v8;
	v50 =	vadd.s32 v3, v49;
	s14 =	simm.s32 $0x4380  }
0x166: {  	[tilespmem:s14], [sflag:$0x2] =	stream.indirect_vreg.gather [hbm4b:s3+s2], $0x80, v19, vm0, $0xb8;
	[tilespmem:$0x15200] =	vst v63  }
0x167: {  	v52 =	vperm.xlane v18, v0;
	s13 =	simm.s32 $0x4400;
	v19 =	vadd.s32 v3, v51  }
0x168: {  	[tilespmem:s13], [sflag:$0x2] =	stream.indirect_vreg.gather [hbm4b:s3+s2], $0x80, v20, vm0, $0xb8;
	[tilespmem:$0x15200] =	vst v63  }
0x169: {  	v53 =	vperm.xlane v18, v9;
	s14 =	simm.s32 $0x4480;
	v20 =	vadd.s32 v3, v52  }
0x16a: {  	[tilespmem:s14], [sflag:$0x2] =	stream.indirect_vreg.gather [hbm4b:s3+s2], $0x80, v50, vm0, $0xb8;
	[tilespmem:$0x15200] =	vst v63  }
0x16b: {  	v55 =	vperm.xlane v18, v10;
	v54 =	vadd.s32 v3, v53;
	s13 =	simm.s32 $0x4500  }
0x16c: {  	[tilespmem:s13], [sflag:$0x2] =	stream.indirect_vreg.gather [hbm4b:s3+s2], $0x80, v19, vm0, $0xb8;
	[tilespmem:$0x15200] =	vst v63  }
0x16d: {  	v56 =	vperm.xlane v18, v11;
	s14 =	simm.s32 $0x4580;
	v19 =	vadd.s32 v3, v55  }
0x16e: {  	[tilespmem:s14], [sflag:$0x2] =	stream.indirect_vreg.gather [hbm4b:s3+s2], $0x80, v20, vm0, $0xb8;
	[tilespmem:$0x15200] =	vst v63  }
0x16f: {  	v57 =	vperm.xlane v18, v12;
	s13 =	simm.s32 $0x4600;
	v20 =	vadd.s32 v3, v56  }
0x170: {  	[tilespmem:s13], [sflag:$0x2] =	stream.indirect_vreg.gather [hbm4b:s3+s2], $0x80, v54, vm0, $0xb8;
	[tilespmem:$0x15200] =	vst v63  }
0x171: {  	v59 =	vperm.xlane v18, v13;
	v58 =	vadd.s32 v3, v57;
	s14 =	simm.s32 $0x4680  }
0x172: {  	[tilespmem:s14], [sflag:$0x2] =	stream.indirect_vreg.gather [hbm4b:s3+s2], $0x80, v19, vm0, $0xb8;
	[tilespmem:$0x15200] =	vst v63  }
0x173: {  	v60 =	vperm.xlane v18, v14;
	s13 =	simm.s32 $0x4700;
	v19 =	vadd.s32 v3, v59  }
0x174: {  	[tilespmem:s13], [sflag:$0x2] =	stream.indirect_vreg.gather [hbm4b:s3+s2], $0x80, v20, vm0, $0xb8;
	[tilespmem:$0x15200] =	vst v63  }
0x175: {  	v61 =	vperm.xlane v18, v15;
	s14 =	simm.s32 $0x4780;
	v20 =	vadd.s32 v3, v60  }
0x176: {  	[tilespmem:s14], [sflag:$0x2] =	stream.indirect_vreg.gather [hbm4b:s3+s2], $0x80, v58, vm0, $0xb8;
	[tilespmem:$0x15200] =	vst v63  }
0x177: {  	v18 =	vperm.xlane v18, v16;
	v62 =	vadd.s32 v3, v61;
	s13 =	simm.s32 $0x4800  }
0x178: {  	[tilespmem:s13], [sflag:$0x2] =	stream.indirect_vreg.gather [hbm4b:s3+s2], $0x80, v19, vm0, $0xb8;
	[tilespmem:$0x15200] =	vst v63  }
0x179: {  	v18 =	vadd.s32 v3, v18;
	s14 =	simm.s32 $0x4880  }
0x17a: {  	[tilespmem:s14], [sflag:$0x2] =	stream.indirect_vreg.gather [hbm4b:s3+s2], $0x80, v20, vm0, $0xb8;
	[tilespmem:$0x15200] =	vst v63  }
0x17b: {  	s13 =	simm.s32 $0x4900  }
0x17c: {  	[tilespmem:s13], [sflag:$0x2] =	stream.indirect_vreg.gather [hbm4b:s3+s2], $0x80, v62, vm0, $0xb8;
	[tilespmem:$0x15200] =	vst v63  }
0x17d: {  	s14 =	simm.s32 $0x4980  }
0x17e: {  	[tilespmem:s14], [sflag:$0x2] =	stream.indirect_vreg.gather [hbm4b:s3+s2], $0x80, v18, vm0, $0xb8;
	[tilespmem:$0x15200] =	vst v63  }
0x17f: {  	v18 =	vld [tilespmem:$0x90];
	_ =	sdelay $0x4  }
0x180: {  	v19 =	vshll.u32 v18, $0x1  }
0x181: {  	v18 =	vand.u32 $0x7, v18;
	v19 =	vand.u32 $0xFFFFFFF0, v19  }
0x182: {  	v18 =	vor.u32 v18, v19  }
0x183: {  	v19 =	vperm.xlane v18, v2;
	_ =	sdelay $0x1  }
0x184: {  	v20 =	vperm.xlane v18, v1;
	v19 =	vadd.s32 v3, v19;
	_ =	sdelay $0x1  }
0x185: {  	v63 =	vperm.xlane v18, v4;
	v20 =	vadd.s32 v3, v20;
	_ =	sdelay $0x1  }
0x186: {  	s13 =	simm.s32 $0x4A00;
	v24 =	vperm.xlane v18, v5;
	v21 =	vadd.s32 v3, v63  }
0x187: {  	[tilespmem:s13], [sflag:$0x2] =	stream.indirect_vreg.gather [hbm4b:s3+s2], $0x80, v19, vm0, $0xb8;
	[tilespmem:$0x15200] =	vst v63  }
0x188: {  	s14 =	simm.s32 $0x4A80;
	v25 =	vperm.xlane v18, v6;
	v19 =	vadd.s32 v3, v24  }
0x189: {  	[tilespmem:s14], [sflag:$0x2] =	stream.indirect_vreg.gather [hbm4b:s3+s2], $0x80, v20, vm0, $0xb8;
	[tilespmem:$0x15200] =	vst v63  }
0x18a: {  	v26 =	vperm.xlane v18, v7;
	s13 =	simm.s32 $0x4B00;
	v20 =	vadd.s32 v3, v25  }
0x18b: {  	[tilespmem:s13], [sflag:$0x2] =	stream.indirect_vreg.gather [hbm4b:s3+s2], $0x80, v21, vm0, $0xb8;
	[tilespmem:$0x15200] =	vst v63  }
0x18c: {  	v28 =	vperm.xlane v18, v8;
	v27 =	vadd.s32 v3, v26;
	s14 =	simm.s32 $0x4B80  }
0x18d: {  	[tilespmem:s14], [sflag:$0x2] =	stream.indirect_vreg.gather [hbm4b:s3+s2], $0x80, v19, vm0, $0xb8;
	[tilespmem:$0x15200] =	vst v63  }
0x18e: {  	v29 =	vperm.xlane v18, v0;
	s13 =	simm.s32 $0x4C00;
	v19 =	vadd.s32 v3, v28  }
0x18f: {  	[tilespmem:s13], [sflag:$0x2] =	stream.indirect_vreg.gather [hbm4b:s3+s2], $0x80, v20, vm0, $0xb8;
	[tilespmem:$0x15200] =	vst v63  }
0x190: {  	v30 =	vperm.xlane v18, v9;
	s14 =	simm.s32 $0x4C80;
	v20 =	vadd.s32 v3, v29  }
0x191: {  	[tilespmem:s14], [sflag:$0x2] =	stream.indirect_vreg.gather [hbm4b:s3+s2], $0x80, v27, vm0, $0xb8;
	[tilespmem:$0x15200] =	vst v63  }
0x192: {  	v32 =	vperm.xlane v18, v10;
	v31 =	vadd.s32 v3, v30;
	s13 =	simm.s32 $0x4D00  }
0x193: {  	[tilespmem:s13], [sflag:$0x2] =	stream.indirect_vreg.gather [hbm4b:s3+s2], $0x80, v19, vm0, $0xb8;
	[tilespmem:$0x15200] =	vst v63  }
0x194: {  	v33 =	vperm.xlane v18, v11;
	s14 =	simm.s32 $0x4D80;
	v19 =	vadd.s32 v3, v32  }
0x195: {  	[tilespmem:s14], [sflag:$0x2] =	stream.indirect_vreg.gather [hbm4b:s3+s2], $0x80, v20, vm0, $0xb8;
	[tilespmem:$0x15200] =	vst v63  }
0x196: {  	v34 =	vperm.xlane v18, v12;
	s13 =	simm.s32 $0x4E00;
	v20 =	vadd.s32 v3, v33  }
0x197: {  	[tilespmem:s13], [sflag:$0x2] =	stream.indirect_vreg.gather [hbm4b:s3+s2], $0x80, v31, vm0, $0xb8;
	[tilespmem:$0x15200] =	vst v63  }
0x198: {  	v36 =	vperm.xlane v18, v13;
	v35 =	vadd.s32 v3, v34;
	s14 =	simm.s32 $0x4E80  }
0x199: {  	[tilespmem:s14], [sflag:$0x2] =	stream.indirect_vreg.gather [hbm4b:s3+s2], $0x80, v19, vm0, $0xb8;
	[tilespmem:$0x15200] =	vst v63  }
0x19a: {  	v37 =	vperm.xlane v18, v14;
	s13 =	simm.s32 $0x4F00;
	v19 =	vadd.s32 v3, v36  }
0x19b: {  	[tilespmem:s13], [sflag:$0x2] =	stream.indirect_vreg.gather [hbm4b:s3+s2], $0x80, v20, vm0, $0xb8;
	[tilespmem:$0x15200] =	vst v63  }
0x19c: {  	v38 =	vperm.xlane v18, v15;
	s14 =	simm.s32 $0x4F80;
	v20 =	vadd.s32 v3, v37  }
0x19d: {  	[tilespmem:s14], [sflag:$0x2] =	stream.indirect_vreg.gather [hbm4b:s3+s2], $0x80, v35, vm0, $0xb8;
	[tilespmem:$0x15200] =	vst v63  }
0x19e: {  	v18 =	vperm.xlane v18, v16;
	v39 =	vadd.s32 v3, v38;
	s13 =	simm.s32 $0x5000  }
0x19f: {  	[tilespmem:s13], [sflag:$0x2] =	stream.indirect_vreg.gather [hbm4b:s3+s2], $0x80, v19, vm0, $0xb8;
	[tilespmem:$0x15200] =	vst v63  }
0x1a0: {  	v18 =	vadd.s32 v3, v18;
	s14 =	simm.s32 $0x5080  }
0x1a1: {  	[tilespmem:s14], [sflag:$0x2] =	stream.indirect_vreg.gather [hbm4b:s3+s2], $0x80, v20, vm0, $0xb8;
	[tilespmem:$0x15200] =	vst v63  }
0x1a2: {  	s13 =	simm.s32 $0x5100  }
0x1a3: {  	[tilespmem:s13], [sflag:$0x2] =	stream.indirect_vreg.gather [hbm4b:s3+s2], $0x80, v39, vm0, $0xb8;
	[tilespmem:$0x15200] =	vst v63  }
0x1a4: {  	s14 =	simm.s32 $0x5180  }
0x1a5: {  	[tilespmem:s14], [sflag:$0x2] =	stream.indirect_vreg.gather [hbm4b:s3+s2], $0x80, v18, vm0, $0xb8;
	[tilespmem:$0x15200] =	vst v63  }
0x1a6: {  	v18 =	vld [tilespmem:$0xA0];
	_ =	sdelay $0x4  }
0x1a7: {  	v19 =	vshll.u32 v18, $0x1  }
0x1a8: {  	v18 =	vand.u32 $0x7, v18;
	v19 =	vand.u32 $0xFFFFFFF0, v19  }
0x1a9: {  	v18 =	vor.u32 v18, v19  }
0x1aa: {  	v19 =	vperm.xlane v18, v2;
	_ =	sdelay $0x1  }
0x1ab: {  	v20 =	vperm.xlane v18, v1;
	v19 =	vadd.s32 v3, v19;
	_ =	sdelay $0x1  }
0x1ac: {  	v40 =	vperm.xlane v18, v4;
	v20 =	vadd.s32 v3, v20;
	_ =	sdelay $0x1  }
0x1ad: {  	s13 =	simm.s32 $0x5200;
	v41 =	vperm.xlane v18, v5;
	v21 =	vadd.s32 v3, v40  }
0x1ae: {  	[tilespmem:s13], [sflag:$0x2] =	stream.indirect_vreg.gather [hbm4b:s3+s2], $0x80, v19, vm0, $0xb8;
	[tilespmem:$0x15200] =	vst v63  }
0x1af: {  	s14 =	simm.s32 $0x5280;
	v42 =	vperm.xlane v18, v6;
	v19 =	vadd.s32 v3, v41  }
0x1b0: {  	[tilespmem:s14], [sflag:$0x2] =	stream.indirect_vreg.gather [hbm4b:s3+s2], $0x80, v20, vm0, $0xb8;
	[tilespmem:$0x15200] =	vst v63  }
0x1b1: {  	v43 =	vperm.xlane v18, v7;
	s13 =	simm.s32 $0x5300;
	v20 =	vadd.s32 v3, v42  }
0x1b2: {  	[tilespmem:s13], [sflag:$0x2] =	stream.indirect_vreg.gather [hbm4b:s3+s2], $0x80, v21, vm0, $0xb8;
	[tilespmem:$0x15200] =	vst v63  }
0x1b3: {  	v45 =	vperm.xlane v18, v8;
	v44 =	vadd.s32 v3, v43;
	s14 =	simm.s32 $0x5380  }
0x1b4: {  	[tilespmem:s14], [sflag:$0x2] =	stream.indirect_vreg.gather [hbm4b:s3+s2], $0x80, v19, vm0, $0xb8;
	[tilespmem:$0x15200] =	vst v63  }
0x1b5: {  	v46 =	vperm.xlane v18, v0;
	s13 =	simm.s32 $0x5400;
	v19 =	vadd.s32 v3, v45  }
0x1b6: {  	[tilespmem:s13], [sflag:$0x2] =	stream.indirect_vreg.gather [hbm4b:s3+s2], $0x80, v20, vm0, $0xb8;
	[tilespmem:$0x15200] =	vst v63  }
0x1b7: {  	v47 =	vperm.xlane v18, v9;
	s14 =	simm.s32 $0x5480;
	v20 =	vadd.s32 v3, v46  }
0x1b8: {  	[tilespmem:s14], [sflag:$0x2] =	stream.indirect_vreg.gather [hbm4b:s3+s2], $0x80, v44, vm0, $0xb8;
	[tilespmem:$0x15200] =	vst v63  }
0x1b9: {  	v49 =	vperm.xlane v18, v10;
	v48 =	vadd.s32 v3, v47;
	s13 =	simm.s32 $0x5500  }
0x1ba: {  	[tilespmem:s13], [sflag:$0x2] =	stream.indirect_vreg.gather [hbm4b:s3+s2], $0x80, v19, vm0, $0xb8;
	[tilespmem:$0x15200] =	vst v63  }
0x1bb: {  	v50 =	vperm.xlane v18, v11;
	s14 =	simm.s32 $0x5580;
	v19 =	vadd.s32 v3, v49  }
0x1bc: {  	[tilespmem:s14], [sflag:$0x2] =	stream.indirect_vreg.gather [hbm4b:s3+s2], $0x80, v20, vm0, $0xb8;
	[tilespmem:$0x15200] =	vst v63  }
0x1bd: {  	v51 =	vperm.xlane v18, v12;
	s13 =	simm.s32 $0x5600;
	v20 =	vadd.s32 v3, v50  }
0x1be: {  	[tilespmem:s13], [sflag:$0x2] =	stream.indirect_vreg.gather [hbm4b:s3+s2], $0x80, v48, vm0, $0xb8;
	[tilespmem:$0x15200] =	vst v63  }
0x1bf: {  	v53 =	vperm.xlane v18, v13;
	v52 =	vadd.s32 v3, v51;
	s14 =	simm.s32 $0x5680  }
0x1c0: {  	[tilespmem:s14], [sflag:$0x2] =	stream.indirect_vreg.gather [hbm4b:s3+s2], $0x80, v19, vm0, $0xb8;
	[tilespmem:$0x15200] =	vst v63  }
0x1c1: {  	v54 =	vperm.xlane v18, v14;
	s13 =	simm.s32 $0x5700;
	v19 =	vadd.s32 v3, v53  }
0x1c2: {  	[tilespmem:s13], [sflag:$0x2] =	stream.indirect_vreg.gather [hbm4b:s3+s2], $0x80, v20, vm0, $0xb8;
	[tilespmem:$0x15200] =	vst v63  }
0x1c3: {  	v55 =	vperm.xlane v18, v15;
	s14 =	simm.s32 $0x5780;
	v20 =	vadd.s32 v3, v54  }
0x1c4: {  	[tilespmem:s14], [sflag:$0x2] =	stream.indirect_vreg.gather [hbm4b:s3+s2], $0x80, v52, vm0, $0xb8;
	[tilespmem:$0x15200] =	vst v63  }
0x1c5: {  	v18 =	vperm.xlane v18, v16;
	v56 =	vadd.s32 v3, v55;
	s13 =	simm.s32 $0x5800  }
0x1c6: {  	[tilespmem:s13], [sflag:$0x2] =	stream.indirect_vreg.gather [hbm4b:s3+s2], $0x80, v19, vm0, $0xb8;
	[tilespmem:$0x15200] =	vst v63  }
0x1c7: {  	v18 =	vadd.s32 v3, v18;
	s14 =	simm.s32 $0x5880  }
0x1c8: {  	[tilespmem:s14], [sflag:$0x2] =	stream.indirect_vreg.gather [hbm4b:s3+s2], $0x80, v20, vm0, $0xb8;
	[tilespmem:$0x15200] =	vst v63  }
0x1c9: {  	s13 =	simm.s32 $0x5900  }
0x1ca: {  	[tilespmem:s13], [sflag:$0x2] =	stream.indirect_vreg.gather [hbm4b:s3+s2], $0x80, v56, vm0, $0xb8;
	[tilespmem:$0x15200] =	vst v63  }
0x1cb: {  	s14 =	simm.s32 $0x5980  }
0x1cc: {  	[tilespmem:s14], [sflag:$0x2] =	stream.indirect_vreg.gather [hbm4b:s3+s2], $0x80, v18, vm0, $0xb8;
	[tilespmem:$0x15200] =	vst v63  }
0x1cd: {  	v18 =	vld [tilespmem:$0xB0];
	_ =	sdelay $0x4  }
0x1ce: {  	v19 =	vshll.u32 v18, $0x1  }
0x1cf: {  	v18 =	vand.u32 $0x7, v18;
	v19 =	vand.u32 $0xFFFFFFF0, v19  }
0x1d0: {  	v18 =	vor.u32 v18, v19  }
0x1d1: {  	v19 =	vperm.xlane v18, v2;
	_ =	sdelay $0x1  }
0x1d2: {  	v20 =	vperm.xlane v18, v1;
	v19 =	vadd.s32 v3, v19;
	_ =	sdelay $0x1  }
0x1d3: {  	v57 =	vperm.xlane v18, v4;
	v20 =	vadd.s32 v3, v20;
	_ =	sdelay $0x1  }
0x1d4: {  	s13 =	simm.s32 $0x5A00;
	v58 =	vperm.xlane v18, v5;
	v21 =	vadd.s32 v3, v57  }
0x1d5: {  	[tilespmem:s13], [sflag:$0x2] =	stream.indirect_vreg.gather [hbm4b:s3+s2], $0x80, v19, vm0, $0xb8;
	[tilespmem:$0x15200] =	vst v63  }
0x1d6: {  	s14 =	simm.s32 $0x5A80;
	v59 =	vperm.xlane v18, v6;
	v19 =	vadd.s32 v3, v58  }
0x1d7: {  	[tilespmem:s14], [sflag:$0x2] =	stream.indirect_vreg.gather [hbm4b:s3+s2], $0x80, v20, vm0, $0xb8;
	[tilespmem:$0x15200] =	vst v63  }
0x1d8: {  	v60 =	vperm.xlane v18, v7;
	s13 =	simm.s32 $0x5B00;
	v20 =	vadd.s32 v3, v59  }
0x1d9: {  	[tilespmem:s13], [sflag:$0x2] =	stream.indirect_vreg.gather [hbm4b:s3+s2], $0x80, v21, vm0, $0xb8;
	[tilespmem:$0x15200] =	vst v63  }
0x1da: {  	v62 =	vperm.xlane v18, v8;
	v61 =	vadd.s32 v3, v60;
	s14 =	simm.s32 $0x5B80  }
0x1db: {  	[tilespmem:s14], [sflag:$0x2] =	stream.indirect_vreg.gather [hbm4b:s3+s2], $0x80, v19, vm0, $0xb8;
	[tilespmem:$0x15200] =	vst v63  }
0x1dc: {  	v63 =	vperm.xlane v18, v0;
	s13 =	simm.s32 $0x5C00;
	v19 =	vadd.s32 v3, v62  }
0x1dd: {  	[tilespmem:s13], [sflag:$0x2] =	stream.indirect_vreg.gather [hbm4b:s3+s2], $0x80, v20, vm0, $0xb8;
	[tilespmem:$0x15200] =	vst v63  }
0x1de: {  	v24 =	vperm.xlane v18, v9;
	s14 =	simm.s32 $0x5C80;
	v20 =	vadd.s32 v3, v63  }
0x1df: {  	[tilespmem:s14], [sflag:$0x2] =	stream.indirect_vreg.gather [hbm4b:s3+s2], $0x80, v61, vm0, $0xb8;
	[tilespmem:$0x15200] =	vst v63  }
0x1e0: {  	v26 =	vperm.xlane v18, v10;
	v25 =	vadd.s32 v3, v24;
	s13 =	simm.s32 $0x5D00  }
0x1e1: {  	[tilespmem:s13], [sflag:$0x2] =	stream.indirect_vreg.gather [hbm4b:s3+s2], $0x80, v19, vm0, $0xb8;
	[tilespmem:$0x15200] =	vst v63  }
0x1e2: {  	v27 =	vperm.xlane v18, v11;
	s14 =	simm.s32 $0x5D80;
	v19 =	vadd.s32 v3, v26  }
0x1e3: {  	[tilespmem:s14], [sflag:$0x2] =	stream.indirect_vreg.gather [hbm4b:s3+s2], $0x80, v20, vm0, $0xb8;
	[tilespmem:$0x15200] =	vst v63  }
0x1e4: {  	v28 =	vperm.xlane v18, v12;
	s13 =	simm.s32 $0x5E00;
	v20 =	vadd.s32 v3, v27  }
0x1e5: {  	[tilespmem:s13], [sflag:$0x2] =	stream.indirect_vreg.gather [hbm4b:s3+s2], $0x80, v25, vm0, $0xb8;
	[tilespmem:$0x15200] =	vst v63  }
0x1e6: {  	v30 =	vperm.xlane v18, v13;
	v29 =	vadd.s32 v3, v28;
	s14 =	simm.s32 $0x5E80  }
0x1e7: {  	[tilespmem:s14], [sflag:$0x2] =	stream.indirect_vreg.gather [hbm4b:s3+s2], $0x80, v19, vm0, $0xb8;
	[tilespmem:$0x15200] =	vst v63  }
0x1e8: {  	v31 =	vperm.xlane v18, v14;
	s13 =	simm.s32 $0x5F00;
	v19 =	vadd.s32 v3, v30  }
0x1e9: {  	[tilespmem:s13], [sflag:$0x2] =	stream.indirect_vreg.gather [hbm4b:s3+s2], $0x80, v20, vm0, $0xb8;
	[tilespmem:$0x15200] =	vst v63  }
0x1ea: {  	v32 =	vperm.xlane v18, v15;
	s14 =	simm.s32 $0x5F80;
	v20 =	vadd.s32 v3, v31  }
0x1eb: {  	[tilespmem:s14], [sflag:$0x2] =	stream.indirect_vreg.gather [hbm4b:s3+s2], $0x80, v29, vm0, $0xb8;
	[tilespmem:$0x15200] =	vst v63  }
0x1ec: {  	v18 =	vperm.xlane v18, v16;
	v33 =	vadd.s32 v3, v32;
	s13 =	simm.s32 $0x6000  }
0x1ed: {  	[tilespmem:s13], [sflag:$0x2] =	stream.indirect_vreg.gather [hbm4b:s3+s2], $0x80, v19, vm0, $0xb8;
	[tilespmem:$0x15200] =	vst v63  }
0x1ee: {  	v18 =	vadd.s32 v3, v18;
	s14 =	simm.s32 $0x6080  }
0x1ef: {  	[tilespmem:s14], [sflag:$0x2] =	stream.indirect_vreg.gather [hbm4b:s3+s2], $0x80, v20, vm0, $0xb8;
	[tilespmem:$0x15200] =	vst v63  }
0x1f0: {  	s13 =	simm.s32 $0x6100  }
0x1f1: {  	[tilespmem:s13], [sflag:$0x2] =	stream.indirect_vreg.gather [hbm4b:s3+s2], $0x80, v33, vm0, $0xb8;
	[tilespmem:$0x15200] =	vst v63  }
0x1f2: {  	s14 =	simm.s32 $0x6180  }
0x1f3: {  	[tilespmem:s14], [sflag:$0x2] =	stream.indirect_vreg.gather [hbm4b:s3+s2], $0x80, v18, vm0, $0xb8;
	[tilespmem:$0x15200] =	vst v63  }
0x1f4: {  	v18 =	vld [tilespmem:$0xC0];
	_ =	sdelay $0x4  }
0x1f5: {  	v19 =	vshll.u32 v18, $0x1  }
0x1f6: {  	v18 =	vand.u32 $0x7, v18;
	v19 =	vand.u32 $0xFFFFFFF0, v19  }
0x1f7: {  	v18 =	vor.u32 v18, v19  }
0x1f8: {  	v19 =	vperm.xlane v18, v2;
	_ =	sdelay $0x1  }
0x1f9: {  	v20 =	vperm.xlane v18, v1;
	v19 =	vadd.s32 v3, v19;
	_ =	sdelay $0x1  }
0x1fa: {  	v34 =	vperm.xlane v18, v4;
	v20 =	vadd.s32 v3, v20;
	_ =	sdelay $0x1  }
0x1fb: {  	s13 =	simm.s32 $0x6200;
	v35 =	vperm.xlane v18, v5;
	v21 =	vadd.s32 v3, v34  }
0x1fc: {  	[tilespmem:s13], [sflag:$0x2] =	stream.indirect_vreg.gather [hbm4b:s3+s2], $0x80, v19, vm0, $0xb8;
	[tilespmem:$0x15200] =	vst v63  }
0x1fd: {  	s14 =	simm.s32 $0x6280;
	v36 =	vperm.xlane v18, v6;
	v19 =	vadd.s32 v3, v35  }
0x1fe: {  	[tilespmem:s14], [sflag:$0x2] =	stream.indirect_vreg.gather [hbm4b:s3+s2], $0x80, v20, vm0, $0xb8;
	[tilespmem:$0x15200] =	vst v63  }
0x1ff: {  	v37 =	vperm.xlane v18, v7;
	s13 =	simm.s32 $0x6300;
	v20 =	vadd.s32 v3, v36  }
0x200: {  	[tilespmem:s13], [sflag:$0x2] =	stream.indirect_vreg.gather [hbm4b:s3+s2], $0x80, v21, vm0, $0xb8;
	[tilespmem:$0x15200] =	vst v63  }
0x201: {  	v39 =	vperm.xlane v18, v8;
	v38 =	vadd.s32 v3, v37;
	s14 =	simm.s32 $0x6380  }
0x202: {  	[tilespmem:s14], [sflag:$0x2] =	stream.indirect_vreg.gather [hbm4b:s3+s2], $0x80, v19, vm0, $0xb8;
	[tilespmem:$0x15200] =	vst v63  }
0x203: {  	v40 =	vperm.xlane v18, v0;
	s13 =	simm.s32 $0x6400;
	v19 =	vadd.s32 v3, v39  }
0x204: {  	[tilespmem:s13], [sflag:$0x2] =	stream.indirect_vreg.gather [hbm4b:s3+s2], $0x80, v20, vm0, $0xb8;
	[tilespmem:$0x15200] =	vst v63  }
0x205: {  	v41 =	vperm.xlane v18, v9;
	s14 =	simm.s32 $0x6480;
	v20 =	vadd.s32 v3, v40  }
0x206: {  	[tilespmem:s14], [sflag:$0x2] =	stream.indirect_vreg.gather [hbm4b:s3+s2], $0x80, v38, vm0, $0xb8;
	[tilespmem:$0x15200] =	vst v63  }
0x207: {  	v43 =	vperm.xlane v18, v10;
	v42 =	vadd.s32 v3, v41;
	s13 =	simm.s32 $0x6500  }
0x208: {  	[tilespmem:s13], [sflag:$0x2] =	stream.indirect_vreg.gather [hbm4b:s3+s2], $0x80, v19, vm0, $0xb8;
	[tilespmem:$0x15200] =	vst v63  }
0x209: {  	v44 =	vperm.xlane v18, v11;
	s14 =	simm.s32 $0x6580;
	v19 =	vadd.s32 v3, v43  }
0x20a: {  	[tilespmem:s14], [sflag:$0x2] =	stream.indirect_vreg.gather [hbm4b:s3+s2], $0x80, v20, vm0, $0xb8;
	[tilespmem:$0x15200] =	vst v63  }
0x20b: {  	v45 =	vperm.xlane v18, v12;
	s13 =	simm.s32 $0x6600;
	v20 =	vadd.s32 v3, v44  }
0x20c: {  	[tilespmem:s13], [sflag:$0x2] =	stream.indirect_vreg.gather [hbm4b:s3+s2], $0x80, v42, vm0, $0xb8;
	[tilespmem:$0x15200] =	vst v63  }
0x20d: {  	v47 =	vperm.xlane v18, v13;
	v46 =	vadd.s32 v3, v45;
	s14 =	simm.s32 $0x6680  }
0x20e: {  	[tilespmem:s14], [sflag:$0x2] =	stream.indirect_vreg.gather [hbm4b:s3+s2], $0x80, v19, vm0, $0xb8;
	[tilespmem:$0x15200] =	vst v63  }
0x20f: {  	v48 =	vperm.xlane v18, v14;
	s13 =	simm.s32 $0x6700;
	v19 =	vadd.s32 v3, v47  }
0x210: {  	[tilespmem:s13], [sflag:$0x2] =	stream.indirect_vreg.gather [hbm4b:s3+s2], $0x80, v20, vm0, $0xb8;
	[tilespmem:$0x15200] =	vst v63  }
0x211: {  	v49 =	vperm.xlane v18, v15;
	s14 =	simm.s32 $0x6780;
	v20 =	vadd.s32 v3, v48  }
0x212: {  	[tilespmem:s14], [sflag:$0x2] =	stream.indirect_vreg.gather [hbm4b:s3+s2], $0x80, v46, vm0, $0xb8;
	[tilespmem:$0x15200] =	vst v63  }
0x213: {  	v18 =	vperm.xlane v18, v16;
	v50 =	vadd.s32 v3, v49;
	s13 =	simm.s32 $0x6800  }
0x214: {  	[tilespmem:s13], [sflag:$0x2] =	stream.indirect_vreg.gather [hbm4b:s3+s2], $0x80, v19, vm0, $0xb8;
	[tilespmem:$0x15200] =	vst v63  }
0x215: {  	v18 =	vadd.s32 v3, v18;
	s14 =	simm.s32 $0x6880  }
0x216: {  	[tilespmem:s14], [sflag:$0x2] =	stream.indirect_vreg.gather [hbm4b:s3+s2], $0x80, v20, vm0, $0xb8;
	[tilespmem:$0x15200] =	vst v63  }
0x217: {  	s13 =	simm.s32 $0x6900  }
0x218: {  	[tilespmem:s13], [sflag:$0x2] =	stream.indirect_vreg.gather [hbm4b:s3+s2], $0x80, v50, vm0, $0xb8;
	[tilespmem:$0x15200] =	vst v63  }
0x219: {  	s14 =	simm.s32 $0x6980  }
0x21a: {  	[tilespmem:s14], [sflag:$0x2] =	stream.indirect_vreg.gather [hbm4b:s3+s2], $0x80, v18, vm0, $0xb8;
	[tilespmem:$0x15200] =	vst v63  }
0x21b: {  	v18 =	vld [tilespmem:$0xD0];
	_ =	sdelay $0x4  }
0x21c: {  	v19 =	vshll.u32 v18, $0x1  }
0x21d: {  	v18 =	vand.u32 $0x7, v18;
	v19 =	vand.u32 $0xFFFFFFF0, v19  }
0x21e: {  	v18 =	vor.u32 v18, v19  }
0x21f: {  	v19 =	vperm.xlane v18, v2;
	_ =	sdelay $0x1  }
0x220: {  	v20 =	vperm.xlane v18, v1;
	v19 =	vadd.s32 v3, v19;
	_ =	sdelay $0x1  }
0x221: {  	v51 =	vperm.xlane v18, v4;
	v20 =	vadd.s32 v3, v20;
	_ =	sdelay $0x1  }
0x222: {  	s13 =	simm.s32 $0x6A00;
	v52 =	vperm.xlane v18, v5;
	v21 =	vadd.s32 v3, v51  }
0x223: {  	[tilespmem:s13], [sflag:$0x2] =	stream.indirect_vreg.gather [hbm4b:s3+s2], $0x80, v19, vm0, $0xb8;
	[tilespmem:$0x15200] =	vst v63  }
0x224: {  	s14 =	simm.s32 $0x6A80;
	v53 =	vperm.xlane v18, v6;
	v19 =	vadd.s32 v3, v52  }
0x225: {  	[tilespmem:s14], [sflag:$0x2] =	stream.indirect_vreg.gather [hbm4b:s3+s2], $0x80, v20, vm0, $0xb8;
	[tilespmem:$0x15200] =	vst v63  }
0x226: {  	v54 =	vperm.xlane v18, v7;
	s13 =	simm.s32 $0x6B00;
	v20 =	vadd.s32 v3, v53  }
0x227: {  	[tilespmem:s13], [sflag:$0x2] =	stream.indirect_vreg.gather [hbm4b:s3+s2], $0x80, v21, vm0, $0xb8;
	[tilespmem:$0x15200] =	vst v63  }
0x228: {  	v56 =	vperm.xlane v18, v8;
	v55 =	vadd.s32 v3, v54;
	s14 =	simm.s32 $0x6B80  }
0x229: {  	[tilespmem:s14], [sflag:$0x2] =	stream.indirect_vreg.gather [hbm4b:s3+s2], $0x80, v19, vm0, $0xb8;
	[tilespmem:$0x15200] =	vst v63  }
0x22a: {  	v57 =	vperm.xlane v18, v0;
	s13 =	simm.s32 $0x6C00;
	v19 =	vadd.s32 v3, v56  }
0x22b: {  	[tilespmem:s13], [sflag:$0x2] =	stream.indirect_vreg.gather [hbm4b:s3+s2], $0x80, v20, vm0, $0xb8;
	[tilespmem:$0x15200] =	vst v63  }
0x22c: {  	v58 =	vperm.xlane v18, v9;
	s14 =	simm.s32 $0x6C80;
	v20 =	vadd.s32 v3, v57  }
0x22d: {  	[tilespmem:s14], [sflag:$0x2] =	stream.indirect_vreg.gather [hbm4b:s3+s2], $0x80, v55, vm0, $0xb8;
	[tilespmem:$0x15200] =	vst v63  }
0x22e: {  	v60 =	vperm.xlane v18, v10;
	v59 =	vadd.s32 v3, v58;
	s13 =	simm.s32 $0x6D00  }
0x22f: {  	[tilespmem:s13], [sflag:$0x2] =	stream.indirect_vreg.gather [hbm4b:s3+s2], $0x80, v19, vm0, $0xb8;
	[tilespmem:$0x15200] =	vst v63  }
0x230: {  	v61 =	vperm.xlane v18, v11;
	s14 =	simm.s32 $0x6D80;
	v19 =	vadd.s32 v3, v60  }
0x231: {  	[tilespmem:s14], [sflag:$0x2] =	stream.indirect_vreg.gather [hbm4b:s3+s2], $0x80, v20, vm0, $0xb8;
	[tilespmem:$0x15200] =	vst v63  }
0x232: {  	v62 =	vperm.xlane v18, v12;
	s13 =	simm.s32 $0x6E00;
	v20 =	vadd.s32 v3, v61  }
0x233: {  	[tilespmem:s13], [sflag:$0x2] =	stream.indirect_vreg.gather [hbm4b:s3+s2], $0x80, v59, vm0, $0xb8;
	[tilespmem:$0x15200] =	vst v63  }
0x234: {  	v24 =	vperm.xlane v18, v13;
	v63 =	vadd.s32 v3, v62;
	s14 =	simm.s32 $0x6E80  }
0x235: {  	[tilespmem:s14], [sflag:$0x2] =	stream.indirect_vreg.gather [hbm4b:s3+s2], $0x80, v19, vm0, $0xb8;
	[tilespmem:$0x15200] =	vst v63  }
0x236: {  	v25 =	vperm.xlane v18, v14;
	s13 =	simm.s32 $0x6F00;
	v19 =	vadd.s32 v3, v24  }
0x237: {  	[tilespmem:s13], [sflag:$0x2] =	stream.indirect_vreg.gather [hbm4b:s3+s2], $0x80, v20, vm0, $0xb8;
	[tilespmem:$0x15200] =	vst v63  }
0x238: {  	v26 =	vperm.xlane v18, v15;
	s14 =	simm.s32 $0x6F80;
	v20 =	vadd.s32 v3, v25  }
0x239: {  	[tilespmem:s14], [sflag:$0x2] =	stream.indirect_vreg.gather [hbm4b:s3+s2], $0x80, v63, vm0, $0xb8;
	[tilespmem:$0x15200] =	vst v63  }
0x23a: {  	v18 =	vperm.xlane v18, v16;
	v27 =	vadd.s32 v3, v26;
	s13 =	simm.s32 $0x7000  }
0x23b: {  	[tilespmem:s13], [sflag:$0x2] =	stream.indirect_vreg.gather [hbm4b:s3+s2], $0x80, v19, vm0, $0xb8;
	[tilespmem:$0x15200] =	vst v63  }
0x23c: {  	v18 =	vadd.s32 v3, v18;
	s14 =	simm.s32 $0x7080  }
0x23d: {  	[tilespmem:s14], [sflag:$0x2] =	stream.indirect_vreg.gather [hbm4b:s3+s2], $0x80, v20, vm0, $0xb8;
	[tilespmem:$0x15200] =	vst v63  }
0x23e: {  	s13 =	simm.s32 $0x7100  }
0x23f: {  	[tilespmem:s13], [sflag:$0x2] =	stream.indirect_vreg.gather [hbm4b:s3+s2], $0x80, v27, vm0, $0xb8;
	[tilespmem:$0x15200] =	vst v63  }
0x240: {  	s14 =	simm.s32 $0x7180  }
0x241: {  	[tilespmem:s14], [sflag:$0x2] =	stream.indirect_vreg.gather [hbm4b:s3+s2], $0x80, v18, vm0, $0xb8;
	[tilespmem:$0x15200] =	vst v63  }
0x242: {  	v18 =	vld [tilespmem:$0xE0];
	_ =	sdelay $0x4  }
0x243: {  	v19 =	vshll.u32 v18, $0x1  }
0x244: {  	v18 =	vand.u32 $0x7, v18;
	v19 =	vand.u32 $0xFFFFFFF0, v19  }
0x245: {  	v18 =	vor.u32 v18, v19  }
0x246: {  	v19 =	vperm.xlane v18, v2;
	_ =	sdelay $0x1  }
0x247: {  	v20 =	vperm.xlane v18, v1;
	v19 =	vadd.s32 v3, v19;
	_ =	sdelay $0x1  }
0x248: {  	v28 =	vperm.xlane v18, v4;
	v20 =	vadd.s32 v3, v20;
	_ =	sdelay $0x1  }
0x249: {  	s13 =	simm.s32 $0x7200;
	v29 =	vperm.xlane v18, v5;
	v21 =	vadd.s32 v3, v28  }
0x24a: {  	[tilespmem:s13], [sflag:$0x2] =	stream.indirect_vreg.gather [hbm4b:s3+s2], $0x80, v19, vm0, $0xb8;
	[tilespmem:$0x15200] =	vst v63  }
0x24b: {  	s14 =	simm.s32 $0x7280;
	v30 =	vperm.xlane v18, v6;
	v19 =	vadd.s32 v3, v29  }
0x24c: {  	[tilespmem:s14], [sflag:$0x2] =	stream.indirect_vreg.gather [hbm4b:s3+s2], $0x80, v20, vm0, $0xb8;
	[tilespmem:$0x15200] =	vst v63  }
0x24d: {  	v31 =	vperm.xlane v18, v7;
	s13 =	simm.s32 $0x7300;
	v20 =	vadd.s32 v3, v30  }
0x24e: {  	[tilespmem:s13], [sflag:$0x2] =	stream.indirect_vreg.gather [hbm4b:s3+s2], $0x80, v21, vm0, $0xb8;
	[tilespmem:$0x15200] =	vst v63  }
0x24f: {  	v33 =	vperm.xlane v18, v8;
	v32 =	vadd.s32 v3, v31;
	s14 =	simm.s32 $0x7380  }
0x250: {  	[tilespmem:s14], [sflag:$0x2] =	stream.indirect_vreg.gather [hbm4b:s3+s2], $0x80, v19, vm0, $0xb8;
	[tilespmem:$0x15200] =	vst v63  }
0x251: {  	v34 =	vperm.xlane v18, v0;
	s13 =	simm.s32 $0x7400;
	v19 =	vadd.s32 v3, v33  }
0x252: {  	[tilespmem:s13], [sflag:$0x2] =	stream.indirect_vreg.gather [hbm4b:s3+s2], $0x80, v20, vm0, $0xb8;
	[tilespmem:$0x15200] =	vst v63  }
0x253: {  	v35 =	vperm.xlane v18, v9;
	s14 =	simm.s32 $0x7480;
	v20 =	vadd.s32 v3, v34  }
0x254: {  	[tilespmem:s14], [sflag:$0x2] =	stream.indirect_vreg.gather [hbm4b:s3+s2], $0x80, v32, vm0, $0xb8;
	[tilespmem:$0x15200] =	vst v63  }
0x255: {  	v37 =	vperm.xlane v18, v10;
	v36 =	vadd.s32 v3, v35;
	s13 =	simm.s32 $0x7500  }
0x256: {  	[tilespmem:s13], [sflag:$0x2] =	stream.indirect_vreg.gather [hbm4b:s3+s2], $0x80, v19, vm0, $0xb8;
	[tilespmem:$0x15200] =	vst v63  }
0x257: {  	v38 =	vperm.xlane v18, v11;
	s14 =	simm.s32 $0x7580;
	v19 =	vadd.s32 v3, v37  }
0x258: {  	[tilespmem:s14], [sflag:$0x2] =	stream.indirect_vreg.gather [hbm4b:s3+s2], $0x80, v20, vm0, $0xb8;
	[tilespmem:$0x15200] =	vst v63  }
0x259: {  	v39 =	vperm.xlane v18, v12;
	s13 =	simm.s32 $0x7600;
	v20 =	vadd.s32 v3, v38  }
0x25a: {  	[tilespmem:s13], [sflag:$0x2] =	stream.indirect_vreg.gather [hbm4b:s3+s2], $0x80, v36, vm0, $0xb8;
	[tilespmem:$0x15200] =	vst v63  }
0x25b: {  	v41 =	vperm.xlane v18, v13;
	v40 =	vadd.s32 v3, v39;
	s14 =	simm.s32 $0x7680  }
0x25c: {  	[tilespmem:s14], [sflag:$0x2] =	stream.indirect_vreg.gather [hbm4b:s3+s2], $0x80, v19, vm0, $0xb8;
	[tilespmem:$0x15200] =	vst v63  }
0x25d: {  	v42 =	vperm.xlane v18, v14;
	s13 =	simm.s32 $0x7700;
	v19 =	vadd.s32 v3, v41  }
0x25e: {  	[tilespmem:s13], [sflag:$0x2] =	stream.indirect_vreg.gather [hbm4b:s3+s2], $0x80, v20, vm0, $0xb8;
	[tilespmem:$0x15200] =	vst v63  }
0x25f: {  	v43 =	vperm.xlane v18, v15;
	s14 =	simm.s32 $0x7780;
	v20 =	vadd.s32 v3, v42  }
0x260: {  	[tilespmem:s14], [sflag:$0x2] =	stream.indirect_vreg.gather [hbm4b:s3+s2], $0x80, v40, vm0, $0xb8;
	[tilespmem:$0x15200] =	vst v63  }
0x261: {  	v18 =	vperm.xlane v18, v16;
	v44 =	vadd.s32 v3, v43;
	s13 =	simm.s32 $0x7800  }
0x262: {  	[tilespmem:s13], [sflag:$0x2] =	stream.indirect_vreg.gather [hbm4b:s3+s2], $0x80, v19, vm0, $0xb8;
	[tilespmem:$0x15200] =	vst v63  }
0x263: {  	v18 =	vadd.s32 v3, v18;
	s14 =	simm.s32 $0x7880  }
0x264: {  	[tilespmem:s14], [sflag:$0x2] =	stream.indirect_vreg.gather [hbm4b:s3+s2], $0x80, v20, vm0, $0xb8;
	[tilespmem:$0x15200] =	vst v63  }
0x265: {  	s13 =	simm.s32 $0x7900  }
0x266: {  	[tilespmem:s13], [sflag:$0x2] =	stream.indirect_vreg.gather [hbm4b:s3+s2], $0x80, v44, vm0, $0xb8;
	[tilespmem:$0x15200] =	vst v63  }
0x267: {  	s14 =	simm.s32 $0x7980  }
0x268: {  	[tilespmem:s14], [sflag:$0x2] =	stream.indirect_vreg.gather [hbm4b:s3+s2], $0x80, v18, vm0, $0xb8;
	[tilespmem:$0x15200] =	vst v63  }
0x269: {  	v18 =	vld [tilespmem:$0xF0];
	_ =	sdelay $0x4  }
0x26a: {  	v19 =	vshll.u32 v18, $0x1  }
0x26b: {  	v18 =	vand.u32 $0x7, v18;
	v19 =	vand.u32 $0xFFFFFFF0, v19  }
0x26c: {  	v18 =	vor.u32 v18, v19  }
0x26d: {  	v19 =	vperm.xlane v18, v2;
	_ =	sdelay $0x1  }
0x26e: {  	v20 =	vperm.xlane v18, v1;
	v19 =	vadd.s32 v3, v19;
	_ =	sdelay $0x1  }
0x26f: {  	v45 =	vperm.xlane v18, v4;
	v20 =	vadd.s32 v3, v20;
	_ =	sdelay $0x1  }
0x270: {  	s13 =	simm.s32 $0x7A00;
	v46 =	vperm.xlane v18, v5;
	v21 =	vadd.s32 v3, v45  }
0x271: {  	[tilespmem:s13], [sflag:$0x2] =	stream.indirect_vreg.gather [hbm4b:s3+s2], $0x80, v19, vm0, $0xb8;
	[tilespmem:$0x15200] =	vst v63  }
0x272: {  	s14 =	simm.s32 $0x7A80;
	v47 =	vperm.xlane v18, v6;
	v19 =	vadd.s32 v3, v46  }
0x273: {  	[tilespmem:s14], [sflag:$0x2] =	stream.indirect_vreg.gather [hbm4b:s3+s2], $0x80, v20, vm0, $0xb8;
	[tilespmem:$0x15200] =	vst v63  }
0x274: {  	v48 =	vperm.xlane v18, v7;
	s13 =	simm.s32 $0x7B00;
	v20 =	vadd.s32 v3, v47  }
0x275: {  	[tilespmem:s13], [sflag:$0x2] =	stream.indirect_vreg.gather [hbm4b:s3+s2], $0x80, v21, vm0, $0xb8;
	[tilespmem:$0x15200] =	vst v63  }
0x276: {  	v50 =	vperm.xlane v18, v8;
	v49 =	vadd.s32 v3, v48;
	s14 =	simm.s32 $0x7B80  }
0x277: {  	[tilespmem:s14], [sflag:$0x2] =	stream.indirect_vreg.gather [hbm4b:s3+s2], $0x80, v19, vm0, $0xb8;
	[tilespmem:$0x15200] =	vst v63  }
0x278: {  	v51 =	vperm.xlane v18, v0;
	v19 =	vadd.s32 v3, v50  }
0x279: {  	[tilespmem:s30], [sflag:$0x2] =	stream.indirect_vreg.gather [hbm4b:s3+s2], $0x80, v20, vm0, $0xb8;
	[tilespmem:$0x15200] =	vst v63  }
0x27a: {  	v52 =	vperm.xlane v18, v9;
	v20 =	vadd.s32 v3, v51  }
0x27b: {  	[tilespmem:s31], [sflag:$0x2] =	stream.indirect_vreg.gather [hbm4b:s3+s2], $0x80, v49, vm0, $0xb8;
	[tilespmem:$0x15200] =	vst v63  }
0x27c: {  	v54 =	vperm.xlane v18, v10;
	v53 =	vadd.s32 v3, v52  }
0x27d: {  	[tilespmem:s18], [sflag:$0x2] =	stream.indirect_vreg.gather [hbm4b:s3+s2], $0x80, v19, vm0, $0xb8;
	[tilespmem:$0x15200] =	vst v63  }
0x27e: {  	v55 =	vperm.xlane v18, v11;
	v19 =	vadd.s32 v3, v54  }
0x27f: {  	[tilespmem:s8], [sflag:$0x2] =	stream.indirect_vreg.gather [hbm4b:s3+s2], $0x80, v20, vm0, $0xb8;
	[tilespmem:$0x15200] =	vst v63  }
0x280: {  	v56 =	vperm.xlane v18, v12;
	v20 =	vadd.s32 v3, v55  }
0x281: {  	[tilespmem:s29], [sflag:$0x2] =	stream.indirect_vreg.gather [hbm4b:s3+s2], $0x80, v53, vm0, $0xb8;
	[tilespmem:$0x15200] =	vst v63  }
0x282: {  	v58 =	vperm.xlane v18, v13;
	v57 =	vadd.s32 v3, v56  }
0x283: {  	[tilespmem:s28], [sflag:$0x2] =	stream.indirect_vreg.gather [hbm4b:s3+s2], $0x80, v19, vm0, $0xb8;
	[tilespmem:$0x15200] =	vst v63  }
0x284: {  	v59 =	vperm.xlane v18, v14;
	v19 =	vadd.s32 v3, v58  }
0x285: {  	[tilespmem:s25], [sflag:$0x2] =	stream.indirect_vreg.gather [hbm4b:s3+s2], $0x80, v20, vm0, $0xb8;
	[tilespmem:$0x15200] =	vst v63  }
0x286: {  	v60 =	vperm.xlane v18, v15;
	v20 =	vadd.s32 v3, v59  }
0x287: {  	[tilespmem:s24], [sflag:$0x2] =	stream.indirect_vreg.gather [hbm4b:s3+s2], $0x80, v57, vm0, $0xb8;
	[tilespmem:$0x15200] =	vst v63  }
0x288: {  	v18 =	vperm.xlane v18, v16;
	v61 =	vadd.s32 v3, v60  }
0x289: {  	[tilespmem:s23], [sflag:$0x2] =	stream.indirect_vreg.gather [hbm4b:s3+s2], $0x80, v19, vm0, $0xb8;
	[tilespmem:$0x15200] =	vst v63  }
0x28a: {  	v18 =	vadd.s32 v3, v18  }
0x28b: {  	[tilespmem:s21], [sflag:$0x2] =	stream.indirect_vreg.gather [hbm4b:s3+s2], $0x80, v20, vm0, $0xb8;
	[tilespmem:$0x15200] =	vst v63  }
0x28c: {  	_ = 	snop  }
0x28d: {  	[tilespmem:s22], [sflag:$0x2] =	stream.indirect_vreg.gather [hbm4b:s3+s2], $0x80, v61, vm0, $0xb8;
	[tilespmem:$0x15200] =	vst v63  }
0x28e: {  	_ = 	snop  }
0x28f: {  	[tilespmem:s7], [sflag:$0x2] =	stream.indirect_vreg.gather [hbm4b:s3+s2], $0x80, v18, vm0, $0xb8;
	[tilespmem:$0x15200] =	vst v63  }
0x290: {  	_ = 	snop  }
0x291: {  	[tilespmem:s20], [sflag:$0x4] =	stream.indirect.gather [hbm4b:s4+s15], $0x80, s15, s15, $0xb8;
	[tilespmem:$0x15200] =	vst v63  }
0x292: {  	_ =	swait.ge [sflag:s6], $0x4000  }
0x293: {  	[sflag:s6] =	ssyncset.done $0x0  }
0x294: {  	[sflag:s6] =	ssyncadd.s32 $0xFFFFC000  }
0x295: {  	_ =	swait.ge [sflag:s5], $0x4000  }
0x296: {  	[sflag:s5] =	ssyncset.done $0x0  }
0x297: {  	[sflag:s5] =	ssyncadd.s32 $0xFFFFC000  }
0x298: {  	v18 =	vld [tilespmem:s11+$0x0]  }
0x299: {  	v19 =	vmov s2  }
0x29a: {  	v19 =	vmul.u32 $0xCCCD, v19;
	_ =	sdelay $0x1  }
0x29b: {  	v19 =	vbroadcast v19, $0x0  }
0x29c: {  	v20 =	vadd.s32 $0xFFFFFF80, v18  }
0x29d: {  	v19 =	vadd.s32 v17, v19;
	vm1 =	vgt.s32 v20, $0x0  }
0x29e: {  	v19 =	vshrl.u32 v19, $0xD;
	v20 =	vnsel vm1, $0x0, v20  }
0x29f: {  	v19 =	vand.u32 $0x7FF80, v19;
	v62 =	vand.u32 $0x7F, v18;
	v63 =	vand.u32 $0x7FFFFF80, v20  }
0x2a0: {  	v21 =	vor.u32 v19, v62;
	v20 =	vand.u32 $0x7F, v20;
	v19 =	vadd.s32 v19, v63  }
0x2a1: {  	v19 =	vor.u32 v20, v19;
	_ =	sdelay $0x3  }
0x2a2: {  	v20 =	vld.idx.msk [tilespmem:v21+s10+$0x0], $0xffff  }
0x2a3: {  	v19 =	vld.idx.msk [tilespmem:v19+s16+$0x0], $0xffff;
	_ =	sdelay $0x3  }
0x2a4: {  	vm1 =	vlt.s32 v18, $0x80  }
0x2a5: {  	v18 =	vsel vm1, v20, v19  }
0x2a6: {  	s12 =	simm.s32 $0x10210;
	[tilespmem:s1+$0x0] =	vst v18  }
0x2a7: {  	s13 =	simm.s32 $0x10;
	s14 =	simm.s32 $0x20;
	s11 =	simm.s32 $0x12A00;
	v18 =	vld [tilespmem:s12+$0x0]  }
.LBB2_2:
0x2a8: {  	p0 =	sne.s32 s14, $0x9F0;
	v19 =	vmov s13;
	s13 =	smov.u32 s14  }
0x2a9: {  	v19 =	vmul.u32 $0xCCCD, v19;
	_ =	sdelay $0x1  }
0x2aa: {  	v19 =	vbroadcast v19, $0x0  }
0x2ab: {  	v20 =	vadd.s32 $0xFFFFFF80, v18  }
0x2ac: {  	v19 =	vadd.s32 v17, v19;
	vm1 =	vgt.s32 v20, $0x0  }
0x2ad: {  	v19 =	vshrl.u32 v19, $0xD;
	v20 =	vnsel vm1, $0x0, v20  }
0x2ae: {  	v21 =	vand.u32 $0x7F, v18;
	v19 =	vand.u32 $0x7FF80, v19;
	v22 =	vand.u32 $0x7FFFFF80, v20  }
0x2af: {  	v20 =	vand.u32 $0x7F, v20;
	v21 =	vor.u32 v19, v21;
	v19 =	vadd.s32 v19, v22  }
0x2b0: {  	v19 =	vor.u32 v20, v19;
	_ =	sdelay $0x3  }
0x2b1: {  	v20 =	vld.idx.msk [tilespmem:v21+s10+$0x0], $0xffff  }
0x2b2: {  	v19 =	vld.idx.msk [tilespmem:v19+s16+$0x0], $0xffff;
	_ =	sdelay $0x3  }
.Ltmp0:
0x2b3: {  	(pc) =	sbr.rel @p0 .LBB2_2-.Ltmp0, $4  }
0x2b4: {  	vm1 =	vlt.s32 v18, $0x80  }
0x2b5: {  	s11 =	sadd.s32 $0x10, s11;
	v18 =	vsel vm1, v20, v19  }
0x2b6: {  	s12 =	sadd.s32 $0x10, s12;
	[tilespmem:s11+$0x0] =	vst v18  }
0x2b7: {  	s14 =	sadd.s32 $0x10, s14;
	v18 =	vld [tilespmem:s12+$0x0]  }
0x2b8: {  	v19 =	vmov s13  }
0x2b9: {  	v19 =	vmul.u32 $0xCCCD, v19;
	_ =	sdelay $0x1  }
0x2ba: {  	v19 =	vbroadcast v19, $0x0  }
0x2bb: {  	v20 =	vadd.s32 $0xFFFFFF80, v18  }
0x2bc: {  	v19 =	vadd.s32 v17, v19;
	vm1 =	vgt.s32 v20, $0x0  }
0x2bd: {  	v19 =	vshrl.u32 v19, $0xD;
	v20 =	vnsel vm1, $0x0, v20  }
0x2be: {  	v21 =	vand.u32 $0x7F, v18;
	v19 =	vand.u32 $0x7FF80, v19;
	v22 =	vand.u32 $0x7FFFFF80, v20  }
0x2bf: {  	v20 =	vand.u32 $0x7F, v20;
	v21 =	vor.u32 v19, v21;
	v19 =	vadd.s32 v19, v22  }
0x2c0: {  	v19 =	vor.u32 v20, v19;
	_ =	sdelay $0x3  }
0x2c1: {  	v20 =	vld.idx.msk [tilespmem:v21+s10+$0x0], $0xffff  }
0x2c2: {  	v19 =	vld.idx.msk [tilespmem:v19+s16+$0x0], $0xffff;
	_ =	sdelay $0x3  }
0x2c3: {  	vm1 =	vlt.s32 v18, $0x80  }
0x2c4: {  	s11 =	sadd.s32 $0x10, s11;
	v18 =	vsel vm1, v20, v19  }
0x2c5: {  	[tilespmem:s11+$0x0] =	vst v18  }
0x2c6: {  	v18 =	vld [tilespmem:$0x100];
	_ =	sdelay $0x4  }
0x2c7: {  	v19 =	vshll.u32 v18, $0x1  }
0x2c8: {  	v18 =	vand.u32 $0x7, v18;
	v19 =	vand.u32 $0xFFFFFFF0, v19  }
0x2c9: {  	v18 =	vor.u32 v18, v19  }
0x2ca: {  	v19 =	vperm.xlane v18, v2;
	_ =	sdelay $0x1  }
0x2cb: {  	v20 =	vperm.xlane v18, v1;
	v19 =	vadd.s32 v3, v19;
	_ =	sdelay $0x1  }
0x2cc: {  	v46 =	vperm.xlane v18, v4;
	v20 =	vadd.s32 v3, v20;
	_ =	sdelay $0x1  }
0x2cd: {  	v47 =	vperm.xlane v18, v5;
	v21 =	vadd.s32 v3, v46  }
0x2ce: {  	[tilespmem:s10], [sflag:$0x1] =	stream.indirect_vreg.gather [hbm4b:s3+s2], $0x80, v19, vm0, $0xb8;
	[tilespmem:$0x15200] =	vst v63  }
0x2cf: {  	s14 =	simm.s32 $0x280;
	v48 =	vperm.xlane v18, v6;
	v19 =	vadd.s32 v3, v47  }
0x2d0: {  	[tilespmem:s14], [sflag:$0x1] =	stream.indirect_vreg.gather [hbm4b:s3+s2], $0x80, v20, vm0, $0xb8;
	[tilespmem:$0x15200] =	vst v63  }
0x2d1: {  	s13 =	simm.s32 $0x300;
	v49 =	vperm.xlane v18, v7;
	v20 =	vadd.s32 v3, v48  }
0x2d2: {  	[tilespmem:s13], [sflag:$0x1] =	stream.indirect_vreg.gather [hbm4b:s3+s2], $0x80, v21, vm0, $0xb8;
	[tilespmem:$0x15200] =	vst v63  }
0x2d3: {  	s12 =	simm.s32 $0x380;
	v51 =	vperm.xlane v18, v8;
	v50 =	vadd.s32 v3, v49  }
0x2d4: {  	[tilespmem:s12], [sflag:$0x1] =	stream.indirect_vreg.gather [hbm4b:s3+s2], $0x80, v19, vm0, $0xb8;
	[tilespmem:$0x15200] =	vst v63  }
0x2d5: {  	v52 =	vperm.xlane v18, v0;
	s13 =	simm.s32 $0x400;
	v19 =	vadd.s32 v3, v51  }
0x2d6: {  	[tilespmem:s13], [sflag:$0x1] =	stream.indirect_vreg.gather [hbm4b:s3+s2], $0x80, v20, vm0, $0xb8;
	[tilespmem:$0x15200] =	vst v63  }
0x2d7: {  	v53 =	vperm.xlane v18, v9;
	s12 =	simm.s32 $0x480;
	v20 =	vadd.s32 v3, v52  }
0x2d8: {  	[tilespmem:s12], [sflag:$0x1] =	stream.indirect_vreg.gather [hbm4b:s3+s2], $0x80, v50, vm0, $0xb8;
	[tilespmem:$0x15200] =	vst v63  }
0x2d9: {  	v55 =	vperm.xlane v18, v10;
	v54 =	vadd.s32 v3, v53;
	s13 =	simm.s32 $0x500  }
0x2da: {  	[tilespmem:s13], [sflag:$0x1] =	stream.indirect_vreg.gather [hbm4b:s3+s2], $0x80, v19, vm0, $0xb8;
	[tilespmem:$0x15200] =	vst v63  }
0x2db: {  	v56 =	vperm.xlane v18, v11;
	s12 =	simm.s32 $0x580;
	v19 =	vadd.s32 v3, v55  }
0x2dc: {  	[tilespmem:s12], [sflag:$0x1] =	stream.indirect_vreg.gather [hbm4b:s3+s2], $0x80, v20, vm0, $0xb8;
	[tilespmem:$0x15200] =	vst v63  }
0x2dd: {  	v57 =	vperm.xlane v18, v12;
	s13 =	simm.s32 $0x600;
	v20 =	vadd.s32 v3, v56  }
0x2de: {  	[tilespmem:s13], [sflag:$0x1] =	stream.indirect_vreg.gather [hbm4b:s3+s2], $0x80, v54, vm0, $0xb8;
	[tilespmem:$0x15200] =	vst v63  }
0x2df: {  	v59 =	vperm.xlane v18, v13;
	v58 =	vadd.s32 v3, v57;
	s12 =	simm.s32 $0x680  }
0x2e0: {  	[tilespmem:s12], [sflag:$0x1] =	stream.indirect_vreg.gather [hbm4b:s3+s2], $0x80, v19, vm0, $0xb8;
	[tilespmem:$0x15200] =	vst v63  }
0x2e1: {  	v60 =	vperm.xlane v18, v14;
	s13 =	simm.s32 $0x700;
	v19 =	vadd.s32 v3, v59  }
0x2e2: {  	[tilespmem:s13], [sflag:$0x1] =	stream.indirect_vreg.gather [hbm4b:s3+s2], $0x80, v20, vm0, $0xb8;
	[tilespmem:$0x15200] =	vst v63  }
0x2e3: {  	v61 =	vperm.xlane v18, v15;
	s12 =	simm.s32 $0x780;
	v20 =	vadd.s32 v3, v60  }
0x2e4: {  	[tilespmem:s12], [sflag:$0x1] =	stream.indirect_vreg.gather [hbm4b:s3+s2], $0x80, v58, vm0, $0xb8;
	[tilespmem:$0x15200] =	vst v63  }
0x2e5: {  	v18 =	vperm.xlane v18, v16;
	v62 =	vadd.s32 v3, v61;
	s13 =	simm.s32 $0x800  }
0x2e6: {  	[tilespmem:s13], [sflag:$0x1] =	stream.indirect_vreg.gather [hbm4b:s3+s2], $0x80, v19, vm0, $0xb8;
	[tilespmem:$0x15200] =	vst v63  }
0x2e7: {  	v18 =	vadd.s32 v3, v18;
	s12 =	simm.s32 $0x880  }
0x2e8: {  	[tilespmem:s12], [sflag:$0x1] =	stream.indirect_vreg.gather [hbm4b:s3+s2], $0x80, v20, vm0, $0xb8;
	[tilespmem:$0x15200] =	vst v63  }
0x2e9: {  	s13 =	simm.s32 $0x900  }
0x2ea: {  	[tilespmem:s13], [sflag:$0x1] =	stream.indirect_vreg.gather [hbm4b:s3+s2], $0x80, v62, vm0, $0xb8;
	[tilespmem:$0x15200] =	vst v63  }
0x2eb: {  	s12 =	simm.s32 $0x980  }
0x2ec: {  	[tilespmem:s12], [sflag:$0x1] =	stream.indirect_vreg.gather [hbm4b:s3+s2], $0x80, v18, vm0, $0xb8;
	[tilespmem:$0x15200] =	vst v63  }
0x2ed: {  	v18 =	vld [tilespmem:$0x110];
	_ =	sdelay $0x4  }
0x2ee: {  	v19 =	vshll.u32 v18, $0x1  }
0x2ef: {  	v18 =	vand.u32 $0x7, v18;
	v19 =	vand.u32 $0xFFFFFFF0, v19  }
0x2f0: {  	v18 =	vor.u32 v18, v19  }
0x2f1: {  	v19 =	vperm.xlane v18, v2;
	_ =	sdelay $0x1  }
0x2f2: {  	v20 =	vperm.xlane v18, v1;
	v19 =	vadd.s32 v3, v19;
	_ =	sdelay $0x1  }
0x2f3: {  	v63 =	vperm.xlane v18, v4;
	v20 =	vadd.s32 v3, v20;
	_ =	sdelay $0x1  }
0x2f4: {  	s11 =	simm.s32 $0xA00;
	v24 =	vperm.xlane v18, v5;
	v21 =	vadd.s32 v3, v63  }
0x2f5: {  	[tilespmem:s11], [sflag:$0x1] =	stream.indirect_vreg.gather [hbm4b:s3+s2], $0x80, v19, vm0, $0xb8;
	[tilespmem:$0x15200] =	vst v63  }
0x2f6: {  	s12 =	simm.s32 $0xA80;
	v25 =	vperm.xlane v18, v6;
	v19 =	vadd.s32 v3, v24  }
0x2f7: {  	[tilespmem:s12], [sflag:$0x1] =	stream.indirect_vreg.gather [hbm4b:s3+s2], $0x80, v20, vm0, $0xb8;
	[tilespmem:$0x15200] =	vst v63  }
0x2f8: {  	s13 =	simm.s32 $0xB00;
	v26 =	vperm.xlane v18, v7;
	v20 =	vadd.s32 v3, v25  }
0x2f9: {  	[tilespmem:s13], [sflag:$0x1] =	stream.indirect_vreg.gather [hbm4b:s3+s2], $0x80, v21, vm0, $0xb8;
	[tilespmem:$0x15200] =	vst v63  }
0x2fa: {  	v28 =	vperm.xlane v18, v8;
	v27 =	vadd.s32 v3, v26;
	s13 =	simm.s32 $0xB80  }
0x2fb: {  	[tilespmem:s13], [sflag:$0x1] =	stream.indirect_vreg.gather [hbm4b:s3+s2], $0x80, v19, vm0, $0xb8;
	[tilespmem:$0x15200] =	vst v63  }
0x2fc: {  	v29 =	vperm.xlane v18, v0;
	v19 =	vadd.s32 v3, v28;
	s13 =	simm.s32 $0xC00  }
0x2fd: {  	[tilespmem:s13], [sflag:$0x1] =	stream.indirect_vreg.gather [hbm4b:s3+s2], $0x80, v20, vm0, $0xb8;
	[tilespmem:$0x15200] =	vst v63  }
0x2fe: {  	v30 =	vperm.xlane v18, v9;
	v20 =	vadd.s32 v3, v29;
	s13 =	simm.s32 $0xC80  }
0x2ff: {  	[tilespmem:s13], [sflag:$0x1] =	stream.indirect_vreg.gather [hbm4b:s3+s2], $0x80, v27, vm0, $0xb8;
	[tilespmem:$0x15200] =	vst v63  }
0x300: {  	v32 =	vperm.xlane v18, v10;
	v31 =	vadd.s32 v3, v30;
	s13 =	simm.s32 $0xD00  }
0x301: {  	[tilespmem:s13], [sflag:$0x1] =	stream.indirect_vreg.gather [hbm4b:s3+s2], $0x80, v19, vm0, $0xb8;
	[tilespmem:$0x15200] =	vst v63  }
0x302: {  	v33 =	vperm.xlane v18, v11;
	v19 =	vadd.s32 v3, v32;
	s13 =	simm.s32 $0xD80  }
0x303: {  	[tilespmem:s13], [sflag:$0x1] =	stream.indirect_vreg.gather [hbm4b:s3+s2], $0x80, v20, vm0, $0xb8;
	[tilespmem:$0x15200] =	vst v63  }
0x304: {  	v34 =	vperm.xlane v18, v12;
	v20 =	vadd.s32 v3, v33;
	s13 =	simm.s32 $0xE00  }
0x305: {  	[tilespmem:s13], [sflag:$0x1] =	stream.indirect_vreg.gather [hbm4b:s3+s2], $0x80, v31, vm0, $0xb8;
	[tilespmem:$0x15200] =	vst v63  }
0x306: {  	v36 =	vperm.xlane v18, v13;
	v35 =	vadd.s32 v3, v34;
	s13 =	simm.s32 $0xE80  }
0x307: {  	[tilespmem:s13], [sflag:$0x1] =	stream.indirect_vreg.gather [hbm4b:s3+s2], $0x80, v19, vm0, $0xb8;
	[tilespmem:$0x15200] =	vst v63  }
0x308: {  	v37 =	vperm.xlane v18, v14;
	v19 =	vadd.s32 v3, v36;
	s13 =	simm.s32 $0xF00  }
0x309: {  	[tilespmem:s13], [sflag:$0x1] =	stream.indirect_vreg.gather [hbm4b:s3+s2], $0x80, v20, vm0, $0xb8;
	[tilespmem:$0x15200] =	vst v63  }
0x30a: {  	v38 =	vperm.xlane v18, v15;
	v20 =	vadd.s32 v3, v37;
	s13 =	simm.s32 $0xF80  }
0x30b: {  	[tilespmem:s13], [sflag:$0x1] =	stream.indirect_vreg.gather [hbm4b:s3+s2], $0x80, v35, vm0, $0xb8;
	[tilespmem:$0x15200] =	vst v63  }
0x30c: {  	v18 =	vperm.xlane v18, v16;
	v39 =	vadd.s32 v3, v38;
	s13 =	simm.s32 $0x1000  }
0x30d: {  	[tilespmem:s13], [sflag:$0x1] =	stream.indirect_vreg.gather [hbm4b:s3+s2], $0x80, v19, vm0, $0xb8;
	[tilespmem:$0x15200] =	vst v63  }
0x30e: {  	v18 =	vadd.s32 v3, v18;
	s13 =	simm.s32 $0x1080  }
0x30f: {  	[tilespmem:s13], [sflag:$0x1] =	stream.indirect_vreg.gather [hbm4b:s3+s2], $0x80, v20, vm0, $0xb8;
	[tilespmem:$0x15200] =	vst v63  }
0x310: {  	s13 =	simm.s32 $0x1100  }
0x311: {  	[tilespmem:s13], [sflag:$0x1] =	stream.indirect_vreg.gather [hbm4b:s3+s2], $0x80, v39, vm0, $0xb8;
	[tilespmem:$0x15200] =	vst v63  }
0x312: {  	s13 =	simm.s32 $0x1180  }
0x313: {  	[tilespmem:s13], [sflag:$0x1] =	stream.indirect_vreg.gather [hbm4b:s3+s2], $0x80, v18, vm0, $0xb8;
	[tilespmem:$0x15200] =	vst v63  }
0x314: {  	v18 =	vld [tilespmem:$0x120];
	_ =	sdelay $0x4  }
0x315: {  	v19 =	vshll.u32 v18, $0x1  }
0x316: {  	v18 =	vand.u32 $0x7, v18;
	v19 =	vand.u32 $0xFFFFFFF0, v19  }
0x317: {  	v18 =	vor.u32 v18, v19  }
0x318: {  	v19 =	vperm.xlane v18, v2;
	_ =	sdelay $0x1  }
0x319: {  	v20 =	vperm.xlane v18, v1;
	v19 =	vadd.s32 v3, v19;
	_ =	sdelay $0x1  }
0x31a: {  	v40 =	vperm.xlane v18, v4;
	v20 =	vadd.s32 v3, v20;
	_ =	sdelay $0x1  }
0x31b: {  	s13 =	simm.s32 $0x1200;
	v41 =	vperm.xlane v18, v5;
	v21 =	vadd.s32 v3, v40  }
0x31c: {  	[tilespmem:s13], [sflag:$0x1] =	stream.indirect_vreg.gather [hbm4b:s3+s2], $0x80, v19, vm0, $0xb8;
	[tilespmem:$0x15200] =	vst v63  }
0x31d: {  	v42 =	vperm.xlane v18, v6;
	v19 =	vadd.s32 v3, v41;
	s13 =	simm.s32 $0x1280  }
0x31e: {  	[tilespmem:s13], [sflag:$0x1] =	stream.indirect_vreg.gather [hbm4b:s3+s2], $0x80, v20, vm0, $0xb8;
	[tilespmem:$0x15200] =	vst v63  }
0x31f: {  	v43 =	vperm.xlane v18, v7;
	v20 =	vadd.s32 v3, v42;
	s13 =	simm.s32 $0x1300  }
0x320: {  	[tilespmem:s13], [sflag:$0x1] =	stream.indirect_vreg.gather [hbm4b:s3+s2], $0x80, v21, vm0, $0xb8;
	[tilespmem:$0x15200] =	vst v63  }
0x321: {  	v45 =	vperm.xlane v18, v8;
	v44 =	vadd.s32 v3, v43;
	s13 =	simm.s32 $0x1380  }
0x322: {  	[tilespmem:s13], [sflag:$0x1] =	stream.indirect_vreg.gather [hbm4b:s3+s2], $0x80, v19, vm0, $0xb8;
	[tilespmem:$0x15200] =	vst v63  }
0x323: {  	v46 =	vperm.xlane v18, v0;
	v19 =	vadd.s32 v3, v45;
	s13 =	simm.s32 $0x1400  }
0x324: {  	[tilespmem:s13], [sflag:$0x1] =	stream.indirect_vreg.gather [hbm4b:s3+s2], $0x80, v20, vm0, $0xb8;
	[tilespmem:$0x15200] =	vst v63  }
0x325: {  	v47 =	vperm.xlane v18, v9;
	v20 =	vadd.s32 v3, v46;
	s13 =	simm.s32 $0x1480  }
0x326: {  	[tilespmem:s13], [sflag:$0x1] =	stream.indirect_vreg.gather [hbm4b:s3+s2], $0x80, v44, vm0, $0xb8;
	[tilespmem:$0x15200] =	vst v63  }
0x327: {  	v49 =	vperm.xlane v18, v10;
	v48 =	vadd.s32 v3, v47;
	s13 =	simm.s32 $0x1500  }
0x328: {  	[tilespmem:s13], [sflag:$0x1] =	stream.indirect_vreg.gather [hbm4b:s3+s2], $0x80, v19, vm0, $0xb8;
	[tilespmem:$0x15200] =	vst v63  }
0x329: {  	v50 =	vperm.xlane v18, v11;
	v19 =	vadd.s32 v3, v49;
	s13 =	simm.s32 $0x1580  }
0x32a: {  	[tilespmem:s13], [sflag:$0x1] =	stream.indirect_vreg.gather [hbm4b:s3+s2], $0x80, v20, vm0, $0xb8;
	[tilespmem:$0x15200] =	vst v63  }
0x32b: {  	v51 =	vperm.xlane v18, v12;
	v20 =	vadd.s32 v3, v50;
	s13 =	simm.s32 $0x1600  }
0x32c: {  	[tilespmem:s13], [sflag:$0x1] =	stream.indirect_vreg.gather [hbm4b:s3+s2], $0x80, v48, vm0, $0xb8;
	[tilespmem:$0x15200] =	vst v63  }
0x32d: {  	v53 =	vperm.xlane v18, v13;
	v52 =	vadd.s32 v3, v51;
	s13 =	simm.s32 $0x1680  }
0x32e: {  	[tilespmem:s13], [sflag:$0x1] =	stream.indirect_vreg.gather [hbm4b:s3+s2], $0x80, v19, vm0, $0xb8;
	[tilespmem:$0x15200] =	vst v63  }
0x32f: {  	v54 =	vperm.xlane v18, v14;
	v19 =	vadd.s32 v3, v53;
	s13 =	simm.s32 $0x1700  }
0x330: {  	[tilespmem:s13], [sflag:$0x1] =	stream.indirect_vreg.gather [hbm4b:s3+s2], $0x80, v20, vm0, $0xb8;
	[tilespmem:$0x15200] =	vst v63  }
0x331: {  	v55 =	vperm.xlane v18, v15;
	v20 =	vadd.s32 v3, v54;
	s13 =	simm.s32 $0x1780  }
0x332: {  	[tilespmem:s13], [sflag:$0x1] =	stream.indirect_vreg.gather [hbm4b:s3+s2], $0x80, v52, vm0, $0xb8;
	[tilespmem:$0x15200] =	vst v63  }
0x333: {  	v18 =	vperm.xlane v18, v16;
	v56 =	vadd.s32 v3, v55;
	s13 =	simm.s32 $0x1800  }
0x334: {  	[tilespmem:s13], [sflag:$0x1] =	stream.indirect_vreg.gather [hbm4b:s3+s2], $0x80, v19, vm0, $0xb8;
	[tilespmem:$0x15200] =	vst v63  }
0x335: {  	v18 =	vadd.s32 v3, v18;
	s13 =	simm.s32 $0x1880  }
0x336: {  	[tilespmem:s13], [sflag:$0x1] =	stream.indirect_vreg.gather [hbm4b:s3+s2], $0x80, v20, vm0, $0xb8;
	[tilespmem:$0x15200] =	vst v63  }
0x337: {  	s13 =	simm.s32 $0x1900  }
0x338: {  	[tilespmem:s13], [sflag:$0x1] =	stream.indirect_vreg.gather [hbm4b:s3+s2], $0x80, v56, vm0, $0xb8;
	[tilespmem:$0x15200] =	vst v63  }
0x339: {  	s13 =	simm.s32 $0x1980  }
0x33a: {  	[tilespmem:s13], [sflag:$0x1] =	stream.indirect_vreg.gather [hbm4b:s3+s2], $0x80, v18, vm0, $0xb8;
	[tilespmem:$0x15200] =	vst v63  }
0x33b: {  	v18 =	vld [tilespmem:$0x130];
	_ =	sdelay $0x4  }
0x33c: {  	v19 =	vshll.u32 v18, $0x1  }
0x33d: {  	v18 =	vand.u32 $0x7, v18;
	v19 =	vand.u32 $0xFFFFFFF0, v19  }
0x33e: {  	v18 =	vor.u32 v18, v19  }
0x33f: {  	v19 =	vperm.xlane v18, v2;
	_ =	sdelay $0x1  }
0x340: {  	v20 =	vperm.xlane v18, v1;
	v19 =	vadd.s32 v3, v19;
	_ =	sdelay $0x1  }
0x341: {  	v57 =	vperm.xlane v18, v4;
	v20 =	vadd.s32 v3, v20;
	_ =	sdelay $0x1  }
0x342: {  	s13 =	simm.s32 $0x1A00;
	v58 =	vperm.xlane v18, v5;
	v21 =	vadd.s32 v3, v57  }
0x343: {  	[tilespmem:s13], [sflag:$0x1] =	stream.indirect_vreg.gather [hbm4b:s3+s2], $0x80, v19, vm0, $0xb8;
	[tilespmem:$0x15200] =	vst v63  }
0x344: {  	v59 =	vperm.xlane v18, v6;
	v19 =	vadd.s32 v3, v58;
	s13 =	simm.s32 $0x1A80  }
0x345: {  	[tilespmem:s13], [sflag:$0x1] =	stream.indirect_vreg.gather [hbm4b:s3+s2], $0x80, v20, vm0, $0xb8;
	[tilespmem:$0x15200] =	vst v63  }
0x346: {  	v60 =	vperm.xlane v18, v7;
	v20 =	vadd.s32 v3, v59;
	s13 =	simm.s32 $0x1B00  }
0x347: {  	[tilespmem:s13], [sflag:$0x1] =	stream.indirect_vreg.gather [hbm4b:s3+s2], $0x80, v21, vm0, $0xb8;
	[tilespmem:$0x15200] =	vst v63  }
0x348: {  	v62 =	vperm.xlane v18, v8;
	v61 =	vadd.s32 v3, v60;
	s13 =	simm.s32 $0x1B80  }
0x349: {  	[tilespmem:s13], [sflag:$0x1] =	stream.indirect_vreg.gather [hbm4b:s3+s2], $0x80, v19, vm0, $0xb8;
	[tilespmem:$0x15200] =	vst v63  }
0x34a: {  	v63 =	vperm.xlane v18, v0;
	v19 =	vadd.s32 v3, v62;
	s13 =	simm.s32 $0x1C00  }
0x34b: {  	[tilespmem:s13], [sflag:$0x1] =	stream.indirect_vreg.gather [hbm4b:s3+s2], $0x80, v20, vm0, $0xb8;
	[tilespmem:$0x15200] =	vst v63  }
0x34c: {  	v24 =	vperm.xlane v18, v9;
	v20 =	vadd.s32 v3, v63;
	s13 =	simm.s32 $0x1C80  }
0x34d: {  	[tilespmem:s13], [sflag:$0x1] =	stream.indirect_vreg.gather [hbm4b:s3+s2], $0x80, v61, vm0, $0xb8;
	[tilespmem:$0x15200] =	vst v63  }
0x34e: {  	v26 =	vperm.xlane v18, v10;
	v25 =	vadd.s32 v3, v24;
	s13 =	simm.s32 $0x1D00  }
0x34f: {  	[tilespmem:s13], [sflag:$0x1] =	stream.indirect_vreg.gather [hbm4b:s3+s2], $0x80, v19, vm0, $0xb8;
	[tilespmem:$0x15200] =	vst v63  }
0x350: {  	v27 =	vperm.xlane v18, v11;
	v19 =	vadd.s32 v3, v26;
	s13 =	simm.s32 $0x1D80  }
0x351: {  	[tilespmem:s13], [sflag:$0x1] =	stream.indirect_vreg.gather [hbm4b:s3+s2], $0x80, v20, vm0, $0xb8;
	[tilespmem:$0x15200] =	vst v63  }
0x352: {  	v28 =	vperm.xlane v18, v12;
	v20 =	vadd.s32 v3, v27;
	s13 =	simm.s32 $0x1E00  }
0x353: {  	[tilespmem:s13], [sflag:$0x1] =	stream.indirect_vreg.gather [hbm4b:s3+s2], $0x80, v25, vm0, $0xb8;
	[tilespmem:$0x15200] =	vst v63  }
0x354: {  	v30 =	vperm.xlane v18, v13;
	v29 =	vadd.s32 v3, v28;
	s13 =	simm.s32 $0x1E80  }
0x355: {  	[tilespmem:s13], [sflag:$0x1] =	stream.indirect_vreg.gather [hbm4b:s3+s2], $0x80, v19, vm0, $0xb8;
	[tilespmem:$0x15200] =	vst v63  }
0x356: {  	v31 =	vperm.xlane v18, v14;
	v19 =	vadd.s32 v3, v30;
	s13 =	simm.s32 $0x1F00  }
0x357: {  	[tilespmem:s13], [sflag:$0x1] =	stream.indirect_vreg.gather [hbm4b:s3+s2], $0x80, v20, vm0, $0xb8;
	[tilespmem:$0x15200] =	vst v63  }
0x358: {  	v32 =	vperm.xlane v18, v15;
	v20 =	vadd.s32 v3, v31;
	s13 =	simm.s32 $0x1F80  }
0x359: {  	[tilespmem:s13], [sflag:$0x1] =	stream.indirect_vreg.gather [hbm4b:s3+s2], $0x80, v29, vm0, $0xb8;
	[tilespmem:$0x15200] =	vst v63  }
0x35a: {  	v18 =	vperm.xlane v18, v16;
	v33 =	vadd.s32 v3, v32;
	s13 =	simm.s32 $0x2000  }
0x35b: {  	[tilespmem:s13], [sflag:$0x1] =	stream.indirect_vreg.gather [hbm4b:s3+s2], $0x80, v19, vm0, $0xb8;
	[tilespmem:$0x15200] =	vst v63  }
0x35c: {  	v18 =	vadd.s32 v3, v18;
	s13 =	simm.s32 $0x2080  }
0x35d: {  	[tilespmem:s13], [sflag:$0x1] =	stream.indirect_vreg.gather [hbm4b:s3+s2], $0x80, v20, vm0, $0xb8;
	[tilespmem:$0x15200] =	vst v63  }
0x35e: {  	s13 =	simm.s32 $0x2100  }
0x35f: {  	[tilespmem:s13], [sflag:$0x1] =	stream.indirect_vreg.gather [hbm4b:s3+s2], $0x80, v33, vm0, $0xb8;
	[tilespmem:$0x15200] =	vst v63  }
0x360: {  	s13 =	simm.s32 $0x2180  }
0x361: {  	[tilespmem:s13], [sflag:$0x1] =	stream.indirect_vreg.gather [hbm4b:s3+s2], $0x80, v18, vm0, $0xb8;
	[tilespmem:$0x15200] =	vst v63  }
0x362: {  	v18 =	vld [tilespmem:$0x140];
	_ =	sdelay $0x4  }
0x363: {  	v19 =	vshll.u32 v18, $0x1  }
0x364: {  	v18 =	vand.u32 $0x7, v18;
	v19 =	vand.u32 $0xFFFFFFF0, v19  }
0x365: {  	v18 =	vor.u32 v18, v19  }
0x366: {  	v19 =	vperm.xlane v18, v2;
	_ =	sdelay $0x1  }
0x367: {  	v20 =	vperm.xlane v18, v1;
	v19 =	vadd.s32 v3, v19;
	_ =	sdelay $0x1  }
0x368: {  	v34 =	vperm.xlane v18, v4;
	v20 =	vadd.s32 v3, v20;
	_ =	sdelay $0x1  }
0x369: {  	s13 =	simm.s32 $0x2200;
	v35 =	vperm.xlane v18, v5;
	v21 =	vadd.s32 v3, v34  }
0x36a: {  	[tilespmem:s13], [sflag:$0x1] =	stream.indirect_vreg.gather [hbm4b:s3+s2], $0x80, v19, vm0, $0xb8;
	[tilespmem:$0x15200] =	vst v63  }
0x36b: {  	v36 =	vperm.xlane v18, v6;
	v19 =	vadd.s32 v3, v35;
	s13 =	simm.s32 $0x2280  }
0x36c: {  	[tilespmem:s13], [sflag:$0x1] =	stream.indirect_vreg.gather [hbm4b:s3+s2], $0x80, v20, vm0, $0xb8;
	[tilespmem:$0x15200] =	vst v63  }
0x36d: {  	v37 =	vperm.xlane v18, v7;
	v20 =	vadd.s32 v3, v36;
	s13 =	simm.s32 $0x2300  }
0x36e: {  	[tilespmem:s13], [sflag:$0x1] =	stream.indirect_vreg.gather [hbm4b:s3+s2], $0x80, v21, vm0, $0xb8;
	[tilespmem:$0x15200] =	vst v63  }
0x36f: {  	v39 =	vperm.xlane v18, v8;
	v38 =	vadd.s32 v3, v37;
	s13 =	simm.s32 $0x2380  }
0x370: {  	[tilespmem:s13], [sflag:$0x1] =	stream.indirect_vreg.gather [hbm4b:s3+s2], $0x80, v19, vm0, $0xb8;
	[tilespmem:$0x15200] =	vst v63  }
0x371: {  	v40 =	vperm.xlane v18, v0;
	v19 =	vadd.s32 v3, v39;
	s13 =	simm.s32 $0x2400  }
0x372: {  	[tilespmem:s13], [sflag:$0x1] =	stream.indirect_vreg.gather [hbm4b:s3+s2], $0x80, v20, vm0, $0xb8;
	[tilespmem:$0x15200] =	vst v63  }
0x373: {  	v41 =	vperm.xlane v18, v9;
	v20 =	vadd.s32 v3, v40;
	s13 =	simm.s32 $0x2480  }
0x374: {  	[tilespmem:s13], [sflag:$0x1] =	stream.indirect_vreg.gather [hbm4b:s3+s2], $0x80, v38, vm0, $0xb8;
	[tilespmem:$0x15200] =	vst v63  }
0x375: {  	v43 =	vperm.xlane v18, v10;
	v42 =	vadd.s32 v3, v41;
	s13 =	simm.s32 $0x2500  }
0x376: {  	[tilespmem:s13], [sflag:$0x1] =	stream.indirect_vreg.gather [hbm4b:s3+s2], $0x80, v19, vm0, $0xb8;
	[tilespmem:$0x15200] =	vst v63  }
0x377: {  	v44 =	vperm.xlane v18, v11;
	v19 =	vadd.s32 v3, v43;
	s13 =	simm.s32 $0x2580  }
0x378: {  	[tilespmem:s13], [sflag:$0x1] =	stream.indirect_vreg.gather [hbm4b:s3+s2], $0x80, v20, vm0, $0xb8;
	[tilespmem:$0x15200] =	vst v63  }
0x379: {  	v45 =	vperm.xlane v18, v12;
	v20 =	vadd.s32 v3, v44;
	s13 =	simm.s32 $0x2600  }
0x37a: {  	[tilespmem:s13], [sflag:$0x1] =	stream.indirect_vreg.gather [hbm4b:s3+s2], $0x80, v42, vm0, $0xb8;
	[tilespmem:$0x15200] =	vst v63  }
0x37b: {  	v47 =	vperm.xlane v18, v13;
	v46 =	vadd.s32 v3, v45;
	s13 =	simm.s32 $0x2680  }
0x37c: {  	[tilespmem:s13], [sflag:$0x1] =	stream.indirect_vreg.gather [hbm4b:s3+s2], $0x80, v19, vm0, $0xb8;
	[tilespmem:$0x15200] =	vst v63  }
0x37d: {  	v48 =	vperm.xlane v18, v14;
	v19 =	vadd.s32 v3, v47;
	s13 =	simm.s32 $0x2700  }
0x37e: {  	[tilespmem:s13], [sflag:$0x1] =	stream.indirect_vreg.gather [hbm4b:s3+s2], $0x80, v20, vm0, $0xb8;
	[tilespmem:$0x15200] =	vst v63  }
0x37f: {  	v49 =	vperm.xlane v18, v15;
	v20 =	vadd.s32 v3, v48;
	s13 =	simm.s32 $0x2780  }
0x380: {  	[tilespmem:s13], [sflag:$0x1] =	stream.indirect_vreg.gather [hbm4b:s3+s2], $0x80, v46, vm0, $0xb8;
	[tilespmem:$0x15200] =	vst v63  }
0x381: {  	v18 =	vperm.xlane v18, v16;
	v50 =	vadd.s32 v3, v49;
	s13 =	simm.s32 $0x2800  }
0x382: {  	[tilespmem:s13], [sflag:$0x1] =	stream.indirect_vreg.gather [hbm4b:s3+s2], $0x80, v19, vm0, $0xb8;
	[tilespmem:$0x15200] =	vst v63  }
0x383: {  	v18 =	vadd.s32 v3, v18;
	s13 =	simm.s32 $0x2880  }
0x384: {  	[tilespmem:s13], [sflag:$0x1] =	stream.indirect_vreg.gather [hbm4b:s3+s2], $0x80, v20, vm0, $0xb8;
	[tilespmem:$0x15200] =	vst v63  }
0x385: {  	s13 =	simm.s32 $0x2900  }
0x386: {  	[tilespmem:s13], [sflag:$0x1] =	stream.indirect_vreg.gather [hbm4b:s3+s2], $0x80, v50, vm0, $0xb8;
	[tilespmem:$0x15200] =	vst v63  }
0x387: {  	s13 =	simm.s32 $0x2980  }
0x388: {  	[tilespmem:s13], [sflag:$0x1] =	stream.indirect_vreg.gather [hbm4b:s3+s2], $0x80, v18, vm0, $0xb8;
	[tilespmem:$0x15200] =	vst v63  }
0x389: {  	v18 =	vld [tilespmem:$0x150];
	_ =	sdelay $0x4  }
0x38a: {  	v19 =	vshll.u32 v18, $0x1  }
0x38b: {  	v18 =	vand.u32 $0x7, v18;
	v19 =	vand.u32 $0xFFFFFFF0, v19  }
0x38c: {  	v18 =	vor.u32 v18, v19  }
0x38d: {  	v19 =	vperm.xlane v18, v2;
	_ =	sdelay $0x1  }
0x38e: {  	v20 =	vperm.xlane v18, v1;
	v19 =	vadd.s32 v3, v19;
	_ =	sdelay $0x1  }
0x38f: {  	v51 =	vperm.xlane v18, v4;
	v20 =	vadd.s32 v3, v20;
	_ =	sdelay $0x1  }
0x390: {  	s13 =	simm.s32 $0x2A00;
	v52 =	vperm.xlane v18, v5;
	v21 =	vadd.s32 v3, v51  }
0x391: {  	[tilespmem:s13], [sflag:$0x1] =	stream.indirect_vreg.gather [hbm4b:s3+s2], $0x80, v19, vm0, $0xb8;
	[tilespmem:$0x15200] =	vst v63  }
0x392: {  	v53 =	vperm.xlane v18, v6;
	v19 =	vadd.s32 v3, v52;
	s13 =	simm.s32 $0x2A80  }
0x393: {  	[tilespmem:s13], [sflag:$0x1] =	stream.indirect_vreg.gather [hbm4b:s3+s2], $0x80, v20, vm0, $0xb8;
	[tilespmem:$0x15200] =	vst v63  }
0x394: {  	v54 =	vperm.xlane v18, v7;
	v20 =	vadd.s32 v3, v53;
	s13 =	simm.s32 $0x2B00  }
0x395: {  	[tilespmem:s13], [sflag:$0x1] =	stream.indirect_vreg.gather [hbm4b:s3+s2], $0x80, v21, vm0, $0xb8;
	[tilespmem:$0x15200] =	vst v63  }
0x396: {  	v56 =	vperm.xlane v18, v8;
	v55 =	vadd.s32 v3, v54;
	s13 =	simm.s32 $0x2B80  }
0x397: {  	[tilespmem:s13], [sflag:$0x1] =	stream.indirect_vreg.gather [hbm4b:s3+s2], $0x80, v19, vm0, $0xb8;
	[tilespmem:$0x15200] =	vst v63  }
0x398: {  	v57 =	vperm.xlane v18, v0;
	v19 =	vadd.s32 v3, v56;
	s13 =	simm.s32 $0x2C00  }
0x399: {  	[tilespmem:s13], [sflag:$0x1] =	stream.indirect_vreg.gather [hbm4b:s3+s2], $0x80, v20, vm0, $0xb8;
	[tilespmem:$0x15200] =	vst v63  }
0x39a: {  	v58 =	vperm.xlane v18, v9;
	v20 =	vadd.s32 v3, v57;
	s13 =	simm.s32 $0x2C80  }
0x39b: {  	[tilespmem:s13], [sflag:$0x1] =	stream.indirect_vreg.gather [hbm4b:s3+s2], $0x80, v55, vm0, $0xb8;
	[tilespmem:$0x15200] =	vst v63  }
0x39c: {  	v60 =	vperm.xlane v18, v10;
	v59 =	vadd.s32 v3, v58;
	s13 =	simm.s32 $0x2D00  }
0x39d: {  	[tilespmem:s13], [sflag:$0x1] =	stream.indirect_vreg.gather [hbm4b:s3+s2], $0x80, v19, vm0, $0xb8;
	[tilespmem:$0x15200] =	vst v63  }
0x39e: {  	v61 =	vperm.xlane v18, v11;
	v19 =	vadd.s32 v3, v60;
	s13 =	simm.s32 $0x2D80  }
0x39f: {  	[tilespmem:s13], [sflag:$0x1] =	stream.indirect_vreg.gather [hbm4b:s3+s2], $0x80, v20, vm0, $0xb8;
	[tilespmem:$0x15200] =	vst v63  }
0x3a0: {  	v62 =	vperm.xlane v18, v12;
	v20 =	vadd.s32 v3, v61;
	s13 =	simm.s32 $0x2E00  }
0x3a1: {  	[tilespmem:s13], [sflag:$0x1] =	stream.indirect_vreg.gather [hbm4b:s3+s2], $0x80, v59, vm0, $0xb8;
	[tilespmem:$0x15200] =	vst v63  }
0x3a2: {  	v24 =	vperm.xlane v18, v13;
	v63 =	vadd.s32 v3, v62;
	s13 =	simm.s32 $0x2E80  }
0x3a3: {  	[tilespmem:s13], [sflag:$0x1] =	stream.indirect_vreg.gather [hbm4b:s3+s2], $0x80, v19, vm0, $0xb8;
	[tilespmem:$0x15200] =	vst v63  }
0x3a4: {  	v25 =	vperm.xlane v18, v14;
	v19 =	vadd.s32 v3, v24;
	s13 =	simm.s32 $0x2F00  }
0x3a5: {  	[tilespmem:s13], [sflag:$0x1] =	stream.indirect_vreg.gather [hbm4b:s3+s2], $0x80, v20, vm0, $0xb8;
	[tilespmem:$0x15200] =	vst v63  }
0x3a6: {  	v26 =	vperm.xlane v18, v15;
	v20 =	vadd.s32 v3, v25;
	s13 =	simm.s32 $0x2F80  }
0x3a7: {  	[tilespmem:s13], [sflag:$0x1] =	stream.indirect_vreg.gather [hbm4b:s3+s2], $0x80, v63, vm0, $0xb8;
	[tilespmem:$0x15200] =	vst v63  }
0x3a8: {  	v18 =	vperm.xlane v18, v16;
	v27 =	vadd.s32 v3, v26;
	s13 =	simm.s32 $0x3000  }
0x3a9: {  	[tilespmem:s13], [sflag:$0x1] =	stream.indirect_vreg.gather [hbm4b:s3+s2], $0x80, v19, vm0, $0xb8;
	[tilespmem:$0x15200] =	vst v63  }
0x3aa: {  	v18 =	vadd.s32 v3, v18;
	s13 =	simm.s32 $0x3080  }
0x3ab: {  	[tilespmem:s13], [sflag:$0x1] =	stream.indirect_vreg.gather [hbm4b:s3+s2], $0x80, v20, vm0, $0xb8;
	[tilespmem:$0x15200] =	vst v63  }
0x3ac: {  	s13 =	simm.s32 $0x3100  }
0x3ad: {  	[tilespmem:s13], [sflag:$0x1] =	stream.indirect_vreg.gather [hbm4b:s3+s2], $0x80, v27, vm0, $0xb8;
	[tilespmem:$0x15200] =	vst v63  }
0x3ae: {  	s13 =	simm.s32 $0x3180  }
0x3af: {  	[tilespmem:s13], [sflag:$0x1] =	stream.indirect_vreg.gather [hbm4b:s3+s2], $0x80, v18, vm0, $0xb8;
	[tilespmem:$0x15200] =	vst v63  }
0x3b0: {  	v18 =	vld [tilespmem:$0x160];
	_ =	sdelay $0x4  }
0x3b1: {  	v19 =	vshll.u32 v18, $0x1  }
0x3b2: {  	v18 =	vand.u32 $0x7, v18;
	v19 =	vand.u32 $0xFFFFFFF0, v19  }
0x3b3: {  	v18 =	vor.u32 v18, v19  }
0x3b4: {  	v19 =	vperm.xlane v18, v2;
	_ =	sdelay $0x1  }
0x3b5: {  	v20 =	vperm.xlane v18, v1;
	v19 =	vadd.s32 v3, v19;
	_ =	sdelay $0x1  }
0x3b6: {  	v28 =	vperm.xlane v18, v4;
	v20 =	vadd.s32 v3, v20;
	_ =	sdelay $0x1  }
0x3b7: {  	s13 =	simm.s32 $0x3200;
	v29 =	vperm.xlane v18, v5;
	v21 =	vadd.s32 v3, v28  }
0x3b8: {  	[tilespmem:s13], [sflag:$0x1] =	stream.indirect_vreg.gather [hbm4b:s3+s2], $0x80, v19, vm0, $0xb8;
	[tilespmem:$0x15200] =	vst v63  }
0x3b9: {  	v30 =	vperm.xlane v18, v6;
	v19 =	vadd.s32 v3, v29;
	s13 =	simm.s32 $0x3280  }
0x3ba: {  	[tilespmem:s13], [sflag:$0x1] =	stream.indirect_vreg.gather [hbm4b:s3+s2], $0x80, v20, vm0, $0xb8;
	[tilespmem:$0x15200] =	vst v63  }
0x3bb: {  	v31 =	vperm.xlane v18, v7;
	v20 =	vadd.s32 v3, v30;
	s13 =	simm.s32 $0x3300  }
0x3bc: {  	[tilespmem:s13], [sflag:$0x1] =	stream.indirect_vreg.gather [hbm4b:s3+s2], $0x80, v21, vm0, $0xb8;
	[tilespmem:$0x15200] =	vst v63  }
0x3bd: {  	v33 =	vperm.xlane v18, v8;
	v32 =	vadd.s32 v3, v31;
	s13 =	simm.s32 $0x3380  }
0x3be: {  	[tilespmem:s13], [sflag:$0x1] =	stream.indirect_vreg.gather [hbm4b:s3+s2], $0x80, v19, vm0, $0xb8;
	[tilespmem:$0x15200] =	vst v63  }
0x3bf: {  	v34 =	vperm.xlane v18, v0;
	v19 =	vadd.s32 v3, v33;
	s13 =	simm.s32 $0x3400  }
0x3c0: {  	[tilespmem:s13], [sflag:$0x1] =	stream.indirect_vreg.gather [hbm4b:s3+s2], $0x80, v20, vm0, $0xb8;
	[tilespmem:$0x15200] =	vst v63  }
0x3c1: {  	v35 =	vperm.xlane v18, v9;
	v20 =	vadd.s32 v3, v34;
	s13 =	simm.s32 $0x3480  }
0x3c2: {  	[tilespmem:s13], [sflag:$0x1] =	stream.indirect_vreg.gather [hbm4b:s3+s2], $0x80, v32, vm0, $0xb8;
	[tilespmem:$0x15200] =	vst v63  }
0x3c3: {  	v37 =	vperm.xlane v18, v10;
	v36 =	vadd.s32 v3, v35;
	s13 =	simm.s32 $0x3500  }
0x3c4: {  	[tilespmem:s13], [sflag:$0x1] =	stream.indirect_vreg.gather [hbm4b:s3+s2], $0x80, v19, vm0, $0xb8;
	[tilespmem:$0x15200] =	vst v63  }
0x3c5: {  	v38 =	vperm.xlane v18, v11;
	v19 =	vadd.s32 v3, v37;
	s13 =	simm.s32 $0x3580  }
0x3c6: {  	[tilespmem:s13], [sflag:$0x1] =	stream.indirect_vreg.gather [hbm4b:s3+s2], $0x80, v20, vm0, $0xb8;
	[tilespmem:$0x15200] =	vst v63  }
0x3c7: {  	v39 =	vperm.xlane v18, v12;
	v20 =	vadd.s32 v3, v38;
	s13 =	simm.s32 $0x3600  }
0x3c8: {  	[tilespmem:s13], [sflag:$0x1] =	stream.indirect_vreg.gather [hbm4b:s3+s2], $0x80, v36, vm0, $0xb8;
	[tilespmem:$0x15200] =	vst v63  }
0x3c9: {  	v41 =	vperm.xlane v18, v13;
	v40 =	vadd.s32 v3, v39;
	s13 =	simm.s32 $0x3680  }
0x3ca: {  	[tilespmem:s13], [sflag:$0x1] =	stream.indirect_vreg.gather [hbm4b:s3+s2], $0x80, v19, vm0, $0xb8;
	[tilespmem:$0x15200] =	vst v63  }
0x3cb: {  	v42 =	vperm.xlane v18, v14;
	v19 =	vadd.s32 v3, v41;
	s13 =	simm.s32 $0x3700  }
0x3cc: {  	[tilespmem:s13], [sflag:$0x1] =	stream.indirect_vreg.gather [hbm4b:s3+s2], $0x80, v20, vm0, $0xb8;
	[tilespmem:$0x15200] =	vst v63  }
0x3cd: {  	v43 =	vperm.xlane v18, v15;
	v20 =	vadd.s32 v3, v42;
	s13 =	simm.s32 $0x3780  }
0x3ce: {  	[tilespmem:s13], [sflag:$0x1] =	stream.indirect_vreg.gather [hbm4b:s3+s2], $0x80, v40, vm0, $0xb8;
	[tilespmem:$0x15200] =	vst v63  }
0x3cf: {  	v18 =	vperm.xlane v18, v16;
	v44 =	vadd.s32 v3, v43;
	s13 =	simm.s32 $0x3800  }
0x3d0: {  	[tilespmem:s13], [sflag:$0x1] =	stream.indirect_vreg.gather [hbm4b:s3+s2], $0x80, v19, vm0, $0xb8;
	[tilespmem:$0x15200] =	vst v63  }
0x3d1: {  	v18 =	vadd.s32 v3, v18;
	s13 =	simm.s32 $0x3880  }
0x3d2: {  	[tilespmem:s13], [sflag:$0x1] =	stream.indirect_vreg.gather [hbm4b:s3+s2], $0x80, v20, vm0, $0xb8;
	[tilespmem:$0x15200] =	vst v63  }
0x3d3: {  	s13 =	simm.s32 $0x3900  }
0x3d4: {  	[tilespmem:s13], [sflag:$0x1] =	stream.indirect_vreg.gather [hbm4b:s3+s2], $0x80, v44, vm0, $0xb8;
	[tilespmem:$0x15200] =	vst v63  }
0x3d5: {  	s13 =	simm.s32 $0x3980  }
0x3d6: {  	[tilespmem:s13], [sflag:$0x1] =	stream.indirect_vreg.gather [hbm4b:s3+s2], $0x80, v18, vm0, $0xb8;
	[tilespmem:$0x15200] =	vst v63  }
0x3d7: {  	v18 =	vld [tilespmem:$0x170];
	_ =	sdelay $0x4  }
0x3d8: {  	v19 =	vshll.u32 v18, $0x1  }
0x3d9: {  	v18 =	vand.u32 $0x7, v18;
	v19 =	vand.u32 $0xFFFFFFF0, v19  }
0x3da: {  	v18 =	vor.u32 v18, v19  }
0x3db: {  	v19 =	vperm.xlane v18, v2;
	_ =	sdelay $0x1  }
0x3dc: {  	v20 =	vperm.xlane v18, v1;
	v19 =	vadd.s32 v3, v19;
	_ =	sdelay $0x1  }
0x3dd: {  	v45 =	vperm.xlane v18, v4;
	v20 =	vadd.s32 v3, v20;
	_ =	sdelay $0x1  }
0x3de: {  	s13 =	simm.s32 $0x3A00;
	v46 =	vperm.xlane v18, v5;
	v21 =	vadd.s32 v3, v45  }
0x3df: {  	[tilespmem:s13], [sflag:$0x1] =	stream.indirect_vreg.gather [hbm4b:s3+s2], $0x80, v19, vm0, $0xb8;
	[tilespmem:$0x15200] =	vst v63  }
0x3e0: {  	v47 =	vperm.xlane v18, v6;
	v19 =	vadd.s32 v3, v46;
	s13 =	simm.s32 $0x3A80  }
0x3e1: {  	[tilespmem:s13], [sflag:$0x1] =	stream.indirect_vreg.gather [hbm4b:s3+s2], $0x80, v20, vm0, $0xb8;
	[tilespmem:$0x15200] =	vst v63  }
0x3e2: {  	v48 =	vperm.xlane v18, v7;
	v20 =	vadd.s32 v3, v47;
	s13 =	simm.s32 $0x3B00  }
0x3e3: {  	[tilespmem:s13], [sflag:$0x1] =	stream.indirect_vreg.gather [hbm4b:s3+s2], $0x80, v21, vm0, $0xb8;
	[tilespmem:$0x15200] =	vst v63  }
0x3e4: {  	v50 =	vperm.xlane v18, v8;
	v49 =	vadd.s32 v3, v48;
	s13 =	simm.s32 $0x3B80  }
0x3e5: {  	[tilespmem:s13], [sflag:$0x1] =	stream.indirect_vreg.gather [hbm4b:s3+s2], $0x80, v19, vm0, $0xb8;
	[tilespmem:$0x15200] =	vst v63  }
0x3e6: {  	v51 =	vperm.xlane v18, v0;
	v19 =	vadd.s32 v3, v50;
	s13 =	simm.s32 $0x3C00  }
0x3e7: {  	[tilespmem:s13], [sflag:$0x1] =	stream.indirect_vreg.gather [hbm4b:s3+s2], $0x80, v20, vm0, $0xb8;
	[tilespmem:$0x15200] =	vst v63  }
0x3e8: {  	v52 =	vperm.xlane v18, v9;
	v20 =	vadd.s32 v3, v51;
	s13 =	simm.s32 $0x3C80  }
0x3e9: {  	[tilespmem:s13], [sflag:$0x1] =	stream.indirect_vreg.gather [hbm4b:s3+s2], $0x80, v49, vm0, $0xb8;
	[tilespmem:$0x15200] =	vst v63  }
0x3ea: {  	v54 =	vperm.xlane v18, v10;
	v53 =	vadd.s32 v3, v52;
	s13 =	simm.s32 $0x3D00  }
0x3eb: {  	[tilespmem:s13], [sflag:$0x1] =	stream.indirect_vreg.gather [hbm4b:s3+s2], $0x80, v19, vm0, $0xb8;
	[tilespmem:$0x15200] =	vst v63  }
0x3ec: {  	v55 =	vperm.xlane v18, v11;
	v19 =	vadd.s32 v3, v54;
	s13 =	simm.s32 $0x3D80  }
0x3ed: {  	[tilespmem:s13], [sflag:$0x1] =	stream.indirect_vreg.gather [hbm4b:s3+s2], $0x80, v20, vm0, $0xb8;
	[tilespmem:$0x15200] =	vst v63  }
0x3ee: {  	v56 =	vperm.xlane v18, v12;
	v20 =	vadd.s32 v3, v55;
	s13 =	simm.s32 $0x3E00  }
0x3ef: {  	[tilespmem:s13], [sflag:$0x1] =	stream.indirect_vreg.gather [hbm4b:s3+s2], $0x80, v53, vm0, $0xb8;
	[tilespmem:$0x15200] =	vst v63  }
0x3f0: {  	v58 =	vperm.xlane v18, v13;
	v57 =	vadd.s32 v3, v56;
	s13 =	simm.s32 $0x3E80  }
0x3f1: {  	[tilespmem:s13], [sflag:$0x1] =	stream.indirect_vreg.gather [hbm4b:s3+s2], $0x80, v19, vm0, $0xb8;
	[tilespmem:$0x15200] =	vst v63  }
0x3f2: {  	v59 =	vperm.xlane v18, v14;
	v19 =	vadd.s32 v3, v58;
	s13 =	simm.s32 $0x3F00  }
0x3f3: {  	[tilespmem:s13], [sflag:$0x1] =	stream.indirect_vreg.gather [hbm4b:s3+s2], $0x80, v20, vm0, $0xb8;
	[tilespmem:$0x15200] =	vst v63  }
0x3f4: {  	v60 =	vperm.xlane v18, v15;
	v20 =	vadd.s32 v3, v59;
	s13 =	simm.s32 $0x3F80  }
0x3f5: {  	[tilespmem:s13], [sflag:$0x1] =	stream.indirect_vreg.gather [hbm4b:s3+s2], $0x80, v57, vm0, $0xb8;
	[tilespmem:$0x15200] =	vst v63  }
0x3f6: {  	v18 =	vperm.xlane v18, v16;
	v61 =	vadd.s32 v3, v60;
	s13 =	simm.s32 $0x4000  }
0x3f7: {  	[tilespmem:s13], [sflag:$0x1] =	stream.indirect_vreg.gather [hbm4b:s3+s2], $0x80, v19, vm0, $0xb8;
	[tilespmem:$0x15200] =	vst v63  }
0x3f8: {  	v18 =	vadd.s32 v3, v18;
	s13 =	simm.s32 $0x4080  }
0x3f9: {  	[tilespmem:s13], [sflag:$0x1] =	stream.indirect_vreg.gather [hbm4b:s3+s2], $0x80, v20, vm0, $0xb8;
	[tilespmem:$0x15200] =	vst v63  }
0x3fa: {  	s13 =	simm.s32 $0x4100  }
0x3fb: {  	[tilespmem:s13], [sflag:$0x1] =	stream.indirect_vreg.gather [hbm4b:s3+s2], $0x80, v61, vm0, $0xb8;
	[tilespmem:$0x15200] =	vst v63  }
0x3fc: {  	s13 =	simm.s32 $0x4180  }
0x3fd: {  	[tilespmem:s13], [sflag:$0x1] =	stream.indirect_vreg.gather [hbm4b:s3+s2], $0x80, v18, vm0, $0xb8;
	[tilespmem:$0x15200] =	vst v63  }
0x3fe: {  	s13 =	simm.s32 $0x100  }
0x3ff: {  	[tilespmem:s16], [sflag:$0x3] =	stream.indirect.gather [hbm4b:s4+s15], $0x80, s13, s15, $0xb8;
	[tilespmem:$0x15200] =	vst v63  }
0x400: {  	_ =	swait.ge [sflag:s19], $0x4000  }
0x401: {  	[sflag:s19] =	ssyncset.done $0x0  }
0x402: {  	[sflag:s19] =	ssyncadd.s32 $0xFFFFC000  }
0x403: {  	_ =	swait.ge [sflag:s0], $0x4000  }
0x404: {  	[sflag:s0] =	ssyncset.done $0x0  }
0x405: {  	s13 =	simm.s32 $0x10C00;
	[sflag:s0] =	ssyncadd.s32 $0xFFFFC000  }
0x406: {  	v18 =	vmov s11;
	v19 =	vld [tilespmem:s13+$0x0]  }
0x407: {  	v18 =	vmul.u32 $0xCCCD, v18;
	_ =	sdelay $0x1  }
0x408: {  	v18 =	vbroadcast v18, $0x0;
	_ =	sdelay $0x1  }
0x409: {  	v18 =	vadd.s32 v17, v18;
	v20 =	vadd.s32 $0xFFFFFF80, v19  }
0x40a: {  	v18 =	vshrl.u32 v18, $0xD;
	vm1 =	vgt.s32 v20, $0x0  }
0x40b: {  	v18 =	vand.u32 $0x7FF80, v18;
	v20 =	vnsel vm1, $0x0, v20  }
0x40c: {  	v18 =	vadd.s32 $0xFFFFC000, v18;
	v62 =	vand.u32 $0x7F, v19;
	v63 =	vand.u32 $0x7FFFFF80, v20  }
0x40d: {  	v21 =	vor.u32 v18, v62;
	v20 =	vand.u32 $0x7F, v20;
	v18 =	vadd.s32 v18, v63  }
0x40e: {  	v18 =	vor.u32 v20, v18;
	_ =	sdelay $0x3  }
0x40f: {  	v20 =	vld.idx.msk [tilespmem:v21+s17+$0x0], $0xffff  }
0x410: {  	v18 =	vld.idx.msk [tilespmem:v18+s20+$0x0], $0xffff;
	_ =	sdelay $0x3  }
0x411: {  	vm1 =	vlt.s32 v19, $0x80  }
0x412: {  	s11 =	simm.s32 $0x13400;
	v18 =	vsel vm1, v20, v18  }
0x413: {  	s12 =	simm.s32 $0x10C10;
	s13 =	simm.s32 $0xA10;
	[tilespmem:s11+$0x0] =	vst v18  }
0x414: {  	v19 =	vmov s13;
	s13 =	simm.s32 $0xA20;
	v18 =	vld [tilespmem:s12+$0x0]  }
.LBB2_4:
0x415: {  	p0 =	sne.s32 s13, $0x13F0;
	v19 =	vmul.u32 $0xCCCD, v19;
	_ =	sdelay $0x1  }
0x416: {  	v19 =	vbroadcast v19, $0x0;
	_ =	sdelay $0x1  }
0x417: {  	v19 =	vadd.s32 v17, v19;
	v20 =	vadd.s32 $0xFFFFFF80, v18  }
0x418: {  	v19 =	vshrl.u32 v19, $0xD;
	vm1 =	vgt.s32 v20, $0x0  }
0x419: {  	v19 =	vand.u32 $0x7FF80, v19;
	v20 =	vnsel vm1, $0x0, v20  }
0x41a: {  	v21 =	vand.u32 $0x7F, v18;
	v19 =	vadd.s32 $0xFFFFC000, v19;
	v22 =	vand.u32 $0x7FFFFF80, v20  }
0x41b: {  	v20 =	vand.u32 $0x7F, v20;
	v21 =	vor.u32 v19, v21;
	v19 =	vadd.s32 v19, v22  }
0x41c: {  	v19 =	vor.u32 v20, v19;
	_ =	sdelay $0x3  }
0x41d: {  	v20 =	vld.idx.msk [tilespmem:v21+s17+$0x0], $0xffff  }
0x41e: {  	v19 =	vld.idx.msk [tilespmem:v19+s20+$0x0], $0xffff;
	_ =	sdelay $0x3  }
.Ltmp1:
0x41f: {  	(pc) =	sbr.rel @p0 .LBB2_4-.Ltmp1, $4  }
0x420: {  	vm1 =	vlt.s32 v18, $0x80  }
0x421: {  	s11 =	sadd.s32 $0x10, s11;
	v18 =	vsel vm1, v20, v19  }
0x422: {  	s12 =	sadd.s32 $0x10, s12;
	[tilespmem:s11+$0x0] =	vst v18  }
0x423: {  	v19 =	vmov s13;
	s13 =	sadd.s32 $0x10, s13;
	v18 =	vld [tilespmem:s12+$0x0]  }
0x424: {  	v19 =	vmul.u32 $0xCCCD, v19;
	_ =	sdelay $0x1  }
0x425: {  	v19 =	vbroadcast v19, $0x0;
	_ =	sdelay $0x1  }
0x426: {  	v19 =	vadd.s32 v17, v19;
	v20 =	vadd.s32 $0xFFFFFF80, v18  }
0x427: {  	v19 =	vshrl.u32 v19, $0xD;
	vm1 =	vgt.s32 v20, $0x0  }
0x428: {  	v19 =	vand.u32 $0x7FF80, v19;
	v20 =	vnsel vm1, $0x0, v20  }
0x429: {  	v21 =	vand.u32 $0x7F, v18;
	v19 =	vadd.s32 $0xFFFFC000, v19;
	v22 =	vand.u32 $0x7FFFFF80, v20  }
0x42a: {  	v20 =	vand.u32 $0x7F, v20;
	v21 =	vor.u32 v19, v21;
	v19 =	vadd.s32 v19, v22  }
0x42b: {  	v19 =	vor.u32 v20, v19;
	_ =	sdelay $0x3  }
0x42c: {  	v20 =	vld.idx.msk [tilespmem:v21+s17+$0x0], $0xffff  }
0x42d: {  	v19 =	vld.idx.msk [tilespmem:v19+s20+$0x0], $0xffff;
	_ =	sdelay $0x3  }
0x42e: {  	vm1 =	vlt.s32 v18, $0x80  }
0x42f: {  	s11 =	sadd.s32 $0x10, s11;
	v18 =	vsel vm1, v20, v19  }
0x430: {  	[tilespmem:s11+$0x0] =	vst v18  }
0x431: {  	v18 =	vld [tilespmem:$0x180];
	_ =	sdelay $0x4  }
0x432: {  	v19 =	vshll.u32 v18, $0x1  }
0x433: {  	v18 =	vand.u32 $0x7, v18;
	v19 =	vand.u32 $0xFFFFFFF0, v19  }
0x434: {  	v18 =	vor.u32 v18, v19  }
0x435: {  	v19 =	vperm.xlane v18, v2;
	_ =	sdelay $0x1  }
0x436: {  	v20 =	vperm.xlane v18, v1;
	v19 =	vadd.s32 v3, v19;
	_ =	sdelay $0x1  }
0x437: {  	v46 =	vperm.xlane v18, v4;
	v20 =	vadd.s32 v3, v20;
	_ =	sdelay $0x1  }
0x438: {  	v47 =	vperm.xlane v18, v5;
	v21 =	vadd.s32 v3, v46  }
0x439: {  	[tilespmem:s17], [sflag:$0x2] =	stream.indirect_vreg.gather [hbm4b:s3+s2], $0x80, v19, vm0, $0xb8;
	[tilespmem:$0x15200] =	vst v63  }
0x43a: {  	s13 =	simm.s32 $0x4280;
	v48 =	vperm.xlane v18, v6;
	v19 =	vadd.s32 v3, v47  }
0x43b: {  	[tilespmem:s13], [sflag:$0x2] =	stream.indirect_vreg.gather [hbm4b:s3+s2], $0x80, v20, vm0, $0xb8;
	[tilespmem:$0x15200] =	vst v63  }
0x43c: {  	s12 =	simm.s32 $0x4300;
	v49 =	vperm.xlane v18, v7;
	v20 =	vadd.s32 v3, v48  }
0x43d: {  	[tilespmem:s12], [sflag:$0x2] =	stream.indirect_vreg.gather [hbm4b:s3+s2], $0x80, v21, vm0, $0xb8;
	[tilespmem:$0x15200] =	vst v63  }
0x43e: {  	v51 =	vperm.xlane v18, v8;
	v50 =	vadd.s32 v3, v49;
	s13 =	simm.s32 $0x4380  }
0x43f: {  	[tilespmem:s13], [sflag:$0x2] =	stream.indirect_vreg.gather [hbm4b:s3+s2], $0x80, v19, vm0, $0xb8;
	[tilespmem:$0x15200] =	vst v63  }
0x440: {  	v52 =	vperm.xlane v18, v0;
	s12 =	simm.s32 $0x4400;
	v19 =	vadd.s32 v3, v51  }
0x441: {  	[tilespmem:s12], [sflag:$0x2] =	stream.indirect_vreg.gather [hbm4b:s3+s2], $0x80, v20, vm0, $0xb8;
	[tilespmem:$0x15200] =	vst v63  }
0x442: {  	v53 =	vperm.xlane v18, v9;
	s13 =	simm.s32 $0x4480;
	v20 =	vadd.s32 v3, v52  }
0x443: {  	[tilespmem:s13], [sflag:$0x2] =	stream.indirect_vreg.gather [hbm4b:s3+s2], $0x80, v50, vm0, $0xb8;
	[tilespmem:$0x15200] =	vst v63  }
0x444: {  	v55 =	vperm.xlane v18, v10;
	v54 =	vadd.s32 v3, v53;
	s12 =	simm.s32 $0x4500  }
0x445: {  	[tilespmem:s12], [sflag:$0x2] =	stream.indirect_vreg.gather [hbm4b:s3+s2], $0x80, v19, vm0, $0xb8;
	[tilespmem:$0x15200] =	vst v63  }
0x446: {  	v56 =	vperm.xlane v18, v11;
	s13 =	simm.s32 $0x4580;
	v19 =	vadd.s32 v3, v55  }
0x447: {  	[tilespmem:s13], [sflag:$0x2] =	stream.indirect_vreg.gather [hbm4b:s3+s2], $0x80, v20, vm0, $0xb8;
	[tilespmem:$0x15200] =	vst v63  }
0x448: {  	v57 =	vperm.xlane v18, v12;
	s12 =	simm.s32 $0x4600;
	v20 =	vadd.s32 v3, v56  }
0x449: {  	[tilespmem:s12], [sflag:$0x2] =	stream.indirect_vreg.gather [hbm4b:s3+s2], $0x80, v54, vm0, $0xb8;
	[tilespmem:$0x15200] =	vst v63  }
0x44a: {  	v59 =	vperm.xlane v18, v13;
	v58 =	vadd.s32 v3, v57;
	s13 =	simm.s32 $0x4680  }
0x44b: {  	[tilespmem:s13], [sflag:$0x2] =	stream.indirect_vreg.gather [hbm4b:s3+s2], $0x80, v19, vm0, $0xb8;
	[tilespmem:$0x15200] =	vst v63  }
0x44c: {  	v60 =	vperm.xlane v18, v14;
	s12 =	simm.s32 $0x4700;
	v19 =	vadd.s32 v3, v59  }
0x44d: {  	[tilespmem:s12], [sflag:$0x2] =	stream.indirect_vreg.gather [hbm4b:s3+s2], $0x80, v20, vm0, $0xb8;
	[tilespmem:$0x15200] =	vst v63  }
0x44e: {  	v61 =	vperm.xlane v18, v15;
	s13 =	simm.s32 $0x4780;
	v20 =	vadd.s32 v3, v60  }
0x44f: {  	[tilespmem:s13], [sflag:$0x2] =	stream.indirect_vreg.gather [hbm4b:s3+s2], $0x80, v58, vm0, $0xb8;
	[tilespmem:$0x15200] =	vst v63  }
0x450: {  	v18 =	vperm.xlane v18, v16;
	v62 =	vadd.s32 v3, v61;
	s12 =	simm.s32 $0x4800  }
0x451: {  	[tilespmem:s12], [sflag:$0x2] =	stream.indirect_vreg.gather [hbm4b:s3+s2], $0x80, v19, vm0, $0xb8;
	[tilespmem:$0x15200] =	vst v63  }
0x452: {  	v18 =	vadd.s32 v3, v18;
	s13 =	simm.s32 $0x4880  }
0x453: {  	[tilespmem:s13], [sflag:$0x2] =	stream.indirect_vreg.gather [hbm4b:s3+s2], $0x80, v20, vm0, $0xb8;
	[tilespmem:$0x15200] =	vst v63  }
0x454: {  	s12 =	simm.s32 $0x4900  }
0x455: {  	[tilespmem:s12], [sflag:$0x2] =	stream.indirect_vreg.gather [hbm4b:s3+s2], $0x80, v62, vm0, $0xb8;
	[tilespmem:$0x15200] =	vst v63  }
0x456: {  	s13 =	simm.s32 $0x4980  }
0x457: {  	[tilespmem:s13], [sflag:$0x2] =	stream.indirect_vreg.gather [hbm4b:s3+s2], $0x80, v18, vm0, $0xb8;
	[tilespmem:$0x15200] =	vst v63  }
0x458: {  	v18 =	vld [tilespmem:$0x190];
	_ =	sdelay $0x4  }
0x459: {  	v19 =	vshll.u32 v18, $0x1  }
0x45a: {  	v18 =	vand.u32 $0x7, v18;
	v19 =	vand.u32 $0xFFFFFFF0, v19  }
0x45b: {  	v18 =	vor.u32 v18, v19  }
0x45c: {  	v19 =	vperm.xlane v18, v2;
	_ =	sdelay $0x1  }
0x45d: {  	v20 =	vperm.xlane v18, v1;
	v19 =	vadd.s32 v3, v19;
	_ =	sdelay $0x1  }
0x45e: {  	v63 =	vperm.xlane v18, v4;
	v20 =	vadd.s32 v3, v20;
	_ =	sdelay $0x1  }
0x45f: {  	s12 =	simm.s32 $0x4A00;
	v24 =	vperm.xlane v18, v5;
	v21 =	vadd.s32 v3, v63  }
0x460: {  	[tilespmem:s12], [sflag:$0x2] =	stream.indirect_vreg.gather [hbm4b:s3+s2], $0x80, v19, vm0, $0xb8;
	[tilespmem:$0x15200] =	vst v63  }
0x461: {  	s13 =	simm.s32 $0x4A80;
	v25 =	vperm.xlane v18, v6;
	v19 =	vadd.s32 v3, v24  }
0x462: {  	[tilespmem:s13], [sflag:$0x2] =	stream.indirect_vreg.gather [hbm4b:s3+s2], $0x80, v20, vm0, $0xb8;
	[tilespmem:$0x15200] =	vst v63  }
0x463: {  	v26 =	vperm.xlane v18, v7;
	s12 =	simm.s32 $0x4B00;
	v20 =	vadd.s32 v3, v25  }
0x464: {  	[tilespmem:s12], [sflag:$0x2] =	stream.indirect_vreg.gather [hbm4b:s3+s2], $0x80, v21, vm0, $0xb8;
	[tilespmem:$0x15200] =	vst v63  }
0x465: {  	v28 =	vperm.xlane v18, v8;
	v27 =	vadd.s32 v3, v26;
	s13 =	simm.s32 $0x4B80  }
0x466: {  	[tilespmem:s13], [sflag:$0x2] =	stream.indirect_vreg.gather [hbm4b:s3+s2], $0x80, v19, vm0, $0xb8;
	[tilespmem:$0x15200] =	vst v63  }
0x467: {  	v29 =	vperm.xlane v18, v0;
	s12 =	simm.s32 $0x4C00;
	v19 =	vadd.s32 v3, v28  }
0x468: {  	[tilespmem:s12], [sflag:$0x2] =	stream.indirect_vreg.gather [hbm4b:s3+s2], $0x80, v20, vm0, $0xb8;
	[tilespmem:$0x15200] =	vst v63  }
0x469: {  	v30 =	vperm.xlane v18, v9;
	s13 =	simm.s32 $0x4C80;
	v20 =	vadd.s32 v3, v29  }
0x46a: {  	[tilespmem:s13], [sflag:$0x2] =	stream.indirect_vreg.gather [hbm4b:s3+s2], $0x80, v27, vm0, $0xb8;
	[tilespmem:$0x15200] =	vst v63  }
0x46b: {  	v32 =	vperm.xlane v18, v10;
	v31 =	vadd.s32 v3, v30;
	s12 =	simm.s32 $0x4D00  }
0x46c: {  	[tilespmem:s12], [sflag:$0x2] =	stream.indirect_vreg.gather [hbm4b:s3+s2], $0x80, v19, vm0, $0xb8;
	[tilespmem:$0x15200] =	vst v63  }
0x46d: {  	v33 =	vperm.xlane v18, v11;
	s13 =	simm.s32 $0x4D80;
	v19 =	vadd.s32 v3, v32  }
0x46e: {  	[tilespmem:s13], [sflag:$0x2] =	stream.indirect_vreg.gather [hbm4b:s3+s2], $0x80, v20, vm0, $0xb8;
	[tilespmem:$0x15200] =	vst v63  }
0x46f: {  	v34 =	vperm.xlane v18, v12;
	s12 =	simm.s32 $0x4E00;
	v20 =	vadd.s32 v3, v33  }
0x470: {  	[tilespmem:s12], [sflag:$0x2] =	stream.indirect_vreg.gather [hbm4b:s3+s2], $0x80, v31, vm0, $0xb8;
	[tilespmem:$0x15200] =	vst v63  }
0x471: {  	v36 =	vperm.xlane v18, v13;
	v35 =	vadd.s32 v3, v34;
	s13 =	simm.s32 $0x4E80  }
0x472: {  	[tilespmem:s13], [sflag:$0x2] =	stream.indirect_vreg.gather [hbm4b:s3+s2], $0x80, v19, vm0, $0xb8;
	[tilespmem:$0x15200] =	vst v63  }
0x473: {  	v37 =	vperm.xlane v18, v14;
	s12 =	simm.s32 $0x4F00;
	v19 =	vadd.s32 v3, v36  }
0x474: {  	[tilespmem:s12], [sflag:$0x2] =	stream.indirect_vreg.gather [hbm4b:s3+s2], $0x80, v20, vm0, $0xb8;
	[tilespmem:$0x15200] =	vst v63  }
0x475: {  	v38 =	vperm.xlane v18, v15;
	s13 =	simm.s32 $0x4F80;
	v20 =	vadd.s32 v3, v37  }
0x476: {  	[tilespmem:s13], [sflag:$0x2] =	stream.indirect_vreg.gather [hbm4b:s3+s2], $0x80, v35, vm0, $0xb8;
	[tilespmem:$0x15200] =	vst v63  }
0x477: {  	v18 =	vperm.xlane v18, v16;
	v39 =	vadd.s32 v3, v38;
	s12 =	simm.s32 $0x5000  }
0x478: {  	[tilespmem:s12], [sflag:$0x2] =	stream.indirect_vreg.gather [hbm4b:s3+s2], $0x80, v19, vm0, $0xb8;
	[tilespmem:$0x15200] =	vst v63  }
0x479: {  	v18 =	vadd.s32 v3, v18;
	s13 =	simm.s32 $0x5080  }
0x47a: {  	[tilespmem:s13], [sflag:$0x2] =	stream.indirect_vreg.gather [hbm4b:s3+s2], $0x80, v20, vm0, $0xb8;
	[tilespmem:$0x15200] =	vst v63  }
0x47b: {  	s12 =	simm.s32 $0x5100  }
0x47c: {  	[tilespmem:s12], [sflag:$0x2] =	stream.indirect_vreg.gather [hbm4b:s3+s2], $0x80, v39, vm0, $0xb8;
	[tilespmem:$0x15200] =	vst v63  }
0x47d: {  	s13 =	simm.s32 $0x5180  }
0x47e: {  	[tilespmem:s13], [sflag:$0x2] =	stream.indirect_vreg.gather [hbm4b:s3+s2], $0x80, v18, vm0, $0xb8;
	[tilespmem:$0x15200] =	vst v63  }
0x47f: {  	v18 =	vld [tilespmem:$0x1A0];
	_ =	sdelay $0x4  }
0x480: {  	v19 =	vshll.u32 v18, $0x1  }
0x481: {  	v18 =	vand.u32 $0x7, v18;
	v19 =	vand.u32 $0xFFFFFFF0, v19  }
0x482: {  	v18 =	vor.u32 v18, v19  }
0x483: {  	v19 =	vperm.xlane v18, v2;
	_ =	sdelay $0x1  }
0x484: {  	v20 =	vperm.xlane v18, v1;
	v19 =	vadd.s32 v3, v19;
	_ =	sdelay $0x1  }
0x485: {  	v40 =	vperm.xlane v18, v4;
	v20 =	vadd.s32 v3, v20;
	_ =	sdelay $0x1  }
0x486: {  	s12 =	simm.s32 $0x5200;
	v41 =	vperm.xlane v18, v5;
	v21 =	vadd.s32 v3, v40  }
0x487: {  	[tilespmem:s12], [sflag:$0x2] =	stream.indirect_vreg.gather [hbm4b:s3+s2], $0x80, v19, vm0, $0xb8;
	[tilespmem:$0x15200] =	vst v63  }
0x488: {  	s13 =	simm.s32 $0x5280;
	v42 =	vperm.xlane v18, v6;
	v19 =	vadd.s32 v3, v41  }
0x489: {  	[tilespmem:s13], [sflag:$0x2] =	stream.indirect_vreg.gather [hbm4b:s3+s2], $0x80, v20, vm0, $0xb8;
	[tilespmem:$0x15200] =	vst v63  }
0x48a: {  	v43 =	vperm.xlane v18, v7;
	s12 =	simm.s32 $0x5300;
	v20 =	vadd.s32 v3, v42  }
0x48b: {  	[tilespmem:s12], [sflag:$0x2] =	stream.indirect_vreg.gather [hbm4b:s3+s2], $0x80, v21, vm0, $0xb8;
	[tilespmem:$0x15200] =	vst v63  }
0x48c: {  	v45 =	vperm.xlane v18, v8;
	v44 =	vadd.s32 v3, v43;
	s13 =	simm.s32 $0x5380  }
0x48d: {  	[tilespmem:s13], [sflag:$0x2] =	stream.indirect_vreg.gather [hbm4b:s3+s2], $0x80, v19, vm0, $0xb8;
	[tilespmem:$0x15200] =	vst v63  }
0x48e: {  	v46 =	vperm.xlane v18, v0;
	s12 =	simm.s32 $0x5400;
	v19 =	vadd.s32 v3, v45  }
0x48f: {  	[tilespmem:s12], [sflag:$0x2] =	stream.indirect_vreg.gather [hbm4b:s3+s2], $0x80, v20, vm0, $0xb8;
	[tilespmem:$0x15200] =	vst v63  }
0x490: {  	v47 =	vperm.xlane v18, v9;
	s13 =	simm.s32 $0x5480;
	v20 =	vadd.s32 v3, v46  }
0x491: {  	[tilespmem:s13], [sflag:$0x2] =	stream.indirect_vreg.gather [hbm4b:s3+s2], $0x80, v44, vm0, $0xb8;
	[tilespmem:$0x15200] =	vst v63  }
0x492: {  	v49 =	vperm.xlane v18, v10;
	v48 =	vadd.s32 v3, v47;
	s12 =	simm.s32 $0x5500  }
0x493: {  	[tilespmem:s12], [sflag:$0x2] =	stream.indirect_vreg.gather [hbm4b:s3+s2], $0x80, v19, vm0, $0xb8;
	[tilespmem:$0x15200] =	vst v63  }
0x494: {  	v50 =	vperm.xlane v18, v11;
	s13 =	simm.s32 $0x5580;
	v19 =	vadd.s32 v3, v49  }
0x495: {  	[tilespmem:s13], [sflag:$0x2] =	stream.indirect_vreg.gather [hbm4b:s3+s2], $0x80, v20, vm0, $0xb8;
	[tilespmem:$0x15200] =	vst v63  }
0x496: {  	v51 =	vperm.xlane v18, v12;
	s12 =	simm.s32 $0x5600;
	v20 =	vadd.s32 v3, v50  }
0x497: {  	[tilespmem:s12], [sflag:$0x2] =	stream.indirect_vreg.gather [hbm4b:s3+s2], $0x80, v48, vm0, $0xb8;
	[tilespmem:$0x15200] =	vst v63  }
0x498: {  	v53 =	vperm.xlane v18, v13;
	v52 =	vadd.s32 v3, v51;
	s13 =	simm.s32 $0x5680  }
0x499: {  	[tilespmem:s13], [sflag:$0x2] =	stream.indirect_vreg.gather [hbm4b:s3+s2], $0x80, v19, vm0, $0xb8;
	[tilespmem:$0x15200] =	vst v63  }
0x49a: {  	v54 =	vperm.xlane v18, v14;
	s12 =	simm.s32 $0x5700;
	v19 =	vadd.s32 v3, v53  }
0x49b: {  	[tilespmem:s12], [sflag:$0x2] =	stream.indirect_vreg.gather [hbm4b:s3+s2], $0x80, v20, vm0, $0xb8;
	[tilespmem:$0x15200] =	vst v63  }
0x49c: {  	v55 =	vperm.xlane v18, v15;
	s13 =	simm.s32 $0x5780;
	v20 =	vadd.s32 v3, v54  }
0x49d: {  	[tilespmem:s13], [sflag:$0x2] =	stream.indirect_vreg.gather [hbm4b:s3+s2], $0x80, v52, vm0, $0xb8;
	[tilespmem:$0x15200] =	vst v63  }
0x49e: {  	v18 =	vperm.xlane v18, v16;
	v56 =	vadd.s32 v3, v55;
	s12 =	simm.s32 $0x5800  }
0x49f: {  	[tilespmem:s12], [sflag:$0x2] =	stream.indirect_vreg.gather [hbm4b:s3+s2], $0x80, v19, vm0, $0xb8;
	[tilespmem:$0x15200] =	vst v63  }
0x4a0: {  	v18 =	vadd.s32 v3, v18;
	s13 =	simm.s32 $0x5880  }
0x4a1: {  	[tilespmem:s13], [sflag:$0x2] =	stream.indirect_vreg.gather [hbm4b:s3+s2], $0x80, v20, vm0, $0xb8;
	[tilespmem:$0x15200] =	vst v63  }
0x4a2: {  	s12 =	simm.s32 $0x5900  }
0x4a3: {  	[tilespmem:s12], [sflag:$0x2] =	stream.indirect_vreg.gather [hbm4b:s3+s2], $0x80, v56, vm0, $0xb8;
	[tilespmem:$0x15200] =	vst v63  }
0x4a4: {  	s13 =	simm.s32 $0x5980  }
0x4a5: {  	[tilespmem:s13], [sflag:$0x2] =	stream.indirect_vreg.gather [hbm4b:s3+s2], $0x80, v18, vm0, $0xb8;
	[tilespmem:$0x15200] =	vst v63  }
0x4a6: {  	v18 =	vld [tilespmem:$0x1B0];
	_ =	sdelay $0x4  }
0x4a7: {  	v19 =	vshll.u32 v18, $0x1  }
0x4a8: {  	v18 =	vand.u32 $0x7, v18;
	v19 =	vand.u32 $0xFFFFFFF0, v19  }
0x4a9: {  	v18 =	vor.u32 v18, v19  }
0x4aa: {  	v19 =	vperm.xlane v18, v2;
	_ =	sdelay $0x1  }
0x4ab: {  	v20 =	vperm.xlane v18, v1;
	v19 =	vadd.s32 v3, v19;
	_ =	sdelay $0x1  }
0x4ac: {  	v57 =	vperm.xlane v18, v4;
	v20 =	vadd.s32 v3, v20;
	_ =	sdelay $0x1  }
0x4ad: {  	s12 =	simm.s32 $0x5A00;
	v58 =	vperm.xlane v18, v5;
	v21 =	vadd.s32 v3, v57  }
0x4ae: {  	[tilespmem:s12], [sflag:$0x2] =	stream.indirect_vreg.gather [hbm4b:s3+s2], $0x80, v19, vm0, $0xb8;
	[tilespmem:$0x15200] =	vst v63  }
0x4af: {  	s13 =	simm.s32 $0x5A80;
	v59 =	vperm.xlane v18, v6;
	v19 =	vadd.s32 v3, v58  }
0x4b0: {  	[tilespmem:s13], [sflag:$0x2] =	stream.indirect_vreg.gather [hbm4b:s3+s2], $0x80, v20, vm0, $0xb8;
	[tilespmem:$0x15200] =	vst v63  }
0x4b1: {  	v60 =	vperm.xlane v18, v7;
	s12 =	simm.s32 $0x5B00;
	v20 =	vadd.s32 v3, v59  }
0x4b2: {  	[tilespmem:s12], [sflag:$0x2] =	stream.indirect_vreg.gather [hbm4b:s3+s2], $0x80, v21, vm0, $0xb8;
	[tilespmem:$0x15200] =	vst v63  }
0x4b3: {  	v62 =	vperm.xlane v18, v8;
	v61 =	vadd.s32 v3, v60;
	s13 =	simm.s32 $0x5B80  }
0x4b4: {  	[tilespmem:s13], [sflag:$0x2] =	stream.indirect_vreg.gather [hbm4b:s3+s2], $0x80, v19, vm0, $0xb8;
	[tilespmem:$0x15200] =	vst v63  }
0x4b5: {  	v63 =	vperm.xlane v18, v0;
	s12 =	simm.s32 $0x5C00;
	v19 =	vadd.s32 v3, v62  }
0x4b6: {  	[tilespmem:s12], [sflag:$0x2] =	stream.indirect_vreg.gather [hbm4b:s3+s2], $0x80, v20, vm0, $0xb8;
	[tilespmem:$0x15200] =	vst v63  }
0x4b7: {  	v24 =	vperm.xlane v18, v9;
	s13 =	simm.s32 $0x5C80;
	v20 =	vadd.s32 v3, v63  }
0x4b8: {  	[tilespmem:s13], [sflag:$0x2] =	stream.indirect_vreg.gather [hbm4b:s3+s2], $0x80, v61, vm0, $0xb8;
	[tilespmem:$0x15200] =	vst v63  }
0x4b9: {  	v26 =	vperm.xlane v18, v10;
	v25 =	vadd.s32 v3, v24;
	s12 =	simm.s32 $0x5D00  }
0x4ba: {  	[tilespmem:s12], [sflag:$0x2] =	stream.indirect_vreg.gather [hbm4b:s3+s2], $0x80, v19, vm0, $0xb8;
	[tilespmem:$0x15200] =	vst v63  }
0x4bb: {  	v27 =	vperm.xlane v18, v11;
	s13 =	simm.s32 $0x5D80;
	v19 =	vadd.s32 v3, v26  }
0x4bc: {  	[tilespmem:s13], [sflag:$0x2] =	stream.indirect_vreg.gather [hbm4b:s3+s2], $0x80, v20, vm0, $0xb8;
	[tilespmem:$0x15200] =	vst v63  }
0x4bd: {  	v28 =	vperm.xlane v18, v12;
	s12 =	simm.s32 $0x5E00;
	v20 =	vadd.s32 v3, v27  }
0x4be: {  	[tilespmem:s12], [sflag:$0x2] =	stream.indirect_vreg.gather [hbm4b:s3+s2], $0x80, v25, vm0, $0xb8;
	[tilespmem:$0x15200] =	vst v63  }
0x4bf: {  	v30 =	vperm.xlane v18, v13;
	v29 =	vadd.s32 v3, v28;
	s13 =	simm.s32 $0x5E80  }
0x4c0: {  	[tilespmem:s13], [sflag:$0x2] =	stream.indirect_vreg.gather [hbm4b:s3+s2], $0x80, v19, vm0, $0xb8;
	[tilespmem:$0x15200] =	vst v63  }
0x4c1: {  	v31 =	vperm.xlane v18, v14;
	s12 =	simm.s32 $0x5F00;
	v19 =	vadd.s32 v3, v30  }
0x4c2: {  	[tilespmem:s12], [sflag:$0x2] =	stream.indirect_vreg.gather [hbm4b:s3+s2], $0x80, v20, vm0, $0xb8;
	[tilespmem:$0x15200] =	vst v63  }
0x4c3: {  	v32 =	vperm.xlane v18, v15;
	s13 =	simm.s32 $0x5F80;
	v20 =	vadd.s32 v3, v31  }
0x4c4: {  	[tilespmem:s13], [sflag:$0x2] =	stream.indirect_vreg.gather [hbm4b:s3+s2], $0x80, v29, vm0, $0xb8;
	[tilespmem:$0x15200] =	vst v63  }
0x4c5: {  	v18 =	vperm.xlane v18, v16;
	v33 =	vadd.s32 v3, v32;
	s12 =	simm.s32 $0x6000  }
0x4c6: {  	[tilespmem:s12], [sflag:$0x2] =	stream.indirect_vreg.gather [hbm4b:s3+s2], $0x80, v19, vm0, $0xb8;
	[tilespmem:$0x15200] =	vst v63  }
0x4c7: {  	v18 =	vadd.s32 v3, v18;
	s13 =	simm.s32 $0x6080  }
0x4c8: {  	[tilespmem:s13], [sflag:$0x2] =	stream.indirect_vreg.gather [hbm4b:s3+s2], $0x80, v20, vm0, $0xb8;
	[tilespmem:$0x15200] =	vst v63  }
0x4c9: {  	s12 =	simm.s32 $0x6100  }
0x4ca: {  	[tilespmem:s12], [sflag:$0x2] =	stream.indirect_vreg.gather [hbm4b:s3+s2], $0x80, v33, vm0, $0xb8;
	[tilespmem:$0x15200] =	vst v63  }
0x4cb: {  	s13 =	simm.s32 $0x6180  }
0x4cc: {  	[tilespmem:s13], [sflag:$0x2] =	stream.indirect_vreg.gather [hbm4b:s3+s2], $0x80, v18, vm0, $0xb8;
	[tilespmem:$0x15200] =	vst v63  }
0x4cd: {  	v18 =	vld [tilespmem:$0x1C0];
	_ =	sdelay $0x4  }
0x4ce: {  	v19 =	vshll.u32 v18, $0x1  }
0x4cf: {  	v18 =	vand.u32 $0x7, v18;
	v19 =	vand.u32 $0xFFFFFFF0, v19  }
0x4d0: {  	v18 =	vor.u32 v18, v19  }
0x4d1: {  	v19 =	vperm.xlane v18, v2;
	_ =	sdelay $0x1  }
0x4d2: {  	v20 =	vperm.xlane v18, v1;
	v19 =	vadd.s32 v3, v19;
	_ =	sdelay $0x1  }
0x4d3: {  	v34 =	vperm.xlane v18, v4;
	v20 =	vadd.s32 v3, v20;
	_ =	sdelay $0x1  }
0x4d4: {  	s12 =	simm.s32 $0x6200;
	v35 =	vperm.xlane v18, v5;
	v21 =	vadd.s32 v3, v34  }
0x4d5: {  	[tilespmem:s12], [sflag:$0x2] =	stream.indirect_vreg.gather [hbm4b:s3+s2], $0x80, v19, vm0, $0xb8;
	[tilespmem:$0x15200] =	vst v63  }
0x4d6: {  	s13 =	simm.s32 $0x6280;
	v36 =	vperm.xlane v18, v6;
	v19 =	vadd.s32 v3, v35  }
0x4d7: {  	[tilespmem:s13], [sflag:$0x2] =	stream.indirect_vreg.gather [hbm4b:s3+s2], $0x80, v20, vm0, $0xb8;
	[tilespmem:$0x15200] =	vst v63  }
0x4d8: {  	v37 =	vperm.xlane v18, v7;
	s12 =	simm.s32 $0x6300;
	v20 =	vadd.s32 v3, v36  }
0x4d9: {  	[tilespmem:s12], [sflag:$0x2] =	stream.indirect_vreg.gather [hbm4b:s3+s2], $0x80, v21, vm0, $0xb8;
	[tilespmem:$0x15200] =	vst v63  }
0x4da: {  	v39 =	vperm.xlane v18, v8;
	v38 =	vadd.s32 v3, v37;
	s13 =	simm.s32 $0x6380  }
0x4db: {  	[tilespmem:s13], [sflag:$0x2] =	stream.indirect_vreg.gather [hbm4b:s3+s2], $0x80, v19, vm0, $0xb8;
	[tilespmem:$0x15200] =	vst v63  }
0x4dc: {  	v40 =	vperm.xlane v18, v0;
	s12 =	simm.s32 $0x6400;
	v19 =	vadd.s32 v3, v39  }
0x4dd: {  	[tilespmem:s12], [sflag:$0x2] =	stream.indirect_vreg.gather [hbm4b:s3+s2], $0x80, v20, vm0, $0xb8;
	[tilespmem:$0x15200] =	vst v63  }
0x4de: {  	v41 =	vperm.xlane v18, v9;
	s13 =	simm.s32 $0x6480;
	v20 =	vadd.s32 v3, v40  }
0x4df: {  	[tilespmem:s13], [sflag:$0x2] =	stream.indirect_vreg.gather [hbm4b:s3+s2], $0x80, v38, vm0, $0xb8;
	[tilespmem:$0x15200] =	vst v63  }
0x4e0: {  	v43 =	vperm.xlane v18, v10;
	v42 =	vadd.s32 v3, v41;
	s12 =	simm.s32 $0x6500  }
0x4e1: {  	[tilespmem:s12], [sflag:$0x2] =	stream.indirect_vreg.gather [hbm4b:s3+s2], $0x80, v19, vm0, $0xb8;
	[tilespmem:$0x15200] =	vst v63  }
0x4e2: {  	v44 =	vperm.xlane v18, v11;
	s13 =	simm.s32 $0x6580;
	v19 =	vadd.s32 v3, v43  }
0x4e3: {  	[tilespmem:s13], [sflag:$0x2] =	stream.indirect_vreg.gather [hbm4b:s3+s2], $0x80, v20, vm0, $0xb8;
	[tilespmem:$0x15200] =	vst v63  }
0x4e4: {  	v45 =	vperm.xlane v18, v12;
	s12 =	simm.s32 $0x6600;
	v20 =	vadd.s32 v3, v44  }
0x4e5: {  	[tilespmem:s12], [sflag:$0x2] =	stream.indirect_vreg.gather [hbm4b:s3+s2], $0x80, v42, vm0, $0xb8;
	[tilespmem:$0x15200] =	vst v63  }
0x4e6: {  	v47 =	vperm.xlane v18, v13;
	v46 =	vadd.s32 v3, v45;
	s13 =	simm.s32 $0x6680  }
0x4e7: {  	[tilespmem:s13], [sflag:$0x2] =	stream.indirect_vreg.gather [hbm4b:s3+s2], $0x80, v19, vm0, $0xb8;
	[tilespmem:$0x15200] =	vst v63  }
0x4e8: {  	v48 =	vperm.xlane v18, v14;
	s12 =	simm.s32 $0x6700;
	v19 =	vadd.s32 v3, v47  }
0x4e9: {  	[tilespmem:s12], [sflag:$0x2] =	stream.indirect_vreg.gather [hbm4b:s3+s2], $0x80, v20, vm0, $0xb8;
	[tilespmem:$0x15200] =	vst v63  }
0x4ea: {  	v49 =	vperm.xlane v18, v15;
	s13 =	simm.s32 $0x6780;
	v20 =	vadd.s32 v3, v48  }
0x4eb: {  	[tilespmem:s13], [sflag:$0x2] =	stream.indirect_vreg.gather [hbm4b:s3+s2], $0x80, v46, vm0, $0xb8;
	[tilespmem:$0x15200] =	vst v63  }
0x4ec: {  	v18 =	vperm.xlane v18, v16;
	v50 =	vadd.s32 v3, v49;
	s12 =	simm.s32 $0x6800  }
0x4ed: {  	[tilespmem:s12], [sflag:$0x2] =	stream.indirect_vreg.gather [hbm4b:s3+s2], $0x80, v19, vm0, $0xb8;
	[tilespmem:$0x15200] =	vst v63  }
0x4ee: {  	v18 =	vadd.s32 v3, v18;
	s13 =	simm.s32 $0x6880  }
0x4ef: {  	[tilespmem:s13], [sflag:$0x2] =	stream.indirect_vreg.gather [hbm4b:s3+s2], $0x80, v20, vm0, $0xb8;
	[tilespmem:$0x15200] =	vst v63  }
0x4f0: {  	s12 =	simm.s32 $0x6900  }
0x4f1: {  	[tilespmem:s12], [sflag:$0x2] =	stream.indirect_vreg.gather [hbm4b:s3+s2], $0x80, v50, vm0, $0xb8;
	[tilespmem:$0x15200] =	vst v63  }
0x4f2: {  	s13 =	simm.s32 $0x6980  }
0x4f3: {  	[tilespmem:s13], [sflag:$0x2] =	stream.indirect_vreg.gather [hbm4b:s3+s2], $0x80, v18, vm0, $0xb8;
	[tilespmem:$0x15200] =	vst v63  }
0x4f4: {  	v18 =	vld [tilespmem:$0x1D0];
	_ =	sdelay $0x4  }
0x4f5: {  	v19 =	vshll.u32 v18, $0x1  }
0x4f6: {  	v18 =	vand.u32 $0x7, v18;
	v19 =	vand.u32 $0xFFFFFFF0, v19  }
0x4f7: {  	v18 =	vor.u32 v18, v19  }
0x4f8: {  	v19 =	vperm.xlane v18, v2;
	_ =	sdelay $0x1  }
0x4f9: {  	v20 =	vperm.xlane v18, v1;
	v19 =	vadd.s32 v3, v19;
	_ =	sdelay $0x1  }
0x4fa: {  	v51 =	vperm.xlane v18, v4;
	v20 =	vadd.s32 v3, v20;
	_ =	sdelay $0x1  }
0x4fb: {  	s12 =	simm.s32 $0x6A00;
	v52 =	vperm.xlane v18, v5;
	v21 =	vadd.s32 v3, v51  }
0x4fc: {  	[tilespmem:s12], [sflag:$0x2] =	stream.indirect_vreg.gather [hbm4b:s3+s2], $0x80, v19, vm0, $0xb8;
	[tilespmem:$0x15200] =	vst v63  }
0x4fd: {  	s13 =	simm.s32 $0x6A80;
	v53 =	vperm.xlane v18, v6;
	v19 =	vadd.s32 v3, v52  }
0x4fe: {  	[tilespmem:s13], [sflag:$0x2] =	stream.indirect_vreg.gather [hbm4b:s3+s2], $0x80, v20, vm0, $0xb8;
	[tilespmem:$0x15200] =	vst v63  }
0x4ff: {  	v54 =	vperm.xlane v18, v7;
	s12 =	simm.s32 $0x6B00;
	v20 =	vadd.s32 v3, v53  }
0x500: {  	[tilespmem:s12], [sflag:$0x2] =	stream.indirect_vreg.gather [hbm4b:s3+s2], $0x80, v21, vm0, $0xb8;
	[tilespmem:$0x15200] =	vst v63  }
0x501: {  	v56 =	vperm.xlane v18, v8;
	v55 =	vadd.s32 v3, v54;
	s13 =	simm.s32 $0x6B80  }
0x502: {  	[tilespmem:s13], [sflag:$0x2] =	stream.indirect_vreg.gather [hbm4b:s3+s2], $0x80, v19, vm0, $0xb8;
	[tilespmem:$0x15200] =	vst v63  }
0x503: {  	v57 =	vperm.xlane v18, v0;
	s12 =	simm.s32 $0x6C00;
	v19 =	vadd.s32 v3, v56  }
0x504: {  	[tilespmem:s12], [sflag:$0x2] =	stream.indirect_vreg.gather [hbm4b:s3+s2], $0x80, v20, vm0, $0xb8;
	[tilespmem:$0x15200] =	vst v63  }
0x505: {  	v58 =	vperm.xlane v18, v9;
	s13 =	simm.s32 $0x6C80;
	v20 =	vadd.s32 v3, v57  }
0x506: {  	[tilespmem:s13], [sflag:$0x2] =	stream.indirect_vreg.gather [hbm4b:s3+s2], $0x80, v55, vm0, $0xb8;
	[tilespmem:$0x15200] =	vst v63  }
0x507: {  	v60 =	vperm.xlane v18, v10;
	v59 =	vadd.s32 v3, v58;
	s12 =	simm.s32 $0x6D00  }
0x508: {  	[tilespmem:s12], [sflag:$0x2] =	stream.indirect_vreg.gather [hbm4b:s3+s2], $0x80, v19, vm0, $0xb8;
	[tilespmem:$0x15200] =	vst v63  }
0x509: {  	v61 =	vperm.xlane v18, v11;
	s13 =	simm.s32 $0x6D80;
	v19 =	vadd.s32 v3, v60  }
0x50a: {  	[tilespmem:s13], [sflag:$0x2] =	stream.indirect_vreg.gather [hbm4b:s3+s2], $0x80, v20, vm0, $0xb8;
	[tilespmem:$0x15200] =	vst v63  }
0x50b: {  	v62 =	vperm.xlane v18, v12;
	s12 =	simm.s32 $0x6E00;
	v20 =	vadd.s32 v3, v61  }
0x50c: {  	[tilespmem:s12], [sflag:$0x2] =	stream.indirect_vreg.gather [hbm4b:s3+s2], $0x80, v59, vm0, $0xb8;
	[tilespmem:$0x15200] =	vst v63  }
0x50d: {  	v24 =	vperm.xlane v18, v13;
	v63 =	vadd.s32 v3, v62;
	s13 =	simm.s32 $0x6E80  }
0x50e: {  	[tilespmem:s13], [sflag:$0x2] =	stream.indirect_vreg.gather [hbm4b:s3+s2], $0x80, v19, vm0, $0xb8;
	[tilespmem:$0x15200] =	vst v63  }
0x50f: {  	v25 =	vperm.xlane v18, v14;
	s12 =	simm.s32 $0x6F00;
	v19 =	vadd.s32 v3, v24  }
0x510: {  	[tilespmem:s12], [sflag:$0x2] =	stream.indirect_vreg.gather [hbm4b:s3+s2], $0x80, v20, vm0, $0xb8;
	[tilespmem:$0x15200] =	vst v63  }
0x511: {  	v26 =	vperm.xlane v18, v15;
	s13 =	simm.s32 $0x6F80;
	v20 =	vadd.s32 v3, v25  }
0x512: {  	[tilespmem:s13], [sflag:$0x2] =	stream.indirect_vreg.gather [hbm4b:s3+s2], $0x80, v63, vm0, $0xb8;
	[tilespmem:$0x15200] =	vst v63  }
0x513: {  	v18 =	vperm.xlane v18, v16;
	v27 =	vadd.s32 v3, v26;
	s12 =	simm.s32 $0x7000  }
0x514: {  	[tilespmem:s12], [sflag:$0x2] =	stream.indirect_vreg.gather [hbm4b:s3+s2], $0x80, v19, vm0, $0xb8;
	[tilespmem:$0x15200] =	vst v63  }
0x515: {  	v18 =	vadd.s32 v3, v18;
	s13 =	simm.s32 $0x7080  }
0x516: {  	[tilespmem:s13], [sflag:$0x2] =	stream.indirect_vreg.gather [hbm4b:s3+s2], $0x80, v20, vm0, $0xb8;
	[tilespmem:$0x15200] =	vst v63  }
0x517: {  	s12 =	simm.s32 $0x7100  }
0x518: {  	[tilespmem:s12], [sflag:$0x2] =	stream.indirect_vreg.gather [hbm4b:s3+s2], $0x80, v27, vm0, $0xb8;
	[tilespmem:$0x15200] =	vst v63  }
0x519: {  	s13 =	simm.s32 $0x7180  }
0x51a: {  	[tilespmem:s13], [sflag:$0x2] =	stream.indirect_vreg.gather [hbm4b:s3+s2], $0x80, v18, vm0, $0xb8;
	[tilespmem:$0x15200] =	vst v63  }
0x51b: {  	v18 =	vld [tilespmem:$0x1E0];
	_ =	sdelay $0x4  }
0x51c: {  	v19 =	vshll.u32 v18, $0x1  }
0x51d: {  	v18 =	vand.u32 $0x7, v18;
	v19 =	vand.u32 $0xFFFFFFF0, v19  }
0x51e: {  	v18 =	vor.u32 v18, v19  }
0x51f: {  	v19 =	vperm.xlane v18, v2;
	_ =	sdelay $0x1  }
0x520: {  	v20 =	vperm.xlane v18, v1;
	v19 =	vadd.s32 v3, v19;
	_ =	sdelay $0x1  }
0x521: {  	v28 =	vperm.xlane v18, v4;
	v20 =	vadd.s32 v3, v20;
	_ =	sdelay $0x1  }
0x522: {  	s12 =	simm.s32 $0x7200;
	v29 =	vperm.xlane v18, v5;
	v21 =	vadd.s32 v3, v28  }
0x523: {  	[tilespmem:s12], [sflag:$0x2] =	stream.indirect_vreg.gather [hbm4b:s3+s2], $0x80, v19, vm0, $0xb8;
	[tilespmem:$0x15200] =	vst v63  }
0x524: {  	s13 =	simm.s32 $0x7280;
	v30 =	vperm.xlane v18, v6;
	v19 =	vadd.s32 v3, v29  }
0x525: {  	[tilespmem:s13], [sflag:$0x2] =	stream.indirect_vreg.gather [hbm4b:s3+s2], $0x80, v20, vm0, $0xb8;
	[tilespmem:$0x15200] =	vst v63  }
0x526: {  	v31 =	vperm.xlane v18, v7;
	s12 =	simm.s32 $0x7300;
	v20 =	vadd.s32 v3, v30  }
0x527: {  	[tilespmem:s12], [sflag:$0x2] =	stream.indirect_vreg.gather [hbm4b:s3+s2], $0x80, v21, vm0, $0xb8;
	[tilespmem:$0x15200] =	vst v63  }
0x528: {  	v33 =	vperm.xlane v18, v8;
	v32 =	vadd.s32 v3, v31;
	s13 =	simm.s32 $0x7380  }
0x529: {  	[tilespmem:s13], [sflag:$0x2] =	stream.indirect_vreg.gather [hbm4b:s3+s2], $0x80, v19, vm0, $0xb8;
	[tilespmem:$0x15200] =	vst v63  }
0x52a: {  	v34 =	vperm.xlane v18, v0;
	s12 =	simm.s32 $0x7400;
	v19 =	vadd.s32 v3, v33  }
0x52b: {  	[tilespmem:s12], [sflag:$0x2] =	stream.indirect_vreg.gather [hbm4b:s3+s2], $0x80, v20, vm0, $0xb8;
	[tilespmem:$0x15200] =	vst v63  }
0x52c: {  	v35 =	vperm.xlane v18, v9;
	s13 =	simm.s32 $0x7480;
	v20 =	vadd.s32 v3, v34  }
0x52d: {  	[tilespmem:s13], [sflag:$0x2] =	stream.indirect_vreg.gather [hbm4b:s3+s2], $0x80, v32, vm0, $0xb8;
	[tilespmem:$0x15200] =	vst v63  }
0x52e: {  	v37 =	vperm.xlane v18, v10;
	v36 =	vadd.s32 v3, v35;
	s12 =	simm.s32 $0x7500  }
0x52f: {  	[tilespmem:s12], [sflag:$0x2] =	stream.indirect_vreg.gather [hbm4b:s3+s2], $0x80, v19, vm0, $0xb8;
	[tilespmem:$0x15200] =	vst v63  }
0x530: {  	v38 =	vperm.xlane v18, v11;
	s13 =	simm.s32 $0x7580;
	v19 =	vadd.s32 v3, v37  }
0x531: {  	[tilespmem:s13], [sflag:$0x2] =	stream.indirect_vreg.gather [hbm4b:s3+s2], $0x80, v20, vm0, $0xb8;
	[tilespmem:$0x15200] =	vst v63  }
0x532: {  	v39 =	vperm.xlane v18, v12;
	s12 =	simm.s32 $0x7600;
	v20 =	vadd.s32 v3, v38  }
0x533: {  	[tilespmem:s12], [sflag:$0x2] =	stream.indirect_vreg.gather [hbm4b:s3+s2], $0x80, v36, vm0, $0xb8;
	[tilespmem:$0x15200] =	vst v63  }
0x534: {  	v41 =	vperm.xlane v18, v13;
	v40 =	vadd.s32 v3, v39;
	s13 =	simm.s32 $0x7680  }
0x535: {  	[tilespmem:s13], [sflag:$0x2] =	stream.indirect_vreg.gather [hbm4b:s3+s2], $0x80, v19, vm0, $0xb8;
	[tilespmem:$0x15200] =	vst v63  }
0x536: {  	v42 =	vperm.xlane v18, v14;
	s12 =	simm.s32 $0x7700;
	v19 =	vadd.s32 v3, v41  }
0x537: {  	[tilespmem:s12], [sflag:$0x2] =	stream.indirect_vreg.gather [hbm4b:s3+s2], $0x80, v20, vm0, $0xb8;
	[tilespmem:$0x15200] =	vst v63  }
0x538: {  	v43 =	vperm.xlane v18, v15;
	s13 =	simm.s32 $0x7780;
	v20 =	vadd.s32 v3, v42  }
0x539: {  	[tilespmem:s13], [sflag:$0x2] =	stream.indirect_vreg.gather [hbm4b:s3+s2], $0x80, v40, vm0, $0xb8;
	[tilespmem:$0x15200] =	vst v63  }
0x53a: {  	v18 =	vperm.xlane v18, v16;
	v44 =	vadd.s32 v3, v43;
	s12 =	simm.s32 $0x7800  }
0x53b: {  	[tilespmem:s12], [sflag:$0x2] =	stream.indirect_vreg.gather [hbm4b:s3+s2], $0x80, v19, vm0, $0xb8;
	[tilespmem:$0x15200] =	vst v63  }
0x53c: {  	v18 =	vadd.s32 v3, v18;
	s13 =	simm.s32 $0x7880  }
0x53d: {  	[tilespmem:s13], [sflag:$0x2] =	stream.indirect_vreg.gather [hbm4b:s3+s2], $0x80, v20, vm0, $0xb8;
	[tilespmem:$0x15200] =	vst v63  }
0x53e: {  	s12 =	simm.s32 $0x7900  }
0x53f: {  	[tilespmem:s12], [sflag:$0x2] =	stream.indirect_vreg.gather [hbm4b:s3+s2], $0x80, v44, vm0, $0xb8;
	[tilespmem:$0x15200] =	vst v63  }
0x540: {  	s13 =	simm.s32 $0x7980  }
0x541: {  	[tilespmem:s13], [sflag:$0x2] =	stream.indirect_vreg.gather [hbm4b:s3+s2], $0x80, v18, vm0, $0xb8;
	[tilespmem:$0x15200] =	vst v63  }
0x542: {  	v18 =	vld [tilespmem:$0x1F0];
	_ =	sdelay $0x4  }
0x543: {  	v19 =	vshll.u32 v18, $0x1  }
0x544: {  	v18 =	vand.u32 $0x7, v18;
	v19 =	vand.u32 $0xFFFFFFF0, v19  }
0x545: {  	v18 =	vor.u32 v18, v19  }
0x546: {  	v19 =	vperm.xlane v18, v2;
	_ =	sdelay $0x1  }
0x547: {  	v20 =	vperm.xlane v18, v1;
	v19 =	vadd.s32 v3, v19;
	_ =	sdelay $0x1  }
0x548: {  	v45 =	vperm.xlane v18, v4;
	v20 =	vadd.s32 v3, v20;
	_ =	sdelay $0x1  }
0x549: {  	s12 =	simm.s32 $0x7A00;
	v46 =	vperm.xlane v18, v5;
	v21 =	vadd.s32 v3, v45  }
0x54a: {  	[tilespmem:s12], [sflag:$0x2] =	stream.indirect_vreg.gather [hbm4b:s3+s2], $0x80, v19, vm0, $0xb8;
	[tilespmem:$0x15200] =	vst v63  }
0x54b: {  	s13 =	simm.s32 $0x7A80;
	v47 =	vperm.xlane v18, v6;
	v19 =	vadd.s32 v3, v46  }
0x54c: {  	[tilespmem:s13], [sflag:$0x2] =	stream.indirect_vreg.gather [hbm4b:s3+s2], $0x80, v20, vm0, $0xb8;
	[tilespmem:$0x15200] =	vst v63  }
0x54d: {  	v48 =	vperm.xlane v18, v7;
	s12 =	simm.s32 $0x7B00;
	v20 =	vadd.s32 v3, v47  }
0x54e: {  	[tilespmem:s12], [sflag:$0x2] =	stream.indirect_vreg.gather [hbm4b:s3+s2], $0x80, v21, vm0, $0xb8;
	[tilespmem:$0x15200] =	vst v63  }
0x54f: {  	v50 =	vperm.xlane v18, v8;
	v49 =	vadd.s32 v3, v48;
	s13 =	simm.s32 $0x7B80  }
0x550: {  	[tilespmem:s13], [sflag:$0x2] =	stream.indirect_vreg.gather [hbm4b:s3+s2], $0x80, v19, vm0, $0xb8;
	[tilespmem:$0x15200] =	vst v63  }
0x551: {  	v51 =	vperm.xlane v18, v0;
	v19 =	vadd.s32 v3, v50  }
0x552: {  	[tilespmem:s30], [sflag:$0x2] =	stream.indirect_vreg.gather [hbm4b:s3+s2], $0x80, v20, vm0, $0xb8;
	[tilespmem:$0x15200] =	vst v63  }
0x553: {  	v52 =	vperm.xlane v18, v9;
	v20 =	vadd.s32 v3, v51  }
0x554: {  	[tilespmem:s31], [sflag:$0x2] =	stream.indirect_vreg.gather [hbm4b:s3+s2], $0x80, v49, vm0, $0xb8;
	[tilespmem:$0x15200] =	vst v63  }
0x555: {  	v54 =	vperm.xlane v18, v10;
	v53 =	vadd.s32 v3, v52  }
0x556: {  	[tilespmem:s18], [sflag:$0x2] =	stream.indirect_vreg.gather [hbm4b:s3+s2], $0x80, v19, vm0, $0xb8;
	[tilespmem:$0x15200] =	vst v63  }
0x557: {  	v55 =	vperm.xlane v18, v11;
	v19 =	vadd.s32 v3, v54  }
0x558: {  	[tilespmem:s8], [sflag:$0x2] =	stream.indirect_vreg.gather [hbm4b:s3+s2], $0x80, v20, vm0, $0xb8;
	[tilespmem:$0x15200] =	vst v63  }
0x559: {  	v56 =	vperm.xlane v18, v12;
	v20 =	vadd.s32 v3, v55  }
0x55a: {  	[tilespmem:s29], [sflag:$0x2] =	stream.indirect_vreg.gather [hbm4b:s3+s2], $0x80, v53, vm0, $0xb8;
	[tilespmem:$0x15200] =	vst v63  }
0x55b: {  	v58 =	vperm.xlane v18, v13;
	v57 =	vadd.s32 v3, v56  }
0x55c: {  	[tilespmem:s28], [sflag:$0x2] =	stream.indirect_vreg.gather [hbm4b:s3+s2], $0x80, v19, vm0, $0xb8;
	[tilespmem:$0x15200] =	vst v63  }
0x55d: {  	v59 =	vperm.xlane v18, v14;
	v19 =	vadd.s32 v3, v58  }
0x55e: {  	[tilespmem:s25], [sflag:$0x2] =	stream.indirect_vreg.gather [hbm4b:s3+s2], $0x80, v20, vm0, $0xb8;
	[tilespmem:$0x15200] =	vst v63  }
0x55f: {  	v60 =	vperm.xlane v18, v15;
	v20 =	vadd.s32 v3, v59  }
0x560: {  	[tilespmem:s24], [sflag:$0x2] =	stream.indirect_vreg.gather [hbm4b:s3+s2], $0x80, v57, vm0, $0xb8;
	[tilespmem:$0x15200] =	vst v63  }
0x561: {  	v18 =	vperm.xlane v18, v16;
	v61 =	vadd.s32 v3, v60  }
0x562: {  	[tilespmem:s23], [sflag:$0x2] =	stream.indirect_vreg.gather [hbm4b:s3+s2], $0x80, v19, vm0, $0xb8;
	[tilespmem:$0x15200] =	vst v63  }
0x563: {  	v18 =	vadd.s32 v3, v18  }
0x564: {  	[tilespmem:s21], [sflag:$0x2] =	stream.indirect_vreg.gather [hbm4b:s3+s2], $0x80, v20, vm0, $0xb8;
	[tilespmem:$0x15200] =	vst v63  }
0x565: {  	_ = 	snop  }
0x566: {  	[tilespmem:s22], [sflag:$0x2] =	stream.indirect_vreg.gather [hbm4b:s3+s2], $0x80, v61, vm0, $0xb8;
	[tilespmem:$0x15200] =	vst v63  }
0x567: {  	_ = 	snop  }
0x568: {  	[tilespmem:s7], [sflag:$0x2] =	stream.indirect_vreg.gather [hbm4b:s3+s2], $0x80, v18, vm0, $0xb8;
	[tilespmem:$0x15200] =	vst v63  }
0x569: {  	s12 =	simm.s32 $0x180  }
0x56a: {  	[tilespmem:s20], [sflag:$0x4] =	stream.indirect.gather [hbm4b:s4+s15], $0x80, s12, s15, $0xb8;
	[tilespmem:$0x15200] =	vst v63  }
0x56b: {  	_ =	swait.ge [sflag:s6], $0x4000  }
0x56c: {  	[sflag:s6] =	ssyncset.done $0x0  }
0x56d: {  	[sflag:s6] =	ssyncadd.s32 $0xFFFFC000  }
0x56e: {  	_ =	swait.ge [sflag:s5], $0x4000  }
0x56f: {  	[sflag:s5] =	ssyncset.done $0x0  }
0x570: {  	s13 =	simm.s32 $0x1400;
	s12 =	simm.s32 $0x11600;
	[sflag:s5] =	ssyncadd.s32 $0xFFFFC000  }
0x571: {  	v18 =	vmov s13;
	v19 =	vld [tilespmem:s12+$0x0]  }
0x572: {  	v18 =	vmul.u32 $0xCCCD, v18;
	_ =	sdelay $0x1  }
0x573: {  	v18 =	vbroadcast v18, $0x0;
	_ =	sdelay $0x1  }
0x574: {  	v18 =	vadd.s32 v17, v18;
	v20 =	vadd.s32 $0xFFFFFF80, v19  }
0x575: {  	v18 =	vshrl.u32 v18, $0xD;
	vm1 =	vgt.s32 v20, $0x0  }
0x576: {  	v18 =	vand.u32 $0x7FF80, v18;
	v20 =	vnsel vm1, $0x0, v20  }
0x577: {  	v18 =	vadd.s32 $0xFFFF8000, v18;
	v62 =	vand.u32 $0x7F, v19;
	v63 =	vand.u32 $0x7FFFFF80, v20  }
0x578: {  	v21 =	vor.u32 v18, v62;
	v20 =	vand.u32 $0x7F, v20;
	v18 =	vadd.s32 v18, v63  }
0x579: {  	v18 =	vor.u32 v20, v18;
	_ =	sdelay $0x3  }
0x57a: {  	v20 =	vld.idx.msk [tilespmem:v21+s10+$0x0], $0xffff  }
0x57b: {  	v18 =	vld.idx.msk [tilespmem:v18+s16+$0x0], $0xffff;
	_ =	sdelay $0x3  }
0x57c: {  	vm1 =	vlt.s32 v19, $0x80  }
0x57d: {  	s11 =	simm.s32 $0x13E00;
	v18 =	vsel vm1, v20, v18  }
0x57e: {  	s13 =	simm.s32 $0x1410;
	s12 =	simm.s32 $0x11610;
	[tilespmem:s11+$0x0] =	vst v18  }
0x57f: {  	v19 =	vmov s13;
	s13 =	simm.s32 $0x1420;
	v18 =	vld [tilespmem:s12+$0x0]  }
.LBB2_6:
0x580: {  	p0 =	sne.s32 s13, $0x1DF0;
	v19 =	vmul.u32 $0xCCCD, v19;
	_ =	sdelay $0x1  }
0x581: {  	v19 =	vbroadcast v19, $0x0;
	_ =	sdelay $0x1  }
0x582: {  	v19 =	vadd.s32 v17, v19;
	v20 =	vadd.s32 $0xFFFFFF80, v18  }
0x583: {  	v19 =	vshrl.u32 v19, $0xD;
	vm1 =	vgt.s32 v20, $0x0  }
0x584: {  	v19 =	vand.u32 $0x7FF80, v19;
	v20 =	vnsel vm1, $0x0, v20  }
0x585: {  	v21 =	vand.u32 $0x7F, v18;
	v19 =	vadd.s32 $0xFFFF8000, v19;
	v22 =	vand.u32 $0x7FFFFF80, v20  }
0x586: {  	v20 =	vand.u32 $0x7F, v20;
	v21 =	vor.u32 v19, v21;
	v19 =	vadd.s32 v19, v22  }
0x587: {  	v19 =	vor.u32 v20, v19;
	_ =	sdelay $0x3  }
0x588: {  	v20 =	vld.idx.msk [tilespmem:v21+s10+$0x0], $0xffff  }
0x589: {  	v19 =	vld.idx.msk [tilespmem:v19+s16+$0x0], $0xffff;
	_ =	sdelay $0x3  }
.Ltmp2:
0x58a: {  	(pc) =	sbr.rel @p0 .LBB2_6-.Ltmp2, $4  }
0x58b: {  	vm1 =	vlt.s32 v18, $0x80  }
0x58c: {  	s11 =	sadd.s32 $0x10, s11;
	v18 =	vsel vm1, v20, v19  }
0x58d: {  	s12 =	sadd.s32 $0x10, s12;
	[tilespmem:s11+$0x0] =	vst v18  }
0x58e: {  	v19 =	vmov s13;
	s13 =	sadd.s32 $0x10, s13;
	v18 =	vld [tilespmem:s12+$0x0]  }
0x58f: {  	v19 =	vmul.u32 $0xCCCD, v19;
	_ =	sdelay $0x1  }
0x590: {  	v19 =	vbroadcast v19, $0x0;
	_ =	sdelay $0x1  }
0x591: {  	v19 =	vadd.s32 v17, v19;
	v20 =	vadd.s32 $0xFFFFFF80, v18  }
0x592: {  	v19 =	vshrl.u32 v19, $0xD;
	vm1 =	vgt.s32 v20, $0x0  }
0x593: {  	v19 =	vand.u32 $0x7FF80, v19;
	v20 =	vnsel vm1, $0x0, v20  }
0x594: {  	v21 =	vand.u32 $0x7F, v18;
	v19 =	vadd.s32 $0xFFFF8000, v19;
	v22 =	vand.u32 $0x7FFFFF80, v20  }
0x595: {  	v20 =	vand.u32 $0x7F, v20;
	v21 =	vor.u32 v19, v21;
	v19 =	vadd.s32 v19, v22  }
0x596: {  	v19 =	vor.u32 v20, v19;
	_ =	sdelay $0x3  }
0x597: {  	v20 =	vld.idx.msk [tilespmem:v21+s10+$0x0], $0xffff  }
0x598: {  	v19 =	vld.idx.msk [tilespmem:v19+s16+$0x0], $0xffff;
	_ =	sdelay $0x3  }
0x599: {  	vm1 =	vlt.s32 v18, $0x80  }
0x59a: {  	s11 =	sadd.s32 $0x10, s11;
	v18 =	vsel vm1, v20, v19  }
0x59b: {  	[tilespmem:s11+$0x0] =	vst v18  }
0x59c: {  	_ =	swait.ge [sflag:s19], $0x4000  }
0x59d: {  	[sflag:s19] =	ssyncset.done $0x0  }
0x59e: {  	[sflag:s19] =	ssyncadd.s32 $0xFFFFC000  }
0x59f: {  	_ =	swait.ge [sflag:s0], $0x4000  }
0x5a0: {  	[sflag:s0] =	ssyncset.done $0x0  }
0x5a1: {  	s13 =	simm.s32 $0x1E00;
	s12 =	simm.s32 $0x12000;
	[sflag:s0] =	ssyncadd.s32 $0xFFFFC000  }
0x5a2: {  	v18 =	vmov s13;
	v19 =	vld [tilespmem:s12+$0x0]  }
0x5a3: {  	v18 =	vmul.u32 $0xCCCD, v18;
	_ =	sdelay $0x1  }
0x5a4: {  	v18 =	vbroadcast v18, $0x0;
	_ =	sdelay $0x1  }
0x5a5: {  	v18 =	vadd.s32 v17, v18;
	v20 =	vadd.s32 $0xFFFFFF80, v19  }
0x5a6: {  	v18 =	vshrl.u32 v18, $0xD;
	vm1 =	vgt.s32 v20, $0x0  }
0x5a7: {  	v18 =	vand.u32 $0x7FF80, v18;
	v20 =	vnsel vm1, $0x0, v20  }
0x5a8: {  	v18 =	vadd.s32 $0xFFFF4000, v18;
	v62 =	vand.u32 $0x7F, v19;
	v63 =	vand.u32 $0x7FFFFF80, v20  }
0x5a9: {  	v21 =	vor.u32 v18, v62;
	v20 =	vand.u32 $0x7F, v20;
	v18 =	vadd.s32 v18, v63  }
0x5aa: {  	v18 =	vor.u32 v20, v18;
	_ =	sdelay $0x3  }
0x5ab: {  	v20 =	vld.idx.msk [tilespmem:v21+s17+$0x0], $0xffff  }
0x5ac: {  	v18 =	vld.idx.msk [tilespmem:v18+s20+$0x0], $0xffff;
	_ =	sdelay $0x3  }
0x5ad: {  	vm1 =	vlt.s32 v19, $0x80  }
0x5ae: {  	s11 =	simm.s32 $0x14800;
	v18 =	vsel vm1, v20, v18  }
0x5af: {  	s13 =	simm.s32 $0x1E10;
	s12 =	simm.s32 $0x12010;
	[tilespmem:s11+$0x0] =	vst v18  }
0x5b0: {  	v19 =	vmov s13;
	s13 =	simm.s32 $0x1E20;
	v18 =	vld [tilespmem:s12+$0x0]  }
.LBB2_8:
0x5b1: {  	p0 =	sne.s32 s13, $0x27F0;
	v19 =	vmul.u32 $0xCCCD, v19;
	_ =	sdelay $0x1  }
0x5b2: {  	v19 =	vbroadcast v19, $0x0;
	_ =	sdelay $0x1  }
0x5b3: {  	v19 =	vadd.s32 v17, v19;
	v20 =	vadd.s32 $0xFFFFFF80, v18  }
0x5b4: {  	v19 =	vshrl.u32 v19, $0xD;
	vm1 =	vgt.s32 v20, $0x0  }
0x5b5: {  	v19 =	vand.u32 $0x7FF80, v19;
	v20 =	vnsel vm1, $0x0, v20  }
0x5b6: {  	v21 =	vand.u32 $0x7F, v18;
	v19 =	vadd.s32 $0xFFFF4000, v19;
	v22 =	vand.u32 $0x7FFFFF80, v20  }
0x5b7: {  	v20 =	vand.u32 $0x7F, v20;
	v21 =	vor.u32 v19, v21;
	v19 =	vadd.s32 v19, v22  }
0x5b8: {  	v19 =	vor.u32 v20, v19;
	_ =	sdelay $0x3  }
0x5b9: {  	v20 =	vld.idx.msk [tilespmem:v21+s17+$0x0], $0xffff  }
0x5ba: {  	v19 =	vld.idx.msk [tilespmem:v19+s20+$0x0], $0xffff;
	_ =	sdelay $0x3  }
.Ltmp3:
0x5bb: {  	(pc) =	sbr.rel @p0 .LBB2_8-.Ltmp3, $4  }
0x5bc: {  	vm1 =	vlt.s32 v18, $0x80  }
0x5bd: {  	s11 =	sadd.s32 $0x10, s11;
	v18 =	vsel vm1, v20, v19  }
0x5be: {  	s12 =	sadd.s32 $0x10, s12;
	[tilespmem:s11+$0x0] =	vst v18  }
0x5bf: {  	v19 =	vmov s13;
	s13 =	sadd.s32 $0x10, s13;
	v18 =	vld [tilespmem:s12+$0x0]  }
0x5c0: {  	v19 =	vmul.u32 $0xCCCD, v19;
	_ =	sdelay $0x1  }
0x5c1: {  	v19 =	vbroadcast v19, $0x0;
	_ =	sdelay $0x1  }
0x5c2: {  	v19 =	vadd.s32 v17, v19;
	v20 =	vadd.s32 $0xFFFFFF80, v18  }
0x5c3: {  	v19 =	vshrl.u32 v19, $0xD;
	vm1 =	vgt.s32 v20, $0x0  }
0x5c4: {  	v19 =	vand.u32 $0x7FF80, v19;
	v20 =	vnsel vm1, $0x0, v20  }
0x5c5: {  	v21 =	vand.u32 $0x7F, v18;
	v19 =	vadd.s32 $0xFFFF4000, v19;
	v22 =	vand.u32 $0x7FFFFF80, v20  }
0x5c6: {  	v20 =	vand.u32 $0x7F, v20;
	v21 =	vor.u32 v19, v21;
	v19 =	vadd.s32 v19, v22  }
0x5c7: {  	v19 =	vor.u32 v20, v19;
	_ =	sdelay $0x3  }
0x5c8: {  	v63 =	vld.idx.msk [tilespmem:v21+s17+$0x0], $0xffff  }
0x5c9: {  	v19 =	vld.idx.msk [tilespmem:v19+s20+$0x0], $0xffff;
	_ =	sdelay $0x3  }
0x5ca: {  	vm1 =	vlt.s32 v18, $0x80  }
0x5cb: {  	s11 =	sadd.s32 $0x10, s11;
	v18 =	vsel vm1, v63, v19  }
0x5cc: {  	s12 =	rddreg [dreg:$0x6];
	[tilespmem:s11+$0x0] =	vst v18  }
0x5cd: {  	[hbm4b:s12+s2] =	stream.linear.scatter [tilespmem:s1], [sflag:$0x5], $0x2800, $0x38;
	[tilespmem:$0x15200] =	vst v63  }
0x5ce: {  	_ =	swait.ge [sflag:s9], $0x2800  }
0x5cf: {  	s26 =	sadd.s32 $0x1, s26;
	s13 =	rddreg [dreg:$0x7]  }
0x5d0: {  	p0 =	sne.s32 s26, s13  }
.Ltmp4:
0x5d1: {  	_ = 	snop;
	(pc) =	sbr.rel @p0 .LBB2_1-.Ltmp4, $3  }
0x5d2: {  	_ =	sdelay $0x1  }
0x5d3: {  	[sflag:s9] =	ssyncset.done $0x0  }
0x5d4: {  	[sflag:s9] =	ssyncadd.s32 $0xFFFFD800  }
0x5d5: {  	_ =	sfence.sel $0x180000  }
0x5d6: {  	[bflag:$0x0] =	sbarrier.arrive $0xFFFF  }
0x5d7: {  	_ =	strace $0x90000047  }
0x5d8: {  	s0 =	stileid.u32;
	[bflag:$0x2] =	sbarrier.arrive $0xFFFF  }
0x5d9: {  	p0 =	sne.s32 s0, $0x0;
	s0 =	rddreg [dreg:$0x3]  }
0x5da: {  	s0 =	sadd.s32 @!p0 $0x100000, s0  }
0x5db: {  	[sflag:s0] =	ssyncadd.tile.s32 @!p0 $0x1;
	_ =	shalt  }
.Lfunc_end2:
_tile_overlayer_lowered:
.L_overlay_start_2:
0x5dc: {  	(tag) =	ssettag $0x2  }
0x5dd: {  	s0 =	rddreg [dreg:$0x0];
	s2 =	stileid.u32  }
0x5de: {  	s1 =	rddreg [dreg:$0x1];
	p0 =	sne.s32 s2, $0x0  }
0x5df: {  	s3 =	rddreg [dreg:$0x2];
	[bflag:$0x3] =	sbarrier.arrive $0xFFFF;
	s2 =	simm.s32 @!p0 $0x1C05  }
0x5e0: {  	[timem:s3], [sflag:s2] =	dma.local @!p0 [hbm:s0], s1  }
0x5e1: {  	s0 =	simm.s32 @!p0 $0x5  }
0x5e2: {  	_ =	swait.ge @!p0 [sflag:s0], s1  }
0x5e3: {  	s1 =	ssub.s32 @!p0 $0x0, s1;
	[sflag:s0] =	ssyncset.done @!p0 $0x0  }
0x5e4: {  	[sflag:s0] =	ssyncadd.s32 @!p0 s1  }
0x5e5: {  	[bflag:$0x3] =	sbarrier.arrive $0xFFFF  }
0x5e6: {  	_ =	shalt  }

</sc_bundles>
